<compile_context>
chip_gen: v7x
topology: tpu7x:2x2x1
jax: 0.10.2.dev20260603
libtpu: 0.0.44.dev20260713+nightly
codegen_flags: <defaults>
</compile_context>

<pallas_src>
import functools

import jax
import jax.numpy as jnp
from jax import lax
from jax.experimental import pallas as pl
from jax.experimental.pallas import tpu as pltpu
from jax.experimental.pallas import tpu_sc as plsc

B = 16384
L = 50
VOCAB = 256
DIM = 256

_NC, _NS = 2, 16
_NW = _NC * _NS
_RPW = B // _NW
_SUB = 128
_NSUB = _RPW // _SUB
_GRP = _SUB // 16


def _sc_body(idx_hbm, psw_hbm, coeff_hbm, idx_v, psw_v, acc0, acc1, sems):
    wid = lax.axis_index("s") * _NC + lax.axis_index("c")
    base = wid * _RPW
    lane = lax.iota(jnp.int32, 16)
    zeros16 = jnp.zeros((16,), jnp.float32)

    in_idx = pltpu.async_copy(idx_hbm.at[:, pl.ds(base, _RPW)], idx_v, sems.at[2])
    in_psw = pltpu.async_copy(psw_hbm.at[:, pl.ds(base, _RPW)], psw_v, sems.at[3])

    accs = (acc0, acc1)

    def _zero_acc(acc_v):
        @plsc.parallel_loop(0, _SUB, step=2)
        def _zero(r):
            for rr in range(2):
                for k in range(VOCAB // 16):
                    acc_v[r + rr, pl.ds(k * 16, 16)] = zeros16

    _zero_acc(acc0)
    _zero_acc(acc1)
    in_idx.wait()
    in_psw.wait()

    copies = [None, None]
    for sub in range(_NSUB):
        acc_v = accs[sub % 2]
        if sub >= 2:
            copies[sub % 2].wait()
            _zero_acc(acc_v)

        @plsc.parallel_loop(0, L, unroll=5)
        def _scatter(l):
            for g in range(_GRP):
                s0 = sub * _SUB + g * 16
                ivals = idx_v[l, pl.ds(s0, 16)]
                pvals = psw_v[l, pl.ds(s0, 16)]
                rows = lane + g * 16
                plsc.addupdate_scatter(acc_v, [rows, ivals], pvals)

        copies[sub % 2] = pltpu.async_copy(
            acc_v,
            coeff_hbm.at[pl.ds(base + sub * _SUB, _SUB)],
            sems.at[sub % 2],
        )
    for c in copies:
        if c is not None:
            c.wait()


_sc_coeff = functools.partial(
    pl.kernel,
    out_type=jax.ShapeDtypeStruct((B, VOCAB), jnp.float32),
    mesh=plsc.VectorSubcoreMesh(
        core_axis_name="c", subcore_axis_name="s", num_cores=_NC, num_subcores=_NS
    ),
    scratch_types=[
        pltpu.VMEM((L, _RPW), jnp.int32),
        pltpu.VMEM((L, _RPW), jnp.float32),
        pltpu.VMEM((_SUB, VOCAB), jnp.float32),
        pltpu.VMEM((_SUB, VOCAB), jnp.float32),
        pltpu.SemaphoreType.DMA((4,)),
    ],
    compiler_params=pltpu.CompilerParams(needs_layout_passes=False),
)(_sc_body)

_MBLK = 8192


def _mm_body(c_ref, w_ref, o_ref):
    cb = c_ref[...].astype(jnp.bfloat16)
    wb = w_ref[...].astype(jnp.bfloat16)
    o_ref[...] = jnp.dot(cb, wb, preferred_element_type=jnp.float32)


def _tc_matmul(coeff, weight):
    return pl.pallas_call(
        _mm_body,
        grid=(B // _MBLK,),
        in_specs=[
            pl.BlockSpec((_MBLK, VOCAB), lambda i: (i, 0)),
            pl.BlockSpec((VOCAB, DIM), lambda i: (0, 0)),
        ],
        out_specs=pl.BlockSpec((_MBLK, DIM), lambda i: (i, 0)),
        out_shape=jax.ShapeDtypeStruct((B, DIM), jnp.float32),
    )(coeff, weight)


def kernel(indices, per_sample_weights, weight):
    idx_t = indices.astype(jnp.int32).T
    psw_t = per_sample_weights.T
    coeff = _sc_coeff(idx_t, psw_t)
    return _tc_matmul(coeff, weight)

# --- scband reference (transcript-rebuilt; emitter-appended) ---
"""Pipeline reference for scband-my-model-61933428409673 (READ-ONLY COPY).

The authoritative reference and input builder live on the scoring server;
editing this copy changes nothing except your own understanding.
"""

import jax, jax.numpy as jnp
import numpy as np

B = 16384
L = 50
VOCAB = 256
DIM = 256

def setup_inputs(seed: int = 0) -> dict:
    key = jax.random.key(seed)
    k1, k2, k3 = jax.random.split(key, 3)
    indices = jax.random.randint(k1, (B, L), 0, VOCAB, dtype=jnp.int64 if jax.config.jax_enable_x64 else jnp.int32)
    per_sample_weights = jax.random.normal(k2, (B, L), dtype=jnp.float32)
    # nn.EmbeddingBag weight init: N(0, 1)
    weight = jax.random.normal(k3, (VOCAB, DIM), dtype=jnp.float32)
    return {"indices": indices, "per_sample_weights": per_sample_weights, "weight": weight}

def reference(indices, per_sample_weights, weight):
    # EmbeddingBag(mode='sum') with 2D indices: per-row weighted sum of embeddings
    emb = jnp.take(weight, indices, axis=0)               # [B, L, DIM]
    out = jnp.sum(emb * per_sample_weights[..., None], axis=1)  # [B, DIM]
    return out

if __name__ == "__main__":
    import jax
    _d = setup_inputs()
    print(jax.jit(kernel)(*tuple(_d.values())))

</pallas_src>

<mosaic_0001>
#map = affine_map<(d0, d1) -> (0, 0)>
module attributes {stable_mosaic.version = 14 : i64} {
  func.func @_sc_body(%arg0: i32, %arg1: i32, %arg2: memref<50x16384xi32, #tpu.memory_space<hbm>>, %arg3: memref<50x16384xf32, #tpu.memory_space<hbm>>, %arg4: memref<16384x256xf32, #tpu.memory_space<hbm>>, %arg5: memref<50x512xi32, #tpu.memory_space<vmem>>, %arg6: memref<50x512xf32, #tpu.memory_space<vmem>>, %arg7: memref<128x256xf32, #tpu.memory_space<vmem>>, %arg8: memref<128x256xf32, #tpu.memory_space<vmem>>, %arg9: memref<4x!tpu.dma_semaphore, #tpu.memory_space<semaphore_mem>>) attributes {dimension_semantics = [#tpu.dimension_semantics<core_parallel>, #tpu.dimension_semantics<subcore_parallel>], iteration_bounds = array<i64: 2, 16>, scalar_prefetch = 0 : i64, scratch_operands = 5 : i64, tpu.core_type = #tpu.core_type<sc_vector_subcore>, window_params = [{transform_indices = #map}, {transform_indices = #map}, {transform_indices = #map}]} {
    %mul3A = arith.constant 2 : i32
    %mul3A_0 = arith.muli %arg1, %mul3A : i32
    %add3A = arith.addi %mul3A_0, %arg0 : i32
    %mul3A_1 = arith.constant 512 : i32
    %mul3A_2 = arith.muli %add3A, %mul3A_1 : i32
    %iota3A = tpu.iota {dimensions = array<i32: 0>} : vector<16xi32>
    %broadcast_in_dim3A = arith.constant 0.000000e+00 : f32
    %broadcast_in_dim3A_3 = vector.broadcast %broadcast_in_dim3A : f32 to vector<16xf32>
    %dma_start3A = arith.constant 2 : i32
    %dma_start3A_4 = arith.constant 0 : i32
    %dma_start3A_5 = tpu.memref_slice %arg2[%dma_start3A_4, %mul3A_2] : memref<50x16384xi32, #tpu.memory_space<hbm>> -> memref<50x512xi32, #tpu.memory_space<hbm>>
    %dma_start3A_6 = tpu.memref_slice %arg9[%dma_start3A] : memref<4x!tpu.dma_semaphore, #tpu.memory_space<semaphore_mem>> -> memref<1x!tpu.dma_semaphore, #tpu.memory_space<semaphore_mem>>
    %dma_start3A_7 = tpu.memref_squeeze %dma_start3A_6 : memref<1x!tpu.dma_semaphore, #tpu.memory_space<semaphore_mem>> -> memref<!tpu.dma_semaphore, #tpu.memory_space<semaphore_mem>>
    %dma_start3A_8 = arith.constant 0 : i32
    %dma_start3A_9 = tpu.memref_slice %arg2[%dma_start3A_8, %mul3A_2] : memref<50x16384xi32, #tpu.memory_space<hbm>> -> memref<50x512xi32, #tpu.memory_space<hbm>>
    tpu.enqueue_dma source(%dma_start3A_9 : memref<50x512xi32, #tpu.memory_space<hbm>>) target(%arg5 : memref<50x512xi32, #tpu.memory_space<vmem>>) target_semaphore(%dma_start3A_7 : memref<!tpu.dma_semaphore, #tpu.memory_space<semaphore_mem>>)
    %dma_start3A_10 = arith.constant 3 : i32
    %dma_start3A_11 = arith.constant 0 : i32
    %dma_start3A_12 = tpu.memref_slice %arg3[%dma_start3A_11, %mul3A_2] : memref<50x16384xf32, #tpu.memory_space<hbm>> -> memref<50x512xf32, #tpu.memory_space<hbm>>
    %dma_start3A_13 = tpu.memref_slice %arg9[%dma_start3A_10] : memref<4x!tpu.dma_semaphore, #tpu.memory_space<semaphore_mem>> -> memref<1x!tpu.dma_semaphore, #tpu.memory_space<semaphore_mem>>
    %dma_start3A_14 = tpu.memref_squeeze %dma_start3A_13 : memref<1x!tpu.dma_semaphore, #tpu.memory_space<semaphore_mem>> -> memref<!tpu.dma_semaphore, #tpu.memory_space<semaphore_mem>>
    %dma_start3A_15 = arith.constant 0 : i32
    %dma_start3A_16 = tpu.memref_slice %arg3[%dma_start3A_15, %mul3A_2] : memref<50x16384xf32, #tpu.memory_space<hbm>> -> memref<50x512xf32, #tpu.memory_space<hbm>>
    tpu.enqueue_dma source(%dma_start3A_16 : memref<50x512xf32, #tpu.memory_space<hbm>>) target(%arg6 : memref<50x512xf32, #tpu.memory_space<vmem>>) target_semaphore(%dma_start3A_14 : memref<!tpu.dma_semaphore, #tpu.memory_space<semaphore_mem>>)
    %parallel_loop3A = arith.constant 0 : i32
    %parallel_loop3A_17 = arith.constant 128 : i32
    %parallel_loop3A_18 = arith.constant 2 : i32
    scf.for %parallel_loop3A_117 = %parallel_loop3A to %parallel_loop3A_17 step %parallel_loop3A_18  : i32 {
      %parallel_loop3A_118 = arith.constant 0 : i32
      %parallel_loop3A_119 = arith.addi %parallel_loop3A_117, %parallel_loop3A_118 : i32
      %parallel_loop3A_120 = arith.index_cast %parallel_loop3A_119 : i32 to index
      %parallel_loop3A_121 = arith.constant 0 : index
      %parallel_loop3A_122 = tpu.vector_load %arg7[%parallel_loop3A_120, %parallel_loop3A_121] {strides = array<i32>} : memref<128x256xf32, #tpu.memory_space<vmem>>, vector<16xf32>,
      tpu.vector_store %arg7[%parallel_loop3A_120, %parallel_loop3A_121], %broadcast_in_dim3A_3 {strides = array<i32>} : memref<128x256xf32, #tpu.memory_space<vmem>>, vector<16xf32>,
      %parallel_loop3A_123 = arith.constant 0 : i32
      %parallel_loop3A_124 = arith.addi %parallel_loop3A_117, %parallel_loop3A_123 : i32
      %parallel_loop3A_125 = arith.index_cast %parallel_loop3A_124 : i32 to index
      %parallel_loop3A_126 = arith.constant 16 : index
      %parallel_loop3A_127 = tpu.vector_load %arg7[%parallel_loop3A_125, %parallel_loop3A_126] {strides = array<i32>} : memref<128x256xf32, #tpu.memory_space<vmem>>, vector<16xf32>,
      tpu.vector_store %arg7[%parallel_loop3A_125, %parallel_loop3A_126], %broadcast_in_dim3A_3 {strides = array<i32>} : memref<128x256xf32, #tpu.memory_space<vmem>>, vector<16xf32>,
      %parallel_loop3A_128 = arith.constant 0 : i32
      %parallel_loop3A_129 = arith.addi %parallel_loop3A_117, %parallel_loop3A_128 : i32
      %parallel_loop3A_130 = arith.index_cast %parallel_loop3A_129 : i32 to index
      %parallel_loop3A_131 = arith.constant 32 : index
      %parallel_loop3A_132 = tpu.vector_load %arg7[%parallel_loop3A_130, %parallel_loop3A_131] {strides = array<i32>} : memref<128x256xf32, #tpu.memory_space<vmem>>, vector<16xf32>,
      tpu.vector_store %arg7[%parallel_loop3A_130, %parallel_loop3A_131], %broadcast_in_dim3A_3 {strides = array<i32>} : memref<128x256xf32, #tpu.memory_space<vmem>>, vector<16xf32>,
      %parallel_loop3A_133 = arith.constant 0 : i32
      %parallel_loop3A_134 = arith.addi %parallel_loop3A_117, %parallel_loop3A_133 : i32
      %parallel_loop3A_135 = arith.index_cast %parallel_loop3A_134 : i32 to index
      %parallel_loop3A_136 = arith.constant 48 : index
      %parallel_loop3A_137 = tpu.vector_load %arg7[%parallel_loop3A_135, %parallel_loop3A_136] {strides = array<i32>} : memref<128x256xf32, #tpu.memory_space<vmem>>, vector<16xf32>,
      tpu.vector_store %arg7[%parallel_loop3A_135, %parallel_loop3A_136], %broadcast_in_dim3A_3 {strides = array<i32>} : memref<128x256xf32, #tpu.memory_space<vmem>>, vector<16xf32>,
      %parallel_loop3A_138 = arith.constant 0 : i32
      %parallel_loop3A_139 = arith.addi %parallel_loop3A_117, %parallel_loop3A_138 : i32
      %parallel_loop3A_140 = arith.index_cast %parallel_loop3A_139 : i32 to index
      %parallel_loop3A_141 = arith.constant 64 : index
      %parallel_loop3A_142 = tpu.vector_load %arg7[%parallel_loop3A_140, %parallel_loop3A_141] {strides = array<i32>} : memref<128x256xf32, #tpu.memory_space<vmem>>, vector<16xf32>,
      tpu.vector_store %arg7[%parallel_loop3A_140, %parallel_loop3A_141], %broadcast_in_dim3A_3 {strides = array<i32>} : memref<128x256xf32, #tpu.memory_space<vmem>>, vector<16xf32>,
      %parallel_loop3A_143 = arith.constant 0 : i32
      %parallel_loop3A_144 = arith.addi %parallel_loop3A_117, %parallel_loop3A_143 : i32
      %parallel_loop3A_145 = arith.index_cast %parallel_loop3A_144 : i32 to index
      %parallel_loop3A_146 = arith.constant 80 : index
      %parallel_loop3A_147 = tpu.vector_load %arg7[%parallel_loop3A_145, %parallel_loop3A_146] {strides = array<i32>} : memref<128x256xf32, #tpu.memory_space<vmem>>, vector<16xf32>,
      tpu.vector_store %arg7[%parallel_loop3A_145, %parallel_loop3A_146], %broadcast_in_dim3A_3 {strides = array<i32>} : memref<128x256xf32, #tpu.memory_space<vmem>>, vector<16xf32>,
      %parallel_loop3A_148 = arith.constant 0 : i32
      %parallel_loop3A_149 = arith.addi %parallel_loop3A_117, %parallel_loop3A_148 : i32
      %parallel_loop3A_150 = arith.index_cast %parallel_loop3A_149 : i32 to index
      %parallel_loop3A_151 = arith.constant 96 : index
      %parallel_loop3A_152 = tpu.vector_load %arg7[%parallel_loop3A_150, %parallel_loop3A_151] {strides = array<i32>} : memref<128x256xf32, #tpu.memory_space<vmem>>, vector<16xf32>,
      tpu.vector_store %arg7[%parallel_loop3A_150, %parallel_loop3A_151], %broadcast_in_dim3A_3 {strides = array<i32>} : memref<128x256xf32, #tpu.memory_space<vmem>>, vector<16xf32>,
      %parallel_loop3A_153 = arith.constant 0 : i32
      %parallel_loop3A_154 = arith.addi %parallel_loop3A_117, %parallel_loop3A_153 : i32
      %parallel_loop3A_155 = arith.index_cast %parallel_loop3A_154 : i32 to index
      %parallel_loop3A_156 = arith.constant 112 : index
      %parallel_loop3A_157 = tpu.vector_load %arg7[%parallel_loop3A_155, %parallel_loop3A_156] {strides = array<i32>} : memref<128x256xf32, #tpu.memory_space<vmem>>, vector<16xf32>,
      tpu.vector_store %arg7[%parallel_loop3A_155, %parallel_loop3A_156], %broadcast_in_dim3A_3 {strides = array<i32>} : memref<128x256xf32, #tpu.memory_space<vmem>>, vector<16xf32>,
      %parallel_loop3A_158 = arith.constant 0 : i32
      %parallel_loop3A_159 = arith.addi %parallel_loop3A_117, %parallel_loop3A_158 : i32
      %parallel_loop3A_160 = arith.index_cast %parallel_loop3A_159 : i32 to index
      %parallel_loop3A_161 = arith.constant 128 : index
      %parallel_loop3A_162 = tpu.vector_load %arg7[%parallel_loop3A_160, %parallel_loop3A_161] {strides = array<i32>} : memref<128x256xf32, #tpu.memory_space<vmem>>, vector<16xf32>,
      tpu.vector_store %arg7[%parallel_loop3A_160, %parallel_loop3A_161], %broadcast_in_dim3A_3 {strides = array<i32>} : memref<128x256xf32, #tpu.memory_space<vmem>>, vector<16xf32>,
      %parallel_loop3A_163 = arith.constant 0 : i32
      %parallel_loop3A_164 = arith.addi %parallel_loop3A_117, %parallel_loop3A_163 : i32
      %parallel_loop3A_165 = arith.index_cast %parallel_loop3A_164 : i32 to index
      %parallel_loop3A_166 = arith.constant 144 : index
      %parallel_loop3A_167 = tpu.vector_load %arg7[%parallel_loop3A_165, %parallel_loop3A_166] {strides = array<i32>} : memref<128x256xf32, #tpu.memory_space<vmem>>, vector<16xf32>,
      tpu.vector_store %arg7[%parallel_loop3A_165, %parallel_loop3A_166], %broadcast_in_dim3A_3 {strides = array<i32>} : memref<128x256xf32, #tpu.memory_space<vmem>>, vector<16xf32>,
      %parallel_loop3A_168 = arith.constant 0 : i32
      %parallel_loop3A_169 = arith.addi %parallel_loop3A_117, %parallel_loop3A_168 : i32
      %parallel_loop3A_170 = arith.index_cast %parallel_loop3A_169 : i32 to index
      %parallel_loop3A_171 = arith.constant 160 : index
      %parallel_loop3A_172 = tpu.vector_load %arg7[%parallel_loop3A_170, %parallel_loop3A_171] {strides = array<i32>} : memref<128x256xf32, #tpu.memory_space<vmem>>, vector<16xf32>,
      tpu.vector_store %arg7[%parallel_loop3A_170, %parallel_loop3A_171], %broadcast_in_dim3A_3 {strides = array<i32>} : memref<128x256xf32, #tpu.memory_space<vmem>>, vector<16xf32>,
      %parallel_loop3A_173 = arith.constant 0 : i32
      %parallel_loop3A_174 = arith.addi %parallel_loop3A_117, %parallel_loop3A_173 : i32
      %parallel_loop3A_175 = arith.index_cast %parallel_loop3A_174 : i32 to index
      %parallel_loop3A_176 = arith.constant 176 : index
      %parallel_loop3A_177 = tpu.vector_load %arg7[%parallel_loop3A_175, %parallel_loop3A_176] {strides = array<i32>} : memref<128x256xf32, #tpu.memory_space<vmem>>, vector<16xf32>,
      tpu.vector_store %arg7[%parallel_loop3A_175, %parallel_loop3A_176], %broadcast_in_dim3A_3 {strides = array<i32>} : memref<128x256xf32, #tpu.memory_space<vmem>>, vector<16xf32>,
      %parallel_loop3A_178 = arith.constant 0 : i32
      %parallel_loop3A_179 = arith.addi %parallel_loop3A_117, %parallel_loop3A_178 : i32
      %parallel_loop3A_180 = arith.index_cast %parallel_loop3A_179 : i32 to index
      %parallel_loop3A_181 = arith.constant 192 : index
      %parallel_loop3A_182 = tpu.vector_load %arg7[%parallel_loop3A_180, %parallel_loop3A_181] {strides = array<i32>} : memref<128x256xf32, #tpu.memory_space<vmem>>, vector<16xf32>,
      tpu.vector_store %arg7[%parallel_loop3A_180, %parallel_loop3A_181], %broadcast_in_dim3A_3 {strides = array<i32>} : memref<128x256xf32, #tpu.memory_space<vmem>>, vector<16xf32>,
      %parallel_loop3A_183 = arith.constant 0 : i32
      %parallel_loop3A_184 = arith.addi %parallel_loop3A_117, %parallel_loop3A_183 : i32
      %parallel_loop3A_185 = arith.index_cast %parallel_loop3A_184 : i32 to index
      %parallel_loop3A_186 = arith.constant 208 : index
      %parallel_loop3A_187 = tpu.vector_load %arg7[%parallel_loop3A_185, %parallel_loop3A_186] {strides = array<i32>} : memref<128x256xf32, #tpu.memory_space<vmem>>, vector<16xf32>,
      tpu.vector_store %arg7[%parallel_loop3A_185, %parallel_loop3A_186], %broadcast_in_dim3A_3 {strides = array<i32>} : memref<128x256xf32, #tpu.memory_space<vmem>>, vector<16xf32>,
      %parallel_loop3A_188 = arith.constant 0 : i32
      %parallel_loop3A_189 = arith.addi %parallel_loop3A_117, %parallel_loop3A_188 : i32
      %parallel_loop3A_190 = arith.index_cast %parallel_loop3A_189 : i32 to index
      %parallel_loop3A_191 = arith.constant 224 : index
      %parallel_loop3A_192 = tpu.vector_load %arg7[%parallel_loop3A_190, %parallel_loop3A_191] {strides = array<i32>} : memref<128x256xf32, #tpu.memory_space<vmem>>, vector<16xf32>,
      tpu.vector_store %arg7[%parallel_loop3A_190, %parallel_loop3A_191], %broadcast_in_dim3A_3 {strides = array<i32>} : memref<128x256xf32, #tpu.memory_space<vmem>>, vector<16xf32>,
      %parallel_loop3A_193 = arith.constant 0 : i32
      %parallel_loop3A_194 = arith.addi %parallel_loop3A_117, %parallel_loop3A_193 : i32
      %parallel_loop3A_195 = arith.index_cast %parallel_loop3A_194 : i32 to index
      %parallel_loop3A_196 = arith.constant 240 : index
      %parallel_loop3A_197 = tpu.vector_load %arg7[%parallel_loop3A_195, %parallel_loop3A_196] {strides = array<i32>} : memref<128x256xf32, #tpu.memory_space<vmem>>, vector<16xf32>,
      tpu.vector_store %arg7[%parallel_loop3A_195, %parallel_loop3A_196], %broadcast_in_dim3A_3 {strides = array<i32>} : memref<128x256xf32, #tpu.memory_space<vmem>>, vector<16xf32>,
      %parallel_loop3A_198 = arith.constant 1 : i32
      %parallel_loop3A_199 = arith.addi %parallel_loop3A_117, %parallel_loop3A_198 : i32
      %parallel_loop3A_200 = arith.index_cast %parallel_loop3A_199 : i32 to index
      %parallel_loop3A_201 = arith.constant 0 : index
      %parallel_loop3A_202 = tpu.vector_load %arg7[%parallel_loop3A_200, %parallel_loop3A_201] {strides = array<i32>} : memref<128x256xf32, #tpu.memory_space<vmem>>, vector<16xf32>,
      tpu.vector_store %arg7[%parallel_loop3A_200, %parallel_loop3A_201], %broadcast_in_dim3A_3 {strides = array<i32>} : memref<128x256xf32, #tpu.memory_space<vmem>>, vector<16xf32>,
      %parallel_loop3A_203 = arith.constant 1 : i32
      %parallel_loop3A_204 = arith.addi %parallel_loop3A_117, %parallel_loop3A_203 : i32
      %parallel_loop3A_205 = arith.index_cast %parallel_loop3A_204 : i32 to index
      %parallel_loop3A_206 = arith.constant 16 : index
      %parallel_loop3A_207 = tpu.vector_load %arg7[%parallel_loop3A_205, %parallel_loop3A_206] {strides = array<i32>} : memref<128x256xf32, #tpu.memory_space<vmem>>, vector<16xf32>,
      tpu.vector_store %arg7[%parallel_loop3A_205, %parallel_loop3A_206], %broadcast_in_dim3A_3 {strides = array<i32>} : memref<128x256xf32, #tpu.memory_space<vmem>>, vector<16xf32>,
      %parallel_loop3A_208 = arith.constant 1 : i32
      %parallel_loop3A_209 = arith.addi %parallel_loop3A_117, %parallel_loop3A_208 : i32
      %parallel_loop3A_210 = arith.index_cast %parallel_loop3A_209 : i32 to index
      %parallel_loop3A_211 = arith.constant 32 : index
      %parallel_loop3A_212 = tpu.vector_load %arg7[%parallel_loop3A_210, %parallel_loop3A_211] {strides = array<i32>} : memref<128x256xf32, #tpu.memory_space<vmem>>, vector<16xf32>,
      tpu.vector_store %arg7[%parallel_loop3A_210, %parallel_loop3A_211], %broadcast_in_dim3A_3 {strides = array<i32>} : memref<128x256xf32, #tpu.memory_space<vmem>>, vector<16xf32>,
      %parallel_loop3A_213 = arith.constant 1 : i32
      %parallel_loop3A_214 = arith.addi %parallel_loop3A_117, %parallel_loop3A_213 : i32
      %parallel_loop3A_215 = arith.index_cast %parallel_loop3A_214 : i32 to index
      %parallel_loop3A_216 = arith.constant 48 : index
      %parallel_loop3A_217 = tpu.vector_load %arg7[%parallel_loop3A_215, %parallel_loop3A_216] {strides = array<i32>} : memref<128x256xf32, #tpu.memory_space<vmem>>, vector<16xf32>,
      tpu.vector_store %arg7[%parallel_loop3A_215, %parallel_loop3A_216], %broadcast_in_dim3A_3 {strides = array<i32>} : memref<128x256xf32, #tpu.memory_space<vmem>>, vector<16xf32>,
      %parallel_loop3A_218 = arith.constant 1 : i32
      %parallel_loop3A_219 = arith.addi %parallel_loop3A_117, %parallel_loop3A_218 : i32
      %parallel_loop3A_220 = arith.index_cast %parallel_loop3A_219 : i32 to index
      %parallel_loop3A_221 = arith.constant 64 : index
      %parallel_loop3A_222 = tpu.vector_load %arg7[%parallel_loop3A_220, %parallel_loop3A_221] {strides = array<i32>} : memref<128x256xf32, #tpu.memory_space<vmem>>, vector<16xf32>,
      tpu.vector_store %arg7[%parallel_loop3A_220, %parallel_loop3A_221], %broadcast_in_dim3A_3 {strides = array<i32>} : memref<128x256xf32, #tpu.memory_space<vmem>>, vector<16xf32>,
      %parallel_loop3A_223 = arith.constant 1 : i32
      %parallel_loop3A_224 = arith.addi %parallel_loop3A_117, %parallel_loop3A_223 : i32
      %parallel_loop3A_225 = arith.index_cast %parallel_loop3A_224 : i32 to index
      %parallel_loop3A_226 = arith.constant 80 : index
      %parallel_loop3A_227 = tpu.vector_load %arg7[%parallel_loop3A_225, %parallel_loop3A_226] {strides = array<i32>} : memref<128x256xf32, #tpu.memory_space<vmem>>, vector<16xf32>,
      tpu.vector_store %arg7[%parallel_loop3A_225, %parallel_loop3A_226], %broadcast_in_dim3A_3 {strides = array<i32>} : memref<128x256xf32, #tpu.memory_space<vmem>>, vector<16xf32>,
      %parallel_loop3A_228 = arith.constant 1 : i32
      %parallel_loop3A_229 = arith.addi %parallel_loop3A_117, %parallel_loop3A_228 : i32
      %parallel_loop3A_230 = arith.index_cast %parallel_loop3A_229 : i32 to index
      %parallel_loop3A_231 = arith.constant 96 : index
      %parallel_loop3A_232 = tpu.vector_load %arg7[%parallel_loop3A_230, %parallel_loop3A_231] {strides = array<i32>} : memref<128x256xf32, #tpu.memory_space<vmem>>, vector<16xf32>,
      tpu.vector_store %arg7[%parallel_loop3A_230, %parallel_loop3A_231], %broadcast_in_dim3A_3 {strides = array<i32>} : memref<128x256xf32, #tpu.memory_space<vmem>>, vector<16xf32>,
      %parallel_loop3A_233 = arith.constant 1 : i32
      %parallel_loop3A_234 = arith.addi %parallel_loop3A_117, %parallel_loop3A_233 : i32
      %parallel_loop3A_235 = arith.index_cast %parallel_loop3A_234 : i32 to index
      %parallel_loop3A_236 = arith.constant 112 : index
      %parallel_loop3A_237 = tpu.vector_load %arg7[%parallel_loop3A_235, %parallel_loop3A_236] {strides = array<i32>} : memref<128x256xf32, #tpu.memory_space<vmem>>, vector<16xf32>,
      tpu.vector_store %arg7[%parallel_loop3A_235, %parallel_loop3A_236], %broadcast_in_dim3A_3 {strides = array<i32>} : memref<128x256xf32, #tpu.memory_space<vmem>>, vector<16xf32>,
      %parallel_loop3A_238 = arith.constant 1 : i32
      %parallel_loop3A_239 = arith.addi %parallel_loop3A_117, %parallel_loop3A_238 : i32
      %parallel_loop3A_240 = arith.index_cast %parallel_loop3A_239 : i32 to index
      %parallel_loop3A_241 = arith.constant 128 : index
      %parallel_loop3A_242 = tpu.vector_load %arg7[%parallel_loop3A_240, %parallel_loop3A_241] {strides = array<i32>} : memref<128x256xf32, #tpu.memory_space<vmem>>, vector<16xf32>,
      tpu.vector_store %arg7[%parallel_loop3A_240, %parallel_loop3A_241], %broadcast_in_dim3A_3 {strides = array<i32>} : memref<128x256xf32, #tpu.memory_space<vmem>>, vector<16xf32>,
      %parallel_loop3A_243 = arith.constant 1 : i32
      %parallel_loop3A_244 = arith.addi %parallel_loop3A_117, %parallel_loop3A_243 : i32
      %parallel_loop3A_245 = arith.index_cast %parallel_loop3A_244 : i32 to index
      %parallel_loop3A_246 = arith.constant 144 : index
      %parallel_loop3A_247 = tpu.vector_load %arg7[%parallel_loop3A_245, %parallel_loop3A_246] {strides = array<i32>} : memref<128x256xf32, #tpu.memory_space<vmem>>, vector<16xf32>,
      tpu.vector_store %arg7[%parallel_loop3A_245, %parallel_loop3A_246], %broadcast_in_dim3A_3 {strides = array<i32>} : memref<128x256xf32, #tpu.memory_space<vmem>>, vector<16xf32>,
      %parallel_loop3A_248 = arith.constant 1 : i32
      %parallel_loop3A_249 = arith.addi %parallel_loop3A_117, %parallel_loop3A_248 : i32
      %parallel_loop3A_250 = arith.index_cast %parallel_loop3A_249 : i32 to index
      %parallel_loop3A_251 = arith.constant 160 : index
      %parallel_loop3A_252 = tpu.vector_load %arg7[%parallel_loop3A_250, %parallel_loop3A_251] {strides = array<i32>} : memref<128x256xf32, #tpu.memory_space<vmem>>, vector<16xf32>,
      tpu.vector_store %arg7[%parallel_loop3A_250, %parallel_loop3A_251], %broadcast_in_dim3A_3 {strides = array<i32>} : memref<128x256xf32, #tpu.memory_space<vmem>>, vector<16xf32>,
      %parallel_loop3A_253 = arith.constant 1 : i32
      %parallel_loop3A_254 = arith.addi %parallel_loop3A_117, %parallel_loop3A_253 : i32
      %parallel_loop3A_255 = arith.index_cast %parallel_loop3A_254 : i32 to index
      %parallel_loop3A_256 = arith.constant 176 : index
      %parallel_loop3A_257 = tpu.vector_load %arg7[%parallel_loop3A_255, %parallel_loop3A_256] {strides = array<i32>} : memref<128x256xf32, #tpu.memory_space<vmem>>, vector<16xf32>,
      tpu.vector_store %arg7[%parallel_loop3A_255, %parallel_loop3A_256], %broadcast_in_dim3A_3 {strides = array<i32>} : memref<128x256xf32, #tpu.memory_space<vmem>>, vector<16xf32>,
      %parallel_loop3A_258 = arith.constant 1 : i32
      %parallel_loop3A_259 = arith.addi %parallel_loop3A_117, %parallel_loop3A_258 : i32
      %parallel_loop3A_260 = arith.index_cast %parallel_loop3A_259 : i32 to index
      %parallel_loop3A_261 = arith.constant 192 : index
      %parallel_loop3A_262 = tpu.vector_load %arg7[%parallel_loop3A_260, %parallel_loop3A_261] {strides = array<i32>} : memref<128x256xf32, #tpu.memory_space<vmem>>, vector<16xf32>,
      tpu.vector_store %arg7[%parallel_loop3A_260, %parallel_loop3A_261], %broadcast_in_dim3A_3 {strides = array<i32>} : memref<128x256xf32, #tpu.memory_space<vmem>>, vector<16xf32>,
      %parallel_loop3A_263 = arith.constant 1 : i32
      %parallel_loop3A_264 = arith.addi %parallel_loop3A_117, %parallel_loop3A_263 : i32
      %parallel_loop3A_265 = arith.index_cast %parallel_loop3A_264 : i32 to index
      %parallel_loop3A_266 = arith.constant 208 : index
      %parallel_loop3A_267 = tpu.vector_load %arg7[%parallel_loop3A_265, %parallel_loop3A_266] {strides = array<i32>} : memref<128x256xf32, #tpu.memory_space<vmem>>, vector<16xf32>,
      tpu.vector_store %arg7[%parallel_loop3A_265, %parallel_loop3A_266], %broadcast_in_dim3A_3 {strides = array<i32>} : memref<128x256xf32, #tpu.memory_space<vmem>>, vector<16xf32>,
      %parallel_loop3A_268 = arith.constant 1 : i32
      %parallel_loop3A_269 = arith.addi %parallel_loop3A_117, %parallel_loop3A_268 : i32
      %parallel_loop3A_270 = arith.index_cast %parallel_loop3A_269 : i32 to index
      %parallel_loop3A_271 = arith.constant 224 : index
      %parallel_loop3A_272 = tpu.vector_load %arg7[%parallel_loop3A_270, %parallel_loop3A_271] {strides = array<i32>} : memref<128x256xf32, #tpu.memory_space<vmem>>, vector<16xf32>,
      tpu.vector_store %arg7[%parallel_loop3A_270, %parallel_loop3A_271], %broadcast_in_dim3A_3 {strides = array<i32>} : memref<128x256xf32, #tpu.memory_space<vmem>>, vector<16xf32>,
      %parallel_loop3A_273 = arith.constant 1 : i32
      %parallel_loop3A_274 = arith.addi %parallel_loop3A_117, %parallel_loop3A_273 : i32
      %parallel_loop3A_275 = arith.index_cast %parallel_loop3A_274 : i32 to index
      %parallel_loop3A_276 = arith.constant 240 : index
      %parallel_loop3A_277 = tpu.vector_load %arg7[%parallel_loop3A_275, %parallel_loop3A_276] {strides = array<i32>} : memref<128x256xf32, #tpu.memory_space<vmem>>, vector<16xf32>,
      tpu.vector_store %arg7[%parallel_loop3A_275, %parallel_loop3A_276], %broadcast_in_dim3A_3 {strides = array<i32>} : memref<128x256xf32, #tpu.memory_space<vmem>>, vector<16xf32>,
    } {sc.loop_unroll_factor = 1 : i64, sc.parallel_access}
    %parallel_loop3A_19 = arith.constant 0 : i32
    %parallel_loop3A_20 = arith.constant 128 : i32
    %parallel_loop3A_21 = arith.constant 2 : i32
    scf.for %parallel_loop3A_117 = %parallel_loop3A_19 to %parallel_loop3A_20 step %parallel_loop3A_21  : i32 {
      %parallel_loop3A_118 = arith.constant 0 : i32
      %parallel_loop3A_119 = arith.addi %parallel_loop3A_117, %parallel_loop3A_118 : i32
      %parallel_loop3A_120 = arith.index_cast %parallel_loop3A_119 : i32 to index
      %parallel_loop3A_121 = arith.constant 0 : index
      %parallel_loop3A_122 = tpu.vector_load %arg8[%parallel_loop3A_120, %parallel_loop3A_121] {strides = array<i32>} : memref<128x256xf32, #tpu.memory_space<vmem>>, vector<16xf32>,
      tpu.vector_store %arg8[%parallel_loop3A_120, %parallel_loop3A_121], %broadcast_in_dim3A_3 {strides = array<i32>} : memref<128x256xf32, #tpu.memory_space<vmem>>, vector<16xf32>,
      %parallel_loop3A_123 = arith.constant 0 : i32
      %parallel_loop3A_124 = arith.addi %parallel_loop3A_117, %parallel_loop3A_123 : i32
      %parallel_loop3A_125 = arith.index_cast %parallel_loop3A_124 : i32 to index
      %parallel_loop3A_126 = arith.constant 16 : index
      %parallel_loop3A_127 = tpu.vector_load %arg8[%parallel_loop3A_125, %parallel_loop3A_126] {strides = array<i32>} : memref<128x256xf32, #tpu.memory_space<vmem>>, vector<16xf32>,
      tpu.vector_store %arg8[%parallel_loop3A_125, %parallel_loop3A_126], %broadcast_in_dim3A_3 {strides = array<i32>} : memref<128x256xf32, #tpu.memory_space<vmem>>, vector<16xf32>,
      %parallel_loop3A_128 = arith.constant 0 : i32
      %parallel_loop3A_129 = arith.addi %parallel_loop3A_117, %parallel_loop3A_128 : i32
      %parallel_loop3A_130 = arith.index_cast %parallel_loop3A_129 : i32 to index
      %parallel_loop3A_131 = arith.constant 32 : index
      %parallel_loop3A_132 = tpu.vector_load %arg8[%parallel_loop3A_130, %parallel_loop3A_131] {strides = array<i32>} : memref<128x256xf32, #tpu.memory_space<vmem>>, vector<16xf32>,
      tpu.vector_store %arg8[%parallel_loop3A_130, %parallel_loop3A_131], %broadcast_in_dim3A_3 {strides = array<i32>} : memref<128x256xf32, #tpu.memory_space<vmem>>, vector<16xf32>,
      %parallel_loop3A_133 = arith.constant 0 : i32
      %parallel_loop3A_134 = arith.addi %parallel_loop3A_117, %parallel_loop3A_133 : i32
      %parallel_loop3A_135 = arith.index_cast %parallel_loop3A_134 : i32 to index
      %parallel_loop3A_136 = arith.constant 48 : index
      %parallel_loop3A_137 = tpu.vector_load %arg8[%parallel_loop3A_135, %parallel_loop3A_136] {strides = array<i32>} : memref<128x256xf32, #tpu.memory_space<vmem>>, vector<16xf32>,
      tpu.vector_store %arg8[%parallel_loop3A_135, %parallel_loop3A_136], %broadcast_in_dim3A_3 {strides = array<i32>} : memref<128x256xf32, #tpu.memory_space<vmem>>, vector<16xf32>,
      %parallel_loop3A_138 = arith.constant 0 : i32
      %parallel_loop3A_139 = arith.addi %parallel_loop3A_117, %parallel_loop3A_138 : i32
      %parallel_loop3A_140 = arith.index_cast %parallel_loop3A_139 : i32 to index
      %parallel_loop3A_141 = arith.constant 64 : index
      %parallel_loop3A_142 = tpu.vector_load %arg8[%parallel_loop3A_140, %parallel_loop3A_141] {strides = array<i32>} : memref<128x256xf32, #tpu.memory_space<vmem>>, vector<16xf32>,
      tpu.vector_store %arg8[%parallel_loop3A_140, %parallel_loop3A_141], %broadcast_in_dim3A_3 {strides = array<i32>} : memref<128x256xf32, #tpu.memory_space<vmem>>, vector<16xf32>,
      %parallel_loop3A_143 = arith.constant 0 : i32
      %parallel_loop3A_144 = arith.addi %parallel_loop3A_117, %parallel_loop3A_143 : i32
      %parallel_loop3A_145 = arith.index_cast %parallel_loop3A_144 : i32 to index
      %parallel_loop3A_146 = arith.constant 80 : index
      %parallel_loop3A_147 = tpu.vector_load %arg8[%parallel_loop3A_145, %parallel_loop3A_146] {strides = array<i32>} : memref<128x256xf32, #tpu.memory_space<vmem>>, vector<16xf32>,
      tpu.vector_store %arg8[%parallel_loop3A_145, %parallel_loop3A_146], %broadcast_in_dim3A_3 {strides = array<i32>} : memref<128x256xf32, #tpu.memory_space<vmem>>, vector<16xf32>,
      %parallel_loop3A_148 = arith.constant 0 : i32
      %parallel_loop3A_149 = arith.addi %parallel_loop3A_117, %parallel_loop3A_148 : i32
      %parallel_loop3A_150 = arith.index_cast %parallel_loop3A_149 : i32 to index
      %parallel_loop3A_151 = arith.constant 96 : index
      %parallel_loop3A_152 = tpu.vector_load %arg8[%parallel_loop3A_150, %parallel_loop3A_151] {strides = array<i32>} : memref<128x256xf32, #tpu.memory_space<vmem>>, vector<16xf32>,
      tpu.vector_store %arg8[%parallel_loop3A_150, %parallel_loop3A_151], %broadcast_in_dim3A_3 {strides = array<i32>} : memref<128x256xf32, #tpu.memory_space<vmem>>, vector<16xf32>,
      %parallel_loop3A_153 = arith.constant 0 : i32
      %parallel_loop3A_154 = arith.addi %parallel_loop3A_117, %parallel_loop3A_153 : i32
      %parallel_loop3A_155 = arith.index_cast %parallel_loop3A_154 : i32 to index
      %parallel_loop3A_156 = arith.constant 112 : index
      %parallel_loop3A_157 = tpu.vector_load %arg8[%parallel_loop3A_155, %parallel_loop3A_156] {strides = array<i32>} : memref<128x256xf32, #tpu.memory_space<vmem>>, vector<16xf32>,
      tpu.vector_store %arg8[%parallel_loop3A_155, %parallel_loop3A_156], %broadcast_in_dim3A_3 {strides = array<i32>} : memref<128x256xf32, #tpu.memory_space<vmem>>, vector<16xf32>,
      %parallel_loop3A_158 = arith.constant 0 : i32
      %parallel_loop3A_159 = arith.addi %parallel_loop3A_117, %parallel_loop3A_158 : i32
      %parallel_loop3A_160 = arith.index_cast %parallel_loop3A_159 : i32 to index
      %parallel_loop3A_161 = arith.constant 128 : index
      %parallel_loop3A_162 = tpu.vector_load %arg8[%parallel_loop3A_160, %parallel_loop3A_161] {strides = array<i32>} : memref<128x256xf32, #tpu.memory_space<vmem>>, vector<16xf32>,
      tpu.vector_store %arg8[%parallel_loop3A_160, %parallel_loop3A_161], %broadcast_in_dim3A_3 {strides = array<i32>} : memref<128x256xf32, #tpu.memory_space<vmem>>, vector<16xf32>,
      %parallel_loop3A_163 = arith.constant 0 : i32
      %parallel_loop3A_164 = arith.addi %parallel_loop3A_117, %parallel_loop3A_163 : i32
      %parallel_loop3A_165 = arith.index_cast %parallel_loop3A_164 : i32 to index
      %parallel_loop3A_166 = arith.constant 144 : index
      %parallel_loop3A_167 = tpu.vector_load %arg8[%parallel_loop3A_165, %parallel_loop3A_166] {strides = array<i32>} : memref<128x256xf32, #tpu.memory_space<vmem>>, vector<16xf32>,
      tpu.vector_store %arg8[%parallel_loop3A_165, %parallel_loop3A_166], %broadcast_in_dim3A_3 {strides = array<i32>} : memref<128x256xf32, #tpu.memory_space<vmem>>, vector<16xf32>,
      %parallel_loop3A_168 = arith.constant 0 : i32
      %parallel_loop3A_169 = arith.addi %parallel_loop3A_117, %parallel_loop3A_168 : i32
      %parallel_loop3A_170 = arith.index_cast %parallel_loop3A_169 : i32 to index
      %parallel_loop3A_171 = arith.constant 160 : index
      %parallel_loop3A_172 = tpu.vector_load %arg8[%parallel_loop3A_170, %parallel_loop3A_171] {strides = array<i32>} : memref<128x256xf32, #tpu.memory_space<vmem>>, vector<16xf32>,
      tpu.vector_store %arg8[%parallel_loop3A_170, %parallel_loop3A_171], %broadcast_in_dim3A_3 {strides = array<i32>} : memref<128x256xf32, #tpu.memory_space<vmem>>, vector<16xf32>,
      %parallel_loop3A_173 = arith.constant 0 : i32
      %parallel_loop3A_174 = arith.addi %parallel_loop3A_117, %parallel_loop3A_173 : i32
      %parallel_loop3A_175 = arith.index_cast %parallel_loop3A_174 : i32 to index
      %parallel_loop3A_176 = arith.constant 176 : index
      %parallel_loop3A_177 = tpu.vector_load %arg8[%parallel_loop3A_175, %parallel_loop3A_176] {strides = array<i32>} : memref<128x256xf32, #tpu.memory_space<vmem>>, vector<16xf32>,
      tpu.vector_store %arg8[%parallel_loop3A_175, %parallel_loop3A_176], %broadcast_in_dim3A_3 {strides = array<i32>} : memref<128x256xf32, #tpu.memory_space<vmem>>, vector<16xf32>,
      %parallel_loop3A_178 = arith.constant 0 : i32
      %parallel_loop3A_179 = arith.addi %parallel_loop3A_117, %parallel_loop3A_178 : i32
      %parallel_loop3A_180 = arith.index_cast %parallel_loop3A_179 : i32 to index
      %parallel_loop3A_181 = arith.constant 192 : index
      %parallel_loop3A_182 = tpu.vector_load %arg8[%parallel_loop3A_180, %parallel_loop3A_181] {strides = array<i32>} : memref<128x256xf32, #tpu.memory_space<vmem>>, vector<16xf32>,
      tpu.vector_store %arg8[%parallel_loop3A_180, %parallel_loop3A_181], %broadcast_in_dim3A_3 {strides = array<i32>} : memref<128x256xf32, #tpu.memory_space<vmem>>, vector<16xf32>,
      %parallel_loop3A_183 = arith.constant 0 : i32
      %parallel_loop3A_184 = arith.addi %parallel_loop3A_117, %parallel_loop3A_183 : i32
      %parallel_loop3A_185 = arith.index_cast %parallel_loop3A_184 : i32 to index
      %parallel_loop3A_186 = arith.constant 208 : index
      %parallel_loop3A_187 = tpu.vector_load %arg8[%parallel_loop3A_185, %parallel_loop3A_186] {strides = array<i32>} : memref<128x256xf32, #tpu.memory_space<vmem>>, vector<16xf32>,
      tpu.vector_store %arg8[%parallel_loop3A_185, %parallel_loop3A_186], %broadcast_in_dim3A_3 {strides = array<i32>} : memref<128x256xf32, #tpu.memory_space<vmem>>, vector<16xf32>,
      %parallel_loop3A_188 = arith.constant 0 : i32
      %parallel_loop3A_189 = arith.addi %parallel_loop3A_117, %parallel_loop3A_188 : i32
      %parallel_loop3A_190 = arith.index_cast %parallel_loop3A_189 : i32 to index
      %parallel_loop3A_191 = arith.constant 224 : index
      %parallel_loop3A_192 = tpu.vector_load %arg8[%parallel_loop3A_190, %parallel_loop3A_191] {strides = array<i32>} : memref<128x256xf32, #tpu.memory_space<vmem>>, vector<16xf32>,
      tpu.vector_store %arg8[%parallel_loop3A_190, %parallel_loop3A_191], %broadcast_in_dim3A_3 {strides = array<i32>} : memref<128x256xf32, #tpu.memory_space<vmem>>, vector<16xf32>,
      %parallel_loop3A_193 = arith.constant 0 : i32
      %parallel_loop3A_194 = arith.addi %parallel_loop3A_117, %parallel_loop3A_193 : i32
      %parallel_loop3A_195 = arith.index_cast %parallel_loop3A_194 : i32 to index
      %parallel_loop3A_196 = arith.constant 240 : index
      %parallel_loop3A_197 = tpu.vector_load %arg8[%parallel_loop3A_195, %parallel_loop3A_196] {strides = array<i32>} : memref<128x256xf32, #tpu.memory_space<vmem>>, vector<16xf32>,
      tpu.vector_store %arg8[%parallel_loop3A_195, %parallel_loop3A_196], %broadcast_in_dim3A_3 {strides = array<i32>} : memref<128x256xf32, #tpu.memory_space<vmem>>, vector<16xf32>,
      %parallel_loop3A_198 = arith.constant 1 : i32
      %parallel_loop3A_199 = arith.addi %parallel_loop3A_117, %parallel_loop3A_198 : i32
      %parallel_loop3A_200 = arith.index_cast %parallel_loop3A_199 : i32 to index
      %parallel_loop3A_201 = arith.constant 0 : index
      %parallel_loop3A_202 = tpu.vector_load %arg8[%parallel_loop3A_200, %parallel_loop3A_201] {strides = array<i32>} : memref<128x256xf32, #tpu.memory_space<vmem>>, vector<16xf32>,
      tpu.vector_store %arg8[%parallel_loop3A_200, %parallel_loop3A_201], %broadcast_in_dim3A_3 {strides = array<i32>} : memref<128x256xf32, #tpu.memory_space<vmem>>, vector<16xf32>,
      %parallel_loop3A_203 = arith.constant 1 : i32
      %parallel_loop3A_204 = arith.addi %parallel_loop3A_117, %parallel_loop3A_203 : i32
      %parallel_loop3A_205 = arith.index_cast %parallel_loop3A_204 : i32 to index
      %parallel_loop3A_206 = arith.constant 16 : index
      %parallel_loop3A_207 = tpu.vector_load %arg8[%parallel_loop3A_205, %parallel_loop3A_206] {strides = array<i32>} : memref<128x256xf32, #tpu.memory_space<vmem>>, vector<16xf32>,
      tpu.vector_store %arg8[%parallel_loop3A_205, %parallel_loop3A_206], %broadcast_in_dim3A_3 {strides = array<i32>} : memref<128x256xf32, #tpu.memory_space<vmem>>, vector<16xf32>,
      %parallel_loop3A_208 = arith.constant 1 : i32
      %parallel_loop3A_209 = arith.addi %parallel_loop3A_117, %parallel_loop3A_208 : i32
      %parallel_loop3A_210 = arith.index_cast %parallel_loop3A_209 : i32 to index
      %parallel_loop3A_211 = arith.constant 32 : index
      %parallel_loop3A_212 = tpu.vector_load %arg8[%parallel_loop3A_210, %parallel_loop3A_211] {strides = array<i32>} : memref<128x256xf32, #tpu.memory_space<vmem>>, vector<16xf32>,
      tpu.vector_store %arg8[%parallel_loop3A_210, %parallel_loop3A_211], %broadcast_in_dim3A_3 {strides = array<i32>} : memref<128x256xf32, #tpu.memory_space<vmem>>, vector<16xf32>,
      %parallel_loop3A_213 = arith.constant 1 : i32
      %parallel_loop3A_214 = arith.addi %parallel_loop3A_117, %parallel_loop3A_213 : i32
      %parallel_loop3A_215 = arith.index_cast %parallel_loop3A_214 : i32 to index
      %parallel_loop3A_216 = arith.constant 48 : index
      %parallel_loop3A_217 = tpu.vector_load %arg8[%parallel_loop3A_215, %parallel_loop3A_216] {strides = array<i32>} : memref<128x256xf32, #tpu.memory_space<vmem>>, vector<16xf32>,
      tpu.vector_store %arg8[%parallel_loop3A_215, %parallel_loop3A_216], %broadcast_in_dim3A_3 {strides = array<i32>} : memref<128x256xf32, #tpu.memory_space<vmem>>, vector<16xf32>,
      %parallel_loop3A_218 = arith.constant 1 : i32
      %parallel_loop3A_219 = arith.addi %parallel_loop3A_117, %parallel_loop3A_218 : i32
      %parallel_loop3A_220 = arith.index_cast %parallel_loop3A_219 : i32 to index
      %parallel_loop3A_221 = arith.constant 64 : index
      %parallel_loop3A_222 = tpu.vector_load %arg8[%parallel_loop3A_220, %parallel_loop3A_221] {strides = array<i32>} : memref<128x256xf32, #tpu.memory_space<vmem>>, vector<16xf32>,
      tpu.vector_store %arg8[%parallel_loop3A_220, %parallel_loop3A_221], %broadcast_in_dim3A_3 {strides = array<i32>} : memref<128x256xf32, #tpu.memory_space<vmem>>, vector<16xf32>,
      %parallel_loop3A_223 = arith.constant 1 : i32
      %parallel_loop3A_224 = arith.addi %parallel_loop3A_117, %parallel_loop3A_223 : i32
      %parallel_loop3A_225 = arith.index_cast %parallel_loop3A_224 : i32 to index
      %parallel_loop3A_226 = arith.constant 80 : index
      %parallel_loop3A_227 = tpu.vector_load %arg8[%parallel_loop3A_225, %parallel_loop3A_226] {strides = array<i32>} : memref<128x256xf32, #tpu.memory_space<vmem>>, vector<16xf32>,
      tpu.vector_store %arg8[%parallel_loop3A_225, %parallel_loop3A_226], %broadcast_in_dim3A_3 {strides = array<i32>} : memref<128x256xf32, #tpu.memory_space<vmem>>, vector<16xf32>,
      %parallel_loop3A_228 = arith.constant 1 : i32
      %parallel_loop3A_229 = arith.addi %parallel_loop3A_117, %parallel_loop3A_228 : i32
      %parallel_loop3A_230 = arith.index_cast %parallel_loop3A_229 : i32 to index
      %parallel_loop3A_231 = arith.constant 96 : index
      %parallel_loop3A_232 = tpu.vector_load %arg8[%parallel_loop3A_230, %parallel_loop3A_231] {strides = array<i32>} : memref<128x256xf32, #tpu.memory_space<vmem>>, vector<16xf32>,
      tpu.vector_store %arg8[%parallel_loop3A_230, %parallel_loop3A_231], %broadcast_in_dim3A_3 {strides = array<i32>} : memref<128x256xf32, #tpu.memory_space<vmem>>, vector<16xf32>,
      %parallel_loop3A_233 = arith.constant 1 : i32
      %parallel_loop3A_234 = arith.addi %parallel_loop3A_117, %parallel_loop3A_233 : i32
      %parallel_loop3A_235 = arith.index_cast %parallel_loop3A_234 : i32 to index
      %parallel_loop3A_236 = arith.constant 112 : index
      %parallel_loop3A_237 = tpu.vector_load %arg8[%parallel_loop3A_235, %parallel_loop3A_236] {strides = array<i32>} : memref<128x256xf32, #tpu.memory_space<vmem>>, vector<16xf32>,
      tpu.vector_store %arg8[%parallel_loop3A_235, %parallel_loop3A_236], %broadcast_in_dim3A_3 {strides = array<i32>} : memref<128x256xf32, #tpu.memory_space<vmem>>, vector<16xf32>,
      %parallel_loop3A_238 = arith.constant 1 : i32
      %parallel_loop3A_239 = arith.addi %parallel_loop3A_117, %parallel_loop3A_238 : i32
      %parallel_loop3A_240 = arith.index_cast %parallel_loop3A_239 : i32 to index
      %parallel_loop3A_241 = arith.constant 128 : index
      %parallel_loop3A_242 = tpu.vector_load %arg8[%parallel_loop3A_240, %parallel_loop3A_241] {strides = array<i32>} : memref<128x256xf32, #tpu.memory_space<vmem>>, vector<16xf32>,
      tpu.vector_store %arg8[%parallel_loop3A_240, %parallel_loop3A_241], %broadcast_in_dim3A_3 {strides = array<i32>} : memref<128x256xf32, #tpu.memory_space<vmem>>, vector<16xf32>,
      %parallel_loop3A_243 = arith.constant 1 : i32
      %parallel_loop3A_244 = arith.addi %parallel_loop3A_117, %parallel_loop3A_243 : i32
      %parallel_loop3A_245 = arith.index_cast %parallel_loop3A_244 : i32 to index
      %parallel_loop3A_246 = arith.constant 144 : index
      %parallel_loop3A_247 = tpu.vector_load %arg8[%parallel_loop3A_245, %parallel_loop3A_246] {strides = array<i32>} : memref<128x256xf32, #tpu.memory_space<vmem>>, vector<16xf32>,
      tpu.vector_store %arg8[%parallel_loop3A_245, %parallel_loop3A_246], %broadcast_in_dim3A_3 {strides = array<i32>} : memref<128x256xf32, #tpu.memory_space<vmem>>, vector<16xf32>,
      %parallel_loop3A_248 = arith.constant 1 : i32
      %parallel_loop3A_249 = arith.addi %parallel_loop3A_117, %parallel_loop3A_248 : i32
      %parallel_loop3A_250 = arith.index_cast %parallel_loop3A_249 : i32 to index
      %parallel_loop3A_251 = arith.constant 160 : index
      %parallel_loop3A_252 = tpu.vector_load %arg8[%parallel_loop3A_250, %parallel_loop3A_251] {strides = array<i32>} : memref<128x256xf32, #tpu.memory_space<vmem>>, vector<16xf32>,
      tpu.vector_store %arg8[%parallel_loop3A_250, %parallel_loop3A_251], %broadcast_in_dim3A_3 {strides = array<i32>} : memref<128x256xf32, #tpu.memory_space<vmem>>, vector<16xf32>,
      %parallel_loop3A_253 = arith.constant 1 : i32
      %parallel_loop3A_254 = arith.addi %parallel_loop3A_117, %parallel_loop3A_253 : i32
      %parallel_loop3A_255 = arith.index_cast %parallel_loop3A_254 : i32 to index
      %parallel_loop3A_256 = arith.constant 176 : index
      %parallel_loop3A_257 = tpu.vector_load %arg8[%parallel_loop3A_255, %parallel_loop3A_256] {strides = array<i32>} : memref<128x256xf32, #tpu.memory_space<vmem>>, vector<16xf32>,
      tpu.vector_store %arg8[%parallel_loop3A_255, %parallel_loop3A_256], %broadcast_in_dim3A_3 {strides = array<i32>} : memref<128x256xf32, #tpu.memory_space<vmem>>, vector<16xf32>,
      %parallel_loop3A_258 = arith.constant 1 : i32
      %parallel_loop3A_259 = arith.addi %parallel_loop3A_117, %parallel_loop3A_258 : i32
      %parallel_loop3A_260 = arith.index_cast %parallel_loop3A_259 : i32 to index
      %parallel_loop3A_261 = arith.constant 192 : index
      %parallel_loop3A_262 = tpu.vector_load %arg8[%parallel_loop3A_260, %parallel_loop3A_261] {strides = array<i32>} : memref<128x256xf32, #tpu.memory_space<vmem>>, vector<16xf32>,
      tpu.vector_store %arg8[%parallel_loop3A_260, %parallel_loop3A_261], %broadcast_in_dim3A_3 {strides = array<i32>} : memref<128x256xf32, #tpu.memory_space<vmem>>, vector<16xf32>,
      %parallel_loop3A_263 = arith.constant 1 : i32
      %parallel_loop3A_264 = arith.addi %parallel_loop3A_117, %parallel_loop3A_263 : i32
      %parallel_loop3A_265 = arith.index_cast %parallel_loop3A_264 : i32 to index
      %parallel_loop3A_266 = arith.constant 208 : index
      %parallel_loop3A_267 = tpu.vector_load %arg8[%parallel_loop3A_265, %parallel_loop3A_266] {strides = array<i32>} : memref<128x256xf32, #tpu.memory_space<vmem>>, vector<16xf32>,
      tpu.vector_store %arg8[%parallel_loop3A_265, %parallel_loop3A_266], %broadcast_in_dim3A_3 {strides = array<i32>} : memref<128x256xf32, #tpu.memory_space<vmem>>, vector<16xf32>,
      %parallel_loop3A_268 = arith.constant 1 : i32
      %parallel_loop3A_269 = arith.addi %parallel_loop3A_117, %parallel_loop3A_268 : i32
      %parallel_loop3A_270 = arith.index_cast %parallel_loop3A_269 : i32 to index
      %parallel_loop3A_271 = arith.constant 224 : index
      %parallel_loop3A_272 = tpu.vector_load %arg8[%parallel_loop3A_270, %parallel_loop3A_271] {strides = array<i32>} : memref<128x256xf32, #tpu.memory_space<vmem>>, vector<16xf32>,
      tpu.vector_store %arg8[%parallel_loop3A_270, %parallel_loop3A_271], %broadcast_in_dim3A_3 {strides = array<i32>} : memref<128x256xf32, #tpu.memory_space<vmem>>, vector<16xf32>,
      %parallel_loop3A_273 = arith.constant 1 : i32
      %parallel_loop3A_274 = arith.addi %parallel_loop3A_117, %parallel_loop3A_273 : i32
      %parallel_loop3A_275 = arith.index_cast %parallel_loop3A_274 : i32 to index
      %parallel_loop3A_276 = arith.constant 240 : index
      %parallel_loop3A_277 = tpu.vector_load %arg8[%parallel_loop3A_275, %parallel_loop3A_276] {strides = array<i32>} : memref<128x256xf32, #tpu.memory_space<vmem>>, vector<16xf32>,
      tpu.vector_store %arg8[%parallel_loop3A_275, %parallel_loop3A_276], %broadcast_in_dim3A_3 {strides = array<i32>} : memref<128x256xf32, #tpu.memory_space<vmem>>, vector<16xf32>,
    } {sc.loop_unroll_factor = 1 : i64, sc.parallel_access}
    %dma_wait3A = arith.constant 2 : i32
    %dma_wait3A_22 = arith.constant 0 : i32
    %dma_wait3A_23 = tpu.memref_slice %arg2[%dma_wait3A_22, %mul3A_2] : memref<50x16384xi32, #tpu.memory_space<hbm>> -> memref<50x512xi32, #tpu.memory_space<hbm>>
    %dma_wait3A_24 = tpu.memref_slice %arg9[%dma_wait3A] : memref<4x!tpu.dma_semaphore, #tpu.memory_space<semaphore_mem>> -> memref<1x!tpu.dma_semaphore, #tpu.memory_space<semaphore_mem>>
    %dma_wait3A_25 = tpu.memref_squeeze %dma_wait3A_24 : memref<1x!tpu.dma_semaphore, #tpu.memory_space<semaphore_mem>> -> memref<!tpu.dma_semaphore, #tpu.memory_space<semaphore_mem>>
    %dma_wait3A_26 = arith.constant 0 : i32
    %dma_wait3A_27 = tpu.memref_slice %arg2[%dma_wait3A_26, %mul3A_2] : memref<50x16384xi32, #tpu.memory_space<hbm>> -> memref<50x512xi32, #tpu.memory_space<hbm>>
    tpu.wait_dma2 semaphore(%dma_wait3A_25 : memref<!tpu.dma_semaphore, #tpu.memory_space<semaphore_mem>>) src(%dma_wait3A_27 : memref<50x512xi32, #tpu.memory_space<hbm>>) dst(%arg5 : memref<50x512xi32, #tpu.memory_space<vmem>>)
    %dma_wait3A_28 = arith.constant 3 : i32
    %dma_wait3A_29 = arith.constant 0 : i32
    %dma_wait3A_30 = tpu.memref_slice %arg3[%dma_wait3A_29, %mul3A_2] : memref<50x16384xf32, #tpu.memory_space<hbm>> -> memref<50x512xf32, #tpu.memory_space<hbm>>
    %dma_wait3A_31 = tpu.memref_slice %arg9[%dma_wait3A_28] : memref<4x!tpu.dma_semaphore, #tpu.memory_space<semaphore_mem>> -> memref<1x!tpu.dma_semaphore, #tpu.memory_space<semaphore_mem>>
    %dma_wait3A_32 = tpu.memref_squeeze %dma_wait3A_31 : memref<1x!tpu.dma_semaphore, #tpu.memory_space<semaphore_mem>> -> memref<!tpu.dma_semaphore, #tpu.memory_space<semaphore_mem>>
    %dma_wait3A_33 = arith.constant 0 : i32
    %dma_wait3A_34 = tpu.memref_slice %arg3[%dma_wait3A_33, %mul3A_2] : memref<50x16384xf32, #tpu.memory_space<hbm>> -> memref<50x512xf32, #tpu.memory_space<hbm>>
    tpu.wait_dma2 semaphore(%dma_wait3A_32 : memref<!tpu.dma_semaphore, #tpu.memory_space<semaphore_mem>>) src(%dma_wait3A_34 : memref<50x512xf32, #tpu.memory_space<hbm>>) dst(%arg6 : memref<50x512xf32, #tpu.memory_space<vmem>>)
    %parallel_loop3A_35 = arith.constant 0 : i32
    %parallel_loop3A_36 = arith.constant 50 : i32
    %parallel_loop3A_37 = arith.constant 1 : i32
    scf.for %parallel_loop3A_117 = %parallel_loop3A_35 to %parallel_loop3A_36 step %parallel_loop3A_37  : i32 {
      %parallel_loop3A_118 = arith.index_cast %parallel_loop3A_117 : i32 to index
      %parallel_loop3A_119 = arith.constant 0 : index
      %parallel_loop3A_120 = tpu.vector_load %arg5[%parallel_loop3A_118, %parallel_loop3A_119] {strides = array<i32>} : memref<50x512xi32, #tpu.memory_space<vmem>>, vector<16xi32>,
      %parallel_loop3A_121 = arith.index_cast %parallel_loop3A_117 : i32 to index
      %parallel_loop3A_122 = arith.constant 0 : index
      %parallel_loop3A_123 = tpu.vector_load %arg6[%parallel_loop3A_121, %parallel_loop3A_122] {strides = array<i32>} : memref<50x512xf32, #tpu.memory_space<vmem>>, vector<16xf32>,
      %parallel_loop3A_124 = arith.constant 0 : i32
      %parallel_loop3A_125 = vector.broadcast %parallel_loop3A_124 : i32 to vector<16xi32>
      %parallel_loop3A_126 = arith.addi %iota3A, %parallel_loop3A_125 : vector<16xi32>
      tpu.vector_store_idx %arg7[%parallel_loop3A_126, %parallel_loop3A_120], %parallel_loop3A_123 {add = true} : memref<128x256xf32, #tpu.memory_space<vmem>>[vector<16xi32>, vector<16xi32>], vector<16xf32>,
      %parallel_loop3A_127 = arith.index_cast %parallel_loop3A_117 : i32 to index
      %parallel_loop3A_128 = arith.constant 16 : index
      %parallel_loop3A_129 = tpu.vector_load %arg5[%parallel_loop3A_127, %parallel_loop3A_128] {strides = array<i32>} : memref<50x512xi32, #tpu.memory_space<vmem>>, vector<16xi32>,
      %parallel_loop3A_130 = arith.index_cast %parallel_loop3A_117 : i32 to index
      %parallel_loop3A_131 = arith.constant 16 : index
      %parallel_loop3A_132 = tpu.vector_load %arg6[%parallel_loop3A_130, %parallel_loop3A_131] {strides = array<i32>} : memref<50x512xf32, #tpu.memory_space<vmem>>, vector<16xf32>,
      %parallel_loop3A_133 = arith.constant 16 : i32
      %parallel_loop3A_134 = vector.broadcast %parallel_loop3A_133 : i32 to vector<16xi32>
      %parallel_loop3A_135 = arith.addi %iota3A, %parallel_loop3A_134 : vector<16xi32>
      tpu.vector_store_idx %arg7[%parallel_loop3A_135, %parallel_loop3A_129], %parallel_loop3A_132 {add = true} : memref<128x256xf32, #tpu.memory_space<vmem>>[vector<16xi32>, vector<16xi32>], vector<16xf32>,
      %parallel_loop3A_136 = arith.index_cast %parallel_loop3A_117 : i32 to index
      %parallel_loop3A_137 = arith.constant 32 : index
      %parallel_loop3A_138 = tpu.vector_load %arg5[%parallel_loop3A_136, %parallel_loop3A_137] {strides = array<i32>} : memref<50x512xi32, #tpu.memory_space<vmem>>, vector<16xi32>,
      %parallel_loop3A_139 = arith.index_cast %parallel_loop3A_117 : i32 to index
      %parallel_loop3A_140 = arith.constant 32 : index
      %parallel_loop3A_141 = tpu.vector_load %arg6[%parallel_loop3A_139, %parallel_loop3A_140] {strides = array<i32>} : memref<50x512xf32, #tpu.memory_space<vmem>>, vector<16xf32>,
      %parallel_loop3A_142 = arith.constant 32 : i32
      %parallel_loop3A_143 = vector.broadcast %parallel_loop3A_142 : i32 to vector<16xi32>
      %parallel_loop3A_144 = arith.addi %iota3A, %parallel_loop3A_143 : vector<16xi32>
      tpu.vector_store_idx %arg7[%parallel_loop3A_144, %parallel_loop3A_138], %parallel_loop3A_141 {add = true} : memref<128x256xf32, #tpu.memory_space<vmem>>[vector<16xi32>, vector<16xi32>], vector<16xf32>,
      %parallel_loop3A_145 = arith.index_cast %parallel_loop3A_117 : i32 to index
      %parallel_loop3A_146 = arith.constant 48 : index
      %parallel_loop3A_147 = tpu.vector_load %arg5[%parallel_loop3A_145, %parallel_loop3A_146] {strides = array<i32>} : memref<50x512xi32, #tpu.memory_space<vmem>>, vector<16xi32>,
      %parallel_loop3A_148 = arith.index_cast %parallel_loop3A_117 : i32 to index
      %parallel_loop3A_149 = arith.constant 48 : index
      %parallel_loop3A_150 = tpu.vector_load %arg6[%parallel_loop3A_148, %parallel_loop3A_149] {strides = array<i32>} : memref<50x512xf32, #tpu.memory_space<vmem>>, vector<16xf32>,
      %parallel_loop3A_151 = arith.constant 48 : i32
      %parallel_loop3A_152 = vector.broadcast %parallel_loop3A_151 : i32 to vector<16xi32>
      %parallel_loop3A_153 = arith.addi %iota3A, %parallel_loop3A_152 : vector<16xi32>
      tpu.vector_store_idx %arg7[%parallel_loop3A_153, %parallel_loop3A_147], %parallel_loop3A_150 {add = true} : memref<128x256xf32, #tpu.memory_space<vmem>>[vector<16xi32>, vector<16xi32>], vector<16xf32>,
      %parallel_loop3A_154 = arith.index_cast %parallel_loop3A_117 : i32 to index
      %parallel_loop3A_155 = arith.constant 64 : index
      %parallel_loop3A_156 = tpu.vector_load %arg5[%parallel_loop3A_154, %parallel_loop3A_155] {strides = array<i32>} : memref<50x512xi32, #tpu.memory_space<vmem>>, vector<16xi32>,
      %parallel_loop3A_157 = arith.index_cast %parallel_loop3A_117 : i32 to index
      %parallel_loop3A_158 = arith.constant 64 : index
      %parallel_loop3A_159 = tpu.vector_load %arg6[%parallel_loop3A_157, %parallel_loop3A_158] {strides = array<i32>} : memref<50x512xf32, #tpu.memory_space<vmem>>, vector<16xf32>,
      %parallel_loop3A_160 = arith.constant 64 : i32
      %parallel_loop3A_161 = vector.broadcast %parallel_loop3A_160 : i32 to vector<16xi32>
      %parallel_loop3A_162 = arith.addi %iota3A, %parallel_loop3A_161 : vector<16xi32>
      tpu.vector_store_idx %arg7[%parallel_loop3A_162, %parallel_loop3A_156], %parallel_loop3A_159 {add = true} : memref<128x256xf32, #tpu.memory_space<vmem>>[vector<16xi32>, vector<16xi32>], vector<16xf32>,
      %parallel_loop3A_163 = arith.index_cast %parallel_loop3A_117 : i32 to index
      %parallel_loop3A_164 = arith.constant 80 : index
      %parallel_loop3A_165 = tpu.vector_load %arg5[%parallel_loop3A_163, %parallel_loop3A_164] {strides = array<i32>} : memref<50x512xi32, #tpu.memory_space<vmem>>, vector<16xi32>,
      %parallel_loop3A_166 = arith.index_cast %parallel_loop3A_117 : i32 to index
      %parallel_loop3A_167 = arith.constant 80 : index
      %parallel_loop3A_168 = tpu.vector_load %arg6[%parallel_loop3A_166, %parallel_loop3A_167] {strides = array<i32>} : memref<50x512xf32, #tpu.memory_space<vmem>>, vector<16xf32>,
      %parallel_loop3A_169 = arith.constant 80 : i32
      %parallel_loop3A_170 = vector.broadcast %parallel_loop3A_169 : i32 to vector<16xi32>
      %parallel_loop3A_171 = arith.addi %iota3A, %parallel_loop3A_170 : vector<16xi32>
      tpu.vector_store_idx %arg7[%parallel_loop3A_171, %parallel_loop3A_165], %parallel_loop3A_168 {add = true} : memref<128x256xf32, #tpu.memory_space<vmem>>[vector<16xi32>, vector<16xi32>], vector<16xf32>,
      %parallel_loop3A_172 = arith.index_cast %parallel_loop3A_117 : i32 to index
      %parallel_loop3A_173 = arith.constant 96 : index
      %parallel_loop3A_174 = tpu.vector_load %arg5[%parallel_loop3A_172, %parallel_loop3A_173] {strides = array<i32>} : memref<50x512xi32, #tpu.memory_space<vmem>>, vector<16xi32>,
      %parallel_loop3A_175 = arith.index_cast %parallel_loop3A_117 : i32 to index
      %parallel_loop3A_176 = arith.constant 96 : index
      %parallel_loop3A_177 = tpu.vector_load %arg6[%parallel_loop3A_175, %parallel_loop3A_176] {strides = array<i32>} : memref<50x512xf32, #tpu.memory_space<vmem>>, vector<16xf32>,
      %parallel_loop3A_178 = arith.constant 96 : i32
      %parallel_loop3A_179 = vector.broadcast %parallel_loop3A_178 : i32 to vector<16xi32>
      %parallel_loop3A_180 = arith.addi %iota3A, %parallel_loop3A_179 : vector<16xi32>
      tpu.vector_store_idx %arg7[%parallel_loop3A_180, %parallel_loop3A_174], %parallel_loop3A_177 {add = true} : memref<128x256xf32, #tpu.memory_space<vmem>>[vector<16xi32>, vector<16xi32>], vector<16xf32>,
      %parallel_loop3A_181 = arith.index_cast %parallel_loop3A_117 : i32 to index
      %parallel_loop3A_182 = arith.constant 112 : index
      %parallel_loop3A_183 = tpu.vector_load %arg5[%parallel_loop3A_181, %parallel_loop3A_182] {strides = array<i32>} : memref<50x512xi32, #tpu.memory_space<vmem>>, vector<16xi32>,
      %parallel_loop3A_184 = arith.index_cast %parallel_loop3A_117 : i32 to index
      %parallel_loop3A_185 = arith.constant 112 : index
      %parallel_loop3A_186 = tpu.vector_load %arg6[%parallel_loop3A_184, %parallel_loop3A_185] {strides = array<i32>} : memref<50x512xf32, #tpu.memory_space<vmem>>, vector<16xf32>,
      %parallel_loop3A_187 = arith.constant 112 : i32
      %parallel_loop3A_188 = vector.broadcast %parallel_loop3A_187 : i32 to vector<16xi32>
      %parallel_loop3A_189 = arith.addi %iota3A, %parallel_loop3A_188 : vector<16xi32>
      tpu.vector_store_idx %arg7[%parallel_loop3A_189, %parallel_loop3A_183], %parallel_loop3A_186 {add = true} : memref<128x256xf32, #tpu.memory_space<vmem>>[vector<16xi32>, vector<16xi32>], vector<16xf32>,
    } {sc.loop_unroll_factor = 5 : i64, sc.parallel_access}
    %add3A_38 = arith.constant 0 : i32
    %add3A_39 = arith.addi %mul3A_2, %add3A_38 : i32
    %dma_start3A_40 = arith.constant 0 : i32
    %dma_start3A_41 = arith.constant 0 : i32
    %dma_start3A_42 = tpu.memref_slice %arg4[%add3A_39, %dma_start3A_41] : memref<16384x256xf32, #tpu.memory_space<hbm>> -> memref<128x256xf32, #tpu.memory_space<hbm>>
    %dma_start3A_43 = tpu.memref_slice %arg9[%dma_start3A_40] : memref<4x!tpu.dma_semaphore, #tpu.memory_space<semaphore_mem>> -> memref<1x!tpu.dma_semaphore, #tpu.memory_space<semaphore_mem>>
    %dma_start3A_44 = tpu.memref_squeeze %dma_start3A_43 : memref<1x!tpu.dma_semaphore, #tpu.memory_space<semaphore_mem>> -> memref<!tpu.dma_semaphore, #tpu.memory_space<semaphore_mem>>
    %dma_start3A_45 = arith.constant 0 : i32
    %dma_start3A_46 = tpu.memref_slice %arg4[%add3A_39, %dma_start3A_45] : memref<16384x256xf32, #tpu.memory_space<hbm>> -> memref<128x256xf32, #tpu.memory_space<hbm>>
    tpu.enqueue_dma source(%arg7 : memref<128x256xf32, #tpu.memory_space<vmem>>) target(%dma_start3A_46 : memref<128x256xf32, #tpu.memory_space<hbm>>) target_semaphore(%dma_start3A_44 : memref<!tpu.dma_semaphore, #tpu.memory_space<semaphore_mem>>)
    %parallel_loop3A_47 = arith.constant 0 : i32
    %parallel_loop3A_48 = arith.constant 50 : i32
    %parallel_loop3A_49 = arith.constant 1 : i32
    scf.for %parallel_loop3A_117 = %parallel_loop3A_47 to %parallel_loop3A_48 step %parallel_loop3A_49  : i32 {
      %parallel_loop3A_118 = arith.index_cast %parallel_loop3A_117 : i32 to index
      %parallel_loop3A_119 = arith.constant 128 : index
      %parallel_loop3A_120 = tpu.vector_load %arg5[%parallel_loop3A_118, %parallel_loop3A_119] {strides = array<i32>} : memref<50x512xi32, #tpu.memory_space<vmem>>, vector<16xi32>,
      %parallel_loop3A_121 = arith.index_cast %parallel_loop3A_117 : i32 to index
      %parallel_loop3A_122 = arith.constant 128 : index
      %parallel_loop3A_123 = tpu.vector_load %arg6[%parallel_loop3A_121, %parallel_loop3A_122] {strides = array<i32>} : memref<50x512xf32, #tpu.memory_space<vmem>>, vector<16xf32>,
      %parallel_loop3A_124 = arith.constant 0 : i32
      %parallel_loop3A_125 = vector.broadcast %parallel_loop3A_124 : i32 to vector<16xi32>
      %parallel_loop3A_126 = arith.addi %iota3A, %parallel_loop3A_125 : vector<16xi32>
      tpu.vector_store_idx %arg8[%parallel_loop3A_126, %parallel_loop3A_120], %parallel_loop3A_123 {add = true} : memref<128x256xf32, #tpu.memory_space<vmem>>[vector<16xi32>, vector<16xi32>], vector<16xf32>,
      %parallel_loop3A_127 = arith.index_cast %parallel_loop3A_117 : i32 to index
      %parallel_loop3A_128 = arith.constant 144 : index
      %parallel_loop3A_129 = tpu.vector_load %arg5[%parallel_loop3A_127, %parallel_loop3A_128] {strides = array<i32>} : memref<50x512xi32, #tpu.memory_space<vmem>>, vector<16xi32>,
      %parallel_loop3A_130 = arith.index_cast %parallel_loop3A_117 : i32 to index
      %parallel_loop3A_131 = arith.constant 144 : index
      %parallel_loop3A_132 = tpu.vector_load %arg6[%parallel_loop3A_130, %parallel_loop3A_131] {strides = array<i32>} : memref<50x512xf32, #tpu.memory_space<vmem>>, vector<16xf32>,
      %parallel_loop3A_133 = arith.constant 16 : i32
      %parallel_loop3A_134 = vector.broadcast %parallel_loop3A_133 : i32 to vector<16xi32>
      %parallel_loop3A_135 = arith.addi %iota3A, %parallel_loop3A_134 : vector<16xi32>
      tpu.vector_store_idx %arg8[%parallel_loop3A_135, %parallel_loop3A_129], %parallel_loop3A_132 {add = true} : memref<128x256xf32, #tpu.memory_space<vmem>>[vector<16xi32>, vector<16xi32>], vector<16xf32>,
      %parallel_loop3A_136 = arith.index_cast %parallel_loop3A_117 : i32 to index
      %parallel_loop3A_137 = arith.constant 160 : index
      %parallel_loop3A_138 = tpu.vector_load %arg5[%parallel_loop3A_136, %parallel_loop3A_137] {strides = array<i32>} : memref<50x512xi32, #tpu.memory_space<vmem>>, vector<16xi32>,
      %parallel_loop3A_139 = arith.index_cast %parallel_loop3A_117 : i32 to index
      %parallel_loop3A_140 = arith.constant 160 : index
      %parallel_loop3A_141 = tpu.vector_load %arg6[%parallel_loop3A_139, %parallel_loop3A_140] {strides = array<i32>} : memref<50x512xf32, #tpu.memory_space<vmem>>, vector<16xf32>,
      %parallel_loop3A_142 = arith.constant 32 : i32
      %parallel_loop3A_143 = vector.broadcast %parallel_loop3A_142 : i32 to vector<16xi32>
      %parallel_loop3A_144 = arith.addi %iota3A, %parallel_loop3A_143 : vector<16xi32>
      tpu.vector_store_idx %arg8[%parallel_loop3A_144, %parallel_loop3A_138], %parallel_loop3A_141 {add = true} : memref<128x256xf32, #tpu.memory_space<vmem>>[vector<16xi32>, vector<16xi32>], vector<16xf32>,
      %parallel_loop3A_145 = arith.index_cast %parallel_loop3A_117 : i32 to index
      %parallel_loop3A_146 = arith.constant 176 : index
      %parallel_loop3A_147 = tpu.vector_load %arg5[%parallel_loop3A_145, %parallel_loop3A_146] {strides = array<i32>} : memref<50x512xi32, #tpu.memory_space<vmem>>, vector<16xi32>,
      %parallel_loop3A_148 = arith.index_cast %parallel_loop3A_117 : i32 to index
      %parallel_loop3A_149 = arith.constant 176 : index
      %parallel_loop3A_150 = tpu.vector_load %arg6[%parallel_loop3A_148, %parallel_loop3A_149] {strides = array<i32>} : memref<50x512xf32, #tpu.memory_space<vmem>>, vector<16xf32>,
      %parallel_loop3A_151 = arith.constant 48 : i32
      %parallel_loop3A_152 = vector.broadcast %parallel_loop3A_151 : i32 to vector<16xi32>
      %parallel_loop3A_153 = arith.addi %iota3A, %parallel_loop3A_152 : vector<16xi32>
      tpu.vector_store_idx %arg8[%parallel_loop3A_153, %parallel_loop3A_147], %parallel_loop3A_150 {add = true} : memref<128x256xf32, #tpu.memory_space<vmem>>[vector<16xi32>, vector<16xi32>], vector<16xf32>,
      %parallel_loop3A_154 = arith.index_cast %parallel_loop3A_117 : i32 to index
      %parallel_loop3A_155 = arith.constant 192 : index
      %parallel_loop3A_156 = tpu.vector_load %arg5[%parallel_loop3A_154, %parallel_loop3A_155] {strides = array<i32>} : memref<50x512xi32, #tpu.memory_space<vmem>>, vector<16xi32>,
      %parallel_loop3A_157 = arith.index_cast %parallel_loop3A_117 : i32 to index
      %parallel_loop3A_158 = arith.constant 192 : index
      %parallel_loop3A_159 = tpu.vector_load %arg6[%parallel_loop3A_157, %parallel_loop3A_158] {strides = array<i32>} : memref<50x512xf32, #tpu.memory_space<vmem>>, vector<16xf32>,
      %parallel_loop3A_160 = arith.constant 64 : i32
      %parallel_loop3A_161 = vector.broadcast %parallel_loop3A_160 : i32 to vector<16xi32>
      %parallel_loop3A_162 = arith.addi %iota3A, %parallel_loop3A_161 : vector<16xi32>
      tpu.vector_store_idx %arg8[%parallel_loop3A_162, %parallel_loop3A_156], %parallel_loop3A_159 {add = true} : memref<128x256xf32, #tpu.memory_space<vmem>>[vector<16xi32>, vector<16xi32>], vector<16xf32>,
      %parallel_loop3A_163 = arith.index_cast %parallel_loop3A_117 : i32 to index
      %parallel_loop3A_164 = arith.constant 208 : index
      %parallel_loop3A_165 = tpu.vector_load %arg5[%parallel_loop3A_163, %parallel_loop3A_164] {strides = array<i32>} : memref<50x512xi32, #tpu.memory_space<vmem>>, vector<16xi32>,
      %parallel_loop3A_166 = arith.index_cast %parallel_loop3A_117 : i32 to index
      %parallel_loop3A_167 = arith.constant 208 : index
      %parallel_loop3A_168 = tpu.vector_load %arg6[%parallel_loop3A_166, %parallel_loop3A_167] {strides = array<i32>} : memref<50x512xf32, #tpu.memory_space<vmem>>, vector<16xf32>,
      %parallel_loop3A_169 = arith.constant 80 : i32
      %parallel_loop3A_170 = vector.broadcast %parallel_loop3A_169 : i32 to vector<16xi32>
      %parallel_loop3A_171 = arith.addi %iota3A, %parallel_loop3A_170 : vector<16xi32>
      tpu.vector_store_idx %arg8[%parallel_loop3A_171, %parallel_loop3A_165], %parallel_loop3A_168 {add = true} : memref<128x256xf32, #tpu.memory_space<vmem>>[vector<16xi32>, vector<16xi32>], vector<16xf32>,
      %parallel_loop3A_172 = arith.index_cast %parallel_loop3A_117 : i32 to index
      %parallel_loop3A_173 = arith.constant 224 : index
      %parallel_loop3A_174 = tpu.vector_load %arg5[%parallel_loop3A_172, %parallel_loop3A_173] {strides = array<i32>} : memref<50x512xi32, #tpu.memory_space<vmem>>, vector<16xi32>,
      %parallel_loop3A_175 = arith.index_cast %parallel_loop3A_117 : i32 to index
      %parallel_loop3A_176 = arith.constant 224 : index
      %parallel_loop3A_177 = tpu.vector_load %arg6[%parallel_loop3A_175, %parallel_loop3A_176] {strides = array<i32>} : memref<50x512xf32, #tpu.memory_space<vmem>>, vector<16xf32>,
      %parallel_loop3A_178 = arith.constant 96 : i32
      %parallel_loop3A_179 = vector.broadcast %parallel_loop3A_178 : i32 to vector<16xi32>
      %parallel_loop3A_180 = arith.addi %iota3A, %parallel_loop3A_179 : vector<16xi32>
      tpu.vector_store_idx %arg8[%parallel_loop3A_180, %parallel_loop3A_174], %parallel_loop3A_177 {add = true} : memref<128x256xf32, #tpu.memory_space<vmem>>[vector<16xi32>, vector<16xi32>], vector<16xf32>,
      %parallel_loop3A_181 = arith.index_cast %parallel_loop3A_117 : i32 to index
      %parallel_loop3A_182 = arith.constant 240 : index
      %parallel_loop3A_183 = tpu.vector_load %arg5[%parallel_loop3A_181, %parallel_loop3A_182] {strides = array<i32>} : memref<50x512xi32, #tpu.memory_space<vmem>>, vector<16xi32>,
      %parallel_loop3A_184 = arith.index_cast %parallel_loop3A_117 : i32 to index
      %parallel_loop3A_185 = arith.constant 240 : index
      %parallel_loop3A_186 = tpu.vector_load %arg6[%parallel_loop3A_184, %parallel_loop3A_185] {strides = array<i32>} : memref<50x512xf32, #tpu.memory_space<vmem>>, vector<16xf32>,
      %parallel_loop3A_187 = arith.constant 112 : i32
      %parallel_loop3A_188 = vector.broadcast %parallel_loop3A_187 : i32 to vector<16xi32>
      %parallel_loop3A_189 = arith.addi %iota3A, %parallel_loop3A_188 : vector<16xi32>
      tpu.vector_store_idx %arg8[%parallel_loop3A_189, %parallel_loop3A_183], %parallel_loop3A_186 {add = true} : memref<128x256xf32, #tpu.memory_space<vmem>>[vector<16xi32>, vector<16xi32>], vector<16xf32>,
    } {sc.loop_unroll_factor = 5 : i64, sc.parallel_access}
    %add3A_50 = arith.constant 128 : i32
    %add3A_51 = arith.addi %mul3A_2, %add3A_50 : i32
    %dma_start3A_52 = arith.constant 1 : i32
    %dma_start3A_53 = arith.constant 0 : i32
    %dma_start3A_54 = tpu.memref_slice %arg4[%add3A_51, %dma_start3A_53] : memref<16384x256xf32, #tpu.memory_space<hbm>> -> memref<128x256xf32, #tpu.memory_space<hbm>>
    %dma_start3A_55 = tpu.memref_slice %arg9[%dma_start3A_52] : memref<4x!tpu.dma_semaphore, #tpu.memory_space<semaphore_mem>> -> memref<1x!tpu.dma_semaphore, #tpu.memory_space<semaphore_mem>>
    %dma_start3A_56 = tpu.memref_squeeze %dma_start3A_55 : memref<1x!tpu.dma_semaphore, #tpu.memory_space<semaphore_mem>> -> memref<!tpu.dma_semaphore, #tpu.memory_space<semaphore_mem>>
    %dma_start3A_57 = arith.constant 0 : i32
    %dma_start3A_58 = tpu.memref_slice %arg4[%add3A_51, %dma_start3A_57] : memref<16384x256xf32, #tpu.memory_space<hbm>> -> memref<128x256xf32, #tpu.memory_space<hbm>>
    tpu.enqueue_dma source(%arg8 : memref<128x256xf32, #tpu.memory_space<vmem>>) target(%dma_start3A_58 : memref<128x256xf32, #tpu.memory_space<hbm>>) target_semaphore(%dma_start3A_56 : memref<!tpu.dma_semaphore, #tpu.memory_space<semaphore_mem>>)
    %dma_wait3A_59 = arith.constant 0 : i32
    %dma_wait3A_60 = arith.constant 0 : i32
    %dma_wait3A_61 = tpu.memref_slice %arg4[%add3A_39, %dma_wait3A_60] : memref<16384x256xf32, #tpu.memory_space<hbm>> -> memref<128x256xf32, #tpu.memory_space<hbm>>
    %dma_wait3A_62 = tpu.memref_slice %arg9[%dma_wait3A_59] : memref<4x!tpu.dma_semaphore, #tpu.memory_space<semaphore_mem>> -> memref<1x!tpu.dma_semaphore, #tpu.memory_space<semaphore_mem>>
    %dma_wait3A_63 = tpu.memref_squeeze %dma_wait3A_62 : memref<1x!tpu.dma_semaphore, #tpu.memory_space<semaphore_mem>> -> memref<!tpu.dma_semaphore, #tpu.memory_space<semaphore_mem>>
    %dma_wait3A_64 = arith.constant 0 : i32
    %dma_wait3A_65 = tpu.memref_slice %arg4[%add3A_39, %dma_wait3A_64] : memref<16384x256xf32, #tpu.memory_space<hbm>> -> memref<128x256xf32, #tpu.memory_space<hbm>>
    tpu.wait_dma2 semaphore(%dma_wait3A_63 : memref<!tpu.dma_semaphore, #tpu.memory_space<semaphore_mem>>) src(%arg7 : memref<128x256xf32, #tpu.memory_space<vmem>>) dst(%dma_wait3A_65 : memref<128x256xf32, #tpu.memory_space<hbm>>)
    %parallel_loop3A_66 = arith.constant 0 : i32
    %parallel_loop3A_67 = arith.constant 128 : i32
    %parallel_loop3A_68 = arith.constant 2 : i32
    scf.for %parallel_loop3A_117 = %parallel_loop3A_66 to %parallel_loop3A_67 step %parallel_loop3A_68  : i32 {
      %parallel_loop3A_118 = arith.constant 0 : i32
      %parallel_loop3A_119 = arith.addi %parallel_loop3A_117, %parallel_loop3A_118 : i32
      %parallel_loop3A_120 = arith.index_cast %parallel_loop3A_119 : i32 to index
      %parallel_loop3A_121 = arith.constant 0 : index
      %parallel_loop3A_122 = tpu.vector_load %arg7[%parallel_loop3A_120, %parallel_loop3A_121] {strides = array<i32>} : memref<128x256xf32, #tpu.memory_space<vmem>>, vector<16xf32>,
      tpu.vector_store %arg7[%parallel_loop3A_120, %parallel_loop3A_121], %broadcast_in_dim3A_3 {strides = array<i32>} : memref<128x256xf32, #tpu.memory_space<vmem>>, vector<16xf32>,
      %parallel_loop3A_123 = arith.constant 0 : i32
      %parallel_loop3A_124 = arith.addi %parallel_loop3A_117, %parallel_loop3A_123 : i32
      %parallel_loop3A_125 = arith.index_cast %parallel_loop3A_124 : i32 to index
      %parallel_loop3A_126 = arith.constant 16 : index
      %parallel_loop3A_127 = tpu.vector_load %arg7[%parallel_loop3A_125, %parallel_loop3A_126] {strides = array<i32>} : memref<128x256xf32, #tpu.memory_space<vmem>>, vector<16xf32>,
      tpu.vector_store %arg7[%parallel_loop3A_125, %parallel_loop3A_126], %broadcast_in_dim3A_3 {strides = array<i32>} : memref<128x256xf32, #tpu.memory_space<vmem>>, vector<16xf32>,
      %parallel_loop3A_128 = arith.constant 0 : i32
      %parallel_loop3A_129 = arith.addi %parallel_loop3A_117, %parallel_loop3A_128 : i32
      %parallel_loop3A_130 = arith.index_cast %parallel_loop3A_129 : i32 to index
      %parallel_loop3A_131 = arith.constant 32 : index
      %parallel_loop3A_132 = tpu.vector_load %arg7[%parallel_loop3A_130, %parallel_loop3A_131] {strides = array<i32>} : memref<128x256xf32, #tpu.memory_space<vmem>>, vector<16xf32>,
      tpu.vector_store %arg7[%parallel_loop3A_130, %parallel_loop3A_131], %broadcast_in_dim3A_3 {strides = array<i32>} : memref<128x256xf32, #tpu.memory_space<vmem>>, vector<16xf32>,
      %parallel_loop3A_133 = arith.constant 0 : i32
      %parallel_loop3A_134 = arith.addi %parallel_loop3A_117, %parallel_loop3A_133 : i32
      %parallel_loop3A_135 = arith.index_cast %parallel_loop3A_134 : i32 to index
      %parallel_loop3A_136 = arith.constant 48 : index
      %parallel_loop3A_137 = tpu.vector_load %arg7[%parallel_loop3A_135, %parallel_loop3A_136] {strides = array<i32>} : memref<128x256xf32, #tpu.memory_space<vmem>>, vector<16xf32>,
      tpu.vector_store %arg7[%parallel_loop3A_135, %parallel_loop3A_136], %broadcast_in_dim3A_3 {strides = array<i32>} : memref<128x256xf32, #tpu.memory_space<vmem>>, vector<16xf32>,
      %parallel_loop3A_138 = arith.constant 0 : i32
      %parallel_loop3A_139 = arith.addi %parallel_loop3A_117, %parallel_loop3A_138 : i32
      %parallel_loop3A_140 = arith.index_cast %parallel_loop3A_139 : i32 to index
      %parallel_loop3A_141 = arith.constant 64 : index
      %parallel_loop3A_142 = tpu.vector_load %arg7[%parallel_loop3A_140, %parallel_loop3A_141] {strides = array<i32>} : memref<128x256xf32, #tpu.memory_space<vmem>>, vector<16xf32>,
      tpu.vector_store %arg7[%parallel_loop3A_140, %parallel_loop3A_141], %broadcast_in_dim3A_3 {strides = array<i32>} : memref<128x256xf32, #tpu.memory_space<vmem>>, vector<16xf32>,
      %parallel_loop3A_143 = arith.constant 0 : i32
      %parallel_loop3A_144 = arith.addi %parallel_loop3A_117, %parallel_loop3A_143 : i32
      %parallel_loop3A_145 = arith.index_cast %parallel_loop3A_144 : i32 to index
      %parallel_loop3A_146 = arith.constant 80 : index
      %parallel_loop3A_147 = tpu.vector_load %arg7[%parallel_loop3A_145, %parallel_loop3A_146] {strides = array<i32>} : memref<128x256xf32, #tpu.memory_space<vmem>>, vector<16xf32>,
      tpu.vector_store %arg7[%parallel_loop3A_145, %parallel_loop3A_146], %broadcast_in_dim3A_3 {strides = array<i32>} : memref<128x256xf32, #tpu.memory_space<vmem>>, vector<16xf32>,
      %parallel_loop3A_148 = arith.constant 0 : i32
      %parallel_loop3A_149 = arith.addi %parallel_loop3A_117, %parallel_loop3A_148 : i32
      %parallel_loop3A_150 = arith.index_cast %parallel_loop3A_149 : i32 to index
      %parallel_loop3A_151 = arith.constant 96 : index
      %parallel_loop3A_152 = tpu.vector_load %arg7[%parallel_loop3A_150, %parallel_loop3A_151] {strides = array<i32>} : memref<128x256xf32, #tpu.memory_space<vmem>>, vector<16xf32>,
      tpu.vector_store %arg7[%parallel_loop3A_150, %parallel_loop3A_151], %broadcast_in_dim3A_3 {strides = array<i32>} : memref<128x256xf32, #tpu.memory_space<vmem>>, vector<16xf32>,
      %parallel_loop3A_153 = arith.constant 0 : i32
      %parallel_loop3A_154 = arith.addi %parallel_loop3A_117, %parallel_loop3A_153 : i32
      %parallel_loop3A_155 = arith.index_cast %parallel_loop3A_154 : i32 to index
      %parallel_loop3A_156 = arith.constant 112 : index
      %parallel_loop3A_157 = tpu.vector_load %arg7[%parallel_loop3A_155, %parallel_loop3A_156] {strides = array<i32>} : memref<128x256xf32, #tpu.memory_space<vmem>>, vector<16xf32>,
      tpu.vector_store %arg7[%parallel_loop3A_155, %parallel_loop3A_156], %broadcast_in_dim3A_3 {strides = array<i32>} : memref<128x256xf32, #tpu.memory_space<vmem>>, vector<16xf32>,
      %parallel_loop3A_158 = arith.constant 0 : i32
      %parallel_loop3A_159 = arith.addi %parallel_loop3A_117, %parallel_loop3A_158 : i32
      %parallel_loop3A_160 = arith.index_cast %parallel_loop3A_159 : i32 to index
      %parallel_loop3A_161 = arith.constant 128 : index
      %parallel_loop3A_162 = tpu.vector_load %arg7[%parallel_loop3A_160, %parallel_loop3A_161] {strides = array<i32>} : memref<128x256xf32, #tpu.memory_space<vmem>>, vector<16xf32>,
      tpu.vector_store %arg7[%parallel_loop3A_160, %parallel_loop3A_161], %broadcast_in_dim3A_3 {strides = array<i32>} : memref<128x256xf32, #tpu.memory_space<vmem>>, vector<16xf32>,
      %parallel_loop3A_163 = arith.constant 0 : i32
      %parallel_loop3A_164 = arith.addi %parallel_loop3A_117, %parallel_loop3A_163 : i32
      %parallel_loop3A_165 = arith.index_cast %parallel_loop3A_164 : i32 to index
      %parallel_loop3A_166 = arith.constant 144 : index
      %parallel_loop3A_167 = tpu.vector_load %arg7[%parallel_loop3A_165, %parallel_loop3A_166] {strides = array<i32>} : memref<128x256xf32, #tpu.memory_space<vmem>>, vector<16xf32>,
      tpu.vector_store %arg7[%parallel_loop3A_165, %parallel_loop3A_166], %broadcast_in_dim3A_3 {strides = array<i32>} : memref<128x256xf32, #tpu.memory_space<vmem>>, vector<16xf32>,
      %parallel_loop3A_168 = arith.constant 0 : i32
      %parallel_loop3A_169 = arith.addi %parallel_loop3A_117, %parallel_loop3A_168 : i32
      %parallel_loop3A_170 = arith.index_cast %parallel_loop3A_169 : i32 to index
      %parallel_loop3A_171 = arith.constant 160 : index
      %parallel_loop3A_172 = tpu.vector_load %arg7[%parallel_loop3A_170, %parallel_loop3A_171] {strides = array<i32>} : memref<128x256xf32, #tpu.memory_space<vmem>>, vector<16xf32>,
      tpu.vector_store %arg7[%parallel_loop3A_170, %parallel_loop3A_171], %broadcast_in_dim3A_3 {strides = array<i32>} : memref<128x256xf32, #tpu.memory_space<vmem>>, vector<16xf32>,
      %parallel_loop3A_173 = arith.constant 0 : i32
      %parallel_loop3A_174 = arith.addi %parallel_loop3A_117, %parallel_loop3A_173 : i32
      %parallel_loop3A_175 = arith.index_cast %parallel_loop3A_174 : i32 to index
      %parallel_loop3A_176 = arith.constant 176 : index
      %parallel_loop3A_177 = tpu.vector_load %arg7[%parallel_loop3A_175, %parallel_loop3A_176] {strides = array<i32>} : memref<128x256xf32, #tpu.memory_space<vmem>>, vector<16xf32>,
      tpu.vector_store %arg7[%parallel_loop3A_175, %parallel_loop3A_176], %broadcast_in_dim3A_3 {strides = array<i32>} : memref<128x256xf32, #tpu.memory_space<vmem>>, vector<16xf32>,
      %parallel_loop3A_178 = arith.constant 0 : i32
      %parallel_loop3A_179 = arith.addi %parallel_loop3A_117, %parallel_loop3A_178 : i32
      %parallel_loop3A_180 = arith.index_cast %parallel_loop3A_179 : i32 to index
      %parallel_loop3A_181 = arith.constant 192 : index
      %parallel_loop3A_182 = tpu.vector_load %arg7[%parallel_loop3A_180, %parallel_loop3A_181] {strides = array<i32>} : memref<128x256xf32, #tpu.memory_space<vmem>>, vector<16xf32>,
      tpu.vector_store %arg7[%parallel_loop3A_180, %parallel_loop3A_181], %broadcast_in_dim3A_3 {strides = array<i32>} : memref<128x256xf32, #tpu.memory_space<vmem>>, vector<16xf32>,
      %parallel_loop3A_183 = arith.constant 0 : i32
      %parallel_loop3A_184 = arith.addi %parallel_loop3A_117, %parallel_loop3A_183 : i32
      %parallel_loop3A_185 = arith.index_cast %parallel_loop3A_184 : i32 to index
      %parallel_loop3A_186 = arith.constant 208 : index
      %parallel_loop3A_187 = tpu.vector_load %arg7[%parallel_loop3A_185, %parallel_loop3A_186] {strides = array<i32>} : memref<128x256xf32, #tpu.memory_space<vmem>>, vector<16xf32>,
      tpu.vector_store %arg7[%parallel_loop3A_185, %parallel_loop3A_186], %broadcast_in_dim3A_3 {strides = array<i32>} : memref<128x256xf32, #tpu.memory_space<vmem>>, vector<16xf32>,
      %parallel_loop3A_188 = arith.constant 0 : i32
      %parallel_loop3A_189 = arith.addi %parallel_loop3A_117, %parallel_loop3A_188 : i32
      %parallel_loop3A_190 = arith.index_cast %parallel_loop3A_189 : i32 to index
      %parallel_loop3A_191 = arith.constant 224 : index
      %parallel_loop3A_192 = tpu.vector_load %arg7[%parallel_loop3A_190, %parallel_loop3A_191] {strides = array<i32>} : memref<128x256xf32, #tpu.memory_space<vmem>>, vector<16xf32>,
      tpu.vector_store %arg7[%parallel_loop3A_190, %parallel_loop3A_191], %broadcast_in_dim3A_3 {strides = array<i32>} : memref<128x256xf32, #tpu.memory_space<vmem>>, vector<16xf32>,
      %parallel_loop3A_193 = arith.constant 0 : i32
      %parallel_loop3A_194 = arith.addi %parallel_loop3A_117, %parallel_loop3A_193 : i32
      %parallel_loop3A_195 = arith.index_cast %parallel_loop3A_194 : i32 to index
      %parallel_loop3A_196 = arith.constant 240 : index
      %parallel_loop3A_197 = tpu.vector_load %arg7[%parallel_loop3A_195, %parallel_loop3A_196] {strides = array<i32>} : memref<128x256xf32, #tpu.memory_space<vmem>>, vector<16xf32>,
      tpu.vector_store %arg7[%parallel_loop3A_195, %parallel_loop3A_196], %broadcast_in_dim3A_3 {strides = array<i32>} : memref<128x256xf32, #tpu.memory_space<vmem>>, vector<16xf32>,
      %parallel_loop3A_198 = arith.constant 1 : i32
      %parallel_loop3A_199 = arith.addi %parallel_loop3A_117, %parallel_loop3A_198 : i32
      %parallel_loop3A_200 = arith.index_cast %parallel_loop3A_199 : i32 to index
      %parallel_loop3A_201 = arith.constant 0 : index
      %parallel_loop3A_202 = tpu.vector_load %arg7[%parallel_loop3A_200, %parallel_loop3A_201] {strides = array<i32>} : memref<128x256xf32, #tpu.memory_space<vmem>>, vector<16xf32>,
      tpu.vector_store %arg7[%parallel_loop3A_200, %parallel_loop3A_201], %broadcast_in_dim3A_3 {strides = array<i32>} : memref<128x256xf32, #tpu.memory_space<vmem>>, vector<16xf32>,
      %parallel_loop3A_203 = arith.constant 1 : i32
      %parallel_loop3A_204 = arith.addi %parallel_loop3A_117, %parallel_loop3A_203 : i32
      %parallel_loop3A_205 = arith.index_cast %parallel_loop3A_204 : i32 to index
      %parallel_loop3A_206 = arith.constant 16 : index
      %parallel_loop3A_207 = tpu.vector_load %arg7[%parallel_loop3A_205, %parallel_loop3A_206] {strides = array<i32>} : memref<128x256xf32, #tpu.memory_space<vmem>>, vector<16xf32>,
      tpu.vector_store %arg7[%parallel_loop3A_205, %parallel_loop3A_206], %broadcast_in_dim3A_3 {strides = array<i32>} : memref<128x256xf32, #tpu.memory_space<vmem>>, vector<16xf32>,
      %parallel_loop3A_208 = arith.constant 1 : i32
      %parallel_loop3A_209 = arith.addi %parallel_loop3A_117, %parallel_loop3A_208 : i32
      %parallel_loop3A_210 = arith.index_cast %parallel_loop3A_209 : i32 to index
      %parallel_loop3A_211 = arith.constant 32 : index
      %parallel_loop3A_212 = tpu.vector_load %arg7[%parallel_loop3A_210, %parallel_loop3A_211] {strides = array<i32>} : memref<128x256xf32, #tpu.memory_space<vmem>>, vector<16xf32>,
      tpu.vector_store %arg7[%parallel_loop3A_210, %parallel_loop3A_211], %broadcast_in_dim3A_3 {strides = array<i32>} : memref<128x256xf32, #tpu.memory_space<vmem>>, vector<16xf32>,
      %parallel_loop3A_213 = arith.constant 1 : i32
      %parallel_loop3A_214 = arith.addi %parallel_loop3A_117, %parallel_loop3A_213 : i32
      %parallel_loop3A_215 = arith.index_cast %parallel_loop3A_214 : i32 to index
      %parallel_loop3A_216 = arith.constant 48 : index
      %parallel_loop3A_217 = tpu.vector_load %arg7[%parallel_loop3A_215, %parallel_loop3A_216] {strides = array<i32>} : memref<128x256xf32, #tpu.memory_space<vmem>>, vector<16xf32>,
      tpu.vector_store %arg7[%parallel_loop3A_215, %parallel_loop3A_216], %broadcast_in_dim3A_3 {strides = array<i32>} : memref<128x256xf32, #tpu.memory_space<vmem>>, vector<16xf32>,
      %parallel_loop3A_218 = arith.constant 1 : i32
      %parallel_loop3A_219 = arith.addi %parallel_loop3A_117, %parallel_loop3A_218 : i32
      %parallel_loop3A_220 = arith.index_cast %parallel_loop3A_219 : i32 to index
      %parallel_loop3A_221 = arith.constant 64 : index
      %parallel_loop3A_222 = tpu.vector_load %arg7[%parallel_loop3A_220, %parallel_loop3A_221] {strides = array<i32>} : memref<128x256xf32, #tpu.memory_space<vmem>>, vector<16xf32>,
      tpu.vector_store %arg7[%parallel_loop3A_220, %parallel_loop3A_221], %broadcast_in_dim3A_3 {strides = array<i32>} : memref<128x256xf32, #tpu.memory_space<vmem>>, vector<16xf32>,
      %parallel_loop3A_223 = arith.constant 1 : i32
      %parallel_loop3A_224 = arith.addi %parallel_loop3A_117, %parallel_loop3A_223 : i32
      %parallel_loop3A_225 = arith.index_cast %parallel_loop3A_224 : i32 to index
      %parallel_loop3A_226 = arith.constant 80 : index
      %parallel_loop3A_227 = tpu.vector_load %arg7[%parallel_loop3A_225, %parallel_loop3A_226] {strides = array<i32>} : memref<128x256xf32, #tpu.memory_space<vmem>>, vector<16xf32>,
      tpu.vector_store %arg7[%parallel_loop3A_225, %parallel_loop3A_226], %broadcast_in_dim3A_3 {strides = array<i32>} : memref<128x256xf32, #tpu.memory_space<vmem>>, vector<16xf32>,
      %parallel_loop3A_228 = arith.constant 1 : i32
      %parallel_loop3A_229 = arith.addi %parallel_loop3A_117, %parallel_loop3A_228 : i32
      %parallel_loop3A_230 = arith.index_cast %parallel_loop3A_229 : i32 to index
      %parallel_loop3A_231 = arith.constant 96 : index
      %parallel_loop3A_232 = tpu.vector_load %arg7[%parallel_loop3A_230, %parallel_loop3A_231] {strides = array<i32>} : memref<128x256xf32, #tpu.memory_space<vmem>>, vector<16xf32>,
      tpu.vector_store %arg7[%parallel_loop3A_230, %parallel_loop3A_231], %broadcast_in_dim3A_3 {strides = array<i32>} : memref<128x256xf32, #tpu.memory_space<vmem>>, vector<16xf32>,
      %parallel_loop3A_233 = arith.constant 1 : i32
      %parallel_loop3A_234 = arith.addi %parallel_loop3A_117, %parallel_loop3A_233 : i32
      %parallel_loop3A_235 = arith.index_cast %parallel_loop3A_234 : i32 to index
      %parallel_loop3A_236 = arith.constant 112 : index
      %parallel_loop3A_237 = tpu.vector_load %arg7[%parallel_loop3A_235, %parallel_loop3A_236] {strides = array<i32>} : memref<128x256xf32, #tpu.memory_space<vmem>>, vector<16xf32>,
      tpu.vector_store %arg7[%parallel_loop3A_235, %parallel_loop3A_236], %broadcast_in_dim3A_3 {strides = array<i32>} : memref<128x256xf32, #tpu.memory_space<vmem>>, vector<16xf32>,
      %parallel_loop3A_238 = arith.constant 1 : i32
      %parallel_loop3A_239 = arith.addi %parallel_loop3A_117, %parallel_loop3A_238 : i32
      %parallel_loop3A_240 = arith.index_cast %parallel_loop3A_239 : i32 to index
      %parallel_loop3A_241 = arith.constant 128 : index
      %parallel_loop3A_242 = tpu.vector_load %arg7[%parallel_loop3A_240, %parallel_loop3A_241] {strides = array<i32>} : memref<128x256xf32, #tpu.memory_space<vmem>>, vector<16xf32>,
      tpu.vector_store %arg7[%parallel_loop3A_240, %parallel_loop3A_241], %broadcast_in_dim3A_3 {strides = array<i32>} : memref<128x256xf32, #tpu.memory_space<vmem>>, vector<16xf32>,
      %parallel_loop3A_243 = arith.constant 1 : i32
      %parallel_loop3A_244 = arith.addi %parallel_loop3A_117, %parallel_loop3A_243 : i32
      %parallel_loop3A_245 = arith.index_cast %parallel_loop3A_244 : i32 to index
      %parallel_loop3A_246 = arith.constant 144 : index
      %parallel_loop3A_247 = tpu.vector_load %arg7[%parallel_loop3A_245, %parallel_loop3A_246] {strides = array<i32>} : memref<128x256xf32, #tpu.memory_space<vmem>>, vector<16xf32>,
      tpu.vector_store %arg7[%parallel_loop3A_245, %parallel_loop3A_246], %broadcast_in_dim3A_3 {strides = array<i32>} : memref<128x256xf32, #tpu.memory_space<vmem>>, vector<16xf32>,
      %parallel_loop3A_248 = arith.constant 1 : i32
      %parallel_loop3A_249 = arith.addi %parallel_loop3A_117, %parallel_loop3A_248 : i32
      %parallel_loop3A_250 = arith.index_cast %parallel_loop3A_249 : i32 to index
      %parallel_loop3A_251 = arith.constant 160 : index
      %parallel_loop3A_252 = tpu.vector_load %arg7[%parallel_loop3A_250, %parallel_loop3A_251] {strides = array<i32>} : memref<128x256xf32, #tpu.memory_space<vmem>>, vector<16xf32>,
      tpu.vector_store %arg7[%parallel_loop3A_250, %parallel_loop3A_251], %broadcast_in_dim3A_3 {strides = array<i32>} : memref<128x256xf32, #tpu.memory_space<vmem>>, vector<16xf32>,
      %parallel_loop3A_253 = arith.constant 1 : i32
      %parallel_loop3A_254 = arith.addi %parallel_loop3A_117, %parallel_loop3A_253 : i32
      %parallel_loop3A_255 = arith.index_cast %parallel_loop3A_254 : i32 to index
      %parallel_loop3A_256 = arith.constant 176 : index
      %parallel_loop3A_257 = tpu.vector_load %arg7[%parallel_loop3A_255, %parallel_loop3A_256] {strides = array<i32>} : memref<128x256xf32, #tpu.memory_space<vmem>>, vector<16xf32>,
      tpu.vector_store %arg7[%parallel_loop3A_255, %parallel_loop3A_256], %broadcast_in_dim3A_3 {strides = array<i32>} : memref<128x256xf32, #tpu.memory_space<vmem>>, vector<16xf32>,
      %parallel_loop3A_258 = arith.constant 1 : i32
      %parallel_loop3A_259 = arith.addi %parallel_loop3A_117, %parallel_loop3A_258 : i32
      %parallel_loop3A_260 = arith.index_cast %parallel_loop3A_259 : i32 to index
      %parallel_loop3A_261 = arith.constant 192 : index
      %parallel_loop3A_262 = tpu.vector_load %arg7[%parallel_loop3A_260, %parallel_loop3A_261] {strides = array<i32>} : memref<128x256xf32, #tpu.memory_space<vmem>>, vector<16xf32>,
      tpu.vector_store %arg7[%parallel_loop3A_260, %parallel_loop3A_261], %broadcast_in_dim3A_3 {strides = array<i32>} : memref<128x256xf32, #tpu.memory_space<vmem>>, vector<16xf32>,
      %parallel_loop3A_263 = arith.constant 1 : i32
      %parallel_loop3A_264 = arith.addi %parallel_loop3A_117, %parallel_loop3A_263 : i32
      %parallel_loop3A_265 = arith.index_cast %parallel_loop3A_264 : i32 to index
      %parallel_loop3A_266 = arith.constant 208 : index
      %parallel_loop3A_267 = tpu.vector_load %arg7[%parallel_loop3A_265, %parallel_loop3A_266] {strides = array<i32>} : memref<128x256xf32, #tpu.memory_space<vmem>>, vector<16xf32>,
      tpu.vector_store %arg7[%parallel_loop3A_265, %parallel_loop3A_266], %broadcast_in_dim3A_3 {strides = array<i32>} : memref<128x256xf32, #tpu.memory_space<vmem>>, vector<16xf32>,
      %parallel_loop3A_268 = arith.constant 1 : i32
      %parallel_loop3A_269 = arith.addi %parallel_loop3A_117, %parallel_loop3A_268 : i32
      %parallel_loop3A_270 = arith.index_cast %parallel_loop3A_269 : i32 to index
      %parallel_loop3A_271 = arith.constant 224 : index
      %parallel_loop3A_272 = tpu.vector_load %arg7[%parallel_loop3A_270, %parallel_loop3A_271] {strides = array<i32>} : memref<128x256xf32, #tpu.memory_space<vmem>>, vector<16xf32>,
      tpu.vector_store %arg7[%parallel_loop3A_270, %parallel_loop3A_271], %broadcast_in_dim3A_3 {strides = array<i32>} : memref<128x256xf32, #tpu.memory_space<vmem>>, vector<16xf32>,
      %parallel_loop3A_273 = arith.constant 1 : i32
      %parallel_loop3A_274 = arith.addi %parallel_loop3A_117, %parallel_loop3A_273 : i32
      %parallel_loop3A_275 = arith.index_cast %parallel_loop3A_274 : i32 to index
      %parallel_loop3A_276 = arith.constant 240 : index
      %parallel_loop3A_277 = tpu.vector_load %arg7[%parallel_loop3A_275, %parallel_loop3A_276] {strides = array<i32>} : memref<128x256xf32, #tpu.memory_space<vmem>>, vector<16xf32>,
      tpu.vector_store %arg7[%parallel_loop3A_275, %parallel_loop3A_276], %broadcast_in_dim3A_3 {strides = array<i32>} : memref<128x256xf32, #tpu.memory_space<vmem>>, vector<16xf32>,
    } {sc.loop_unroll_factor = 1 : i64, sc.parallel_access}
    %parallel_loop3A_69 = arith.constant 0 : i32
    %parallel_loop3A_70 = arith.constant 50 : i32
    %parallel_loop3A_71 = arith.constant 1 : i32
    scf.for %parallel_loop3A_117 = %parallel_loop3A_69 to %parallel_loop3A_70 step %parallel_loop3A_71  : i32 {
      %parallel_loop3A_118 = arith.index_cast %parallel_loop3A_117 : i32 to index
      %parallel_loop3A_119 = arith.constant 256 : index
      %parallel_loop3A_120 = tpu.vector_load %arg5[%parallel_loop3A_118, %parallel_loop3A_119] {strides = array<i32>} : memref<50x512xi32, #tpu.memory_space<vmem>>, vector<16xi32>,
      %parallel_loop3A_121 = arith.index_cast %parallel_loop3A_117 : i32 to index
      %parallel_loop3A_122 = arith.constant 256 : index
      %parallel_loop3A_123 = tpu.vector_load %arg6[%parallel_loop3A_121, %parallel_loop3A_122] {strides = array<i32>} : memref<50x512xf32, #tpu.memory_space<vmem>>, vector<16xf32>,
      %parallel_loop3A_124 = arith.constant 0 : i32
      %parallel_loop3A_125 = vector.broadcast %parallel_loop3A_124 : i32 to vector<16xi32>
      %parallel_loop3A_126 = arith.addi %iota3A, %parallel_loop3A_125 : vector<16xi32>
      tpu.vector_store_idx %arg7[%parallel_loop3A_126, %parallel_loop3A_120], %parallel_loop3A_123 {add = true} : memref<128x256xf32, #tpu.memory_space<vmem>>[vector<16xi32>, vector<16xi32>], vector<16xf32>,
      %parallel_loop3A_127 = arith.index_cast %parallel_loop3A_117 : i32 to index
      %parallel_loop3A_128 = arith.constant 272 : index
      %parallel_loop3A_129 = tpu.vector_load %arg5[%parallel_loop3A_127, %parallel_loop3A_128] {strides = array<i32>} : memref<50x512xi32, #tpu.memory_space<vmem>>, vector<16xi32>,
      %parallel_loop3A_130 = arith.index_cast %parallel_loop3A_117 : i32 to index
      %parallel_loop3A_131 = arith.constant 272 : index
      %parallel_loop3A_132 = tpu.vector_load %arg6[%parallel_loop3A_130, %parallel_loop3A_131] {strides = array<i32>} : memref<50x512xf32, #tpu.memory_space<vmem>>, vector<16xf32>,
      %parallel_loop3A_133 = arith.constant 16 : i32
      %parallel_loop3A_134 = vector.broadcast %parallel_loop3A_133 : i32 to vector<16xi32>
      %parallel_loop3A_135 = arith.addi %iota3A, %parallel_loop3A_134 : vector<16xi32>
      tpu.vector_store_idx %arg7[%parallel_loop3A_135, %parallel_loop3A_129], %parallel_loop3A_132 {add = true} : memref<128x256xf32, #tpu.memory_space<vmem>>[vector<16xi32>, vector<16xi32>], vector<16xf32>,
      %parallel_loop3A_136 = arith.index_cast %parallel_loop3A_117 : i32 to index
      %parallel_loop3A_137 = arith.constant 288 : index
      %parallel_loop3A_138 = tpu.vector_load %arg5[%parallel_loop3A_136, %parallel_loop3A_137] {strides = array<i32>} : memref<50x512xi32, #tpu.memory_space<vmem>>, vector<16xi32>,
      %parallel_loop3A_139 = arith.index_cast %parallel_loop3A_117 : i32 to index
      %parallel_loop3A_140 = arith.constant 288 : index
      %parallel_loop3A_141 = tpu.vector_load %arg6[%parallel_loop3A_139, %parallel_loop3A_140] {strides = array<i32>} : memref<50x512xf32, #tpu.memory_space<vmem>>, vector<16xf32>,
      %parallel_loop3A_142 = arith.constant 32 : i32
      %parallel_loop3A_143 = vector.broadcast %parallel_loop3A_142 : i32 to vector<16xi32>
      %parallel_loop3A_144 = arith.addi %iota3A, %parallel_loop3A_143 : vector<16xi32>
      tpu.vector_store_idx %arg7[%parallel_loop3A_144, %parallel_loop3A_138], %parallel_loop3A_141 {add = true} : memref<128x256xf32, #tpu.memory_space<vmem>>[vector<16xi32>, vector<16xi32>], vector<16xf32>,
      %parallel_loop3A_145 = arith.index_cast %parallel_loop3A_117 : i32 to index
      %parallel_loop3A_146 = arith.constant 304 : index
      %parallel_loop3A_147 = tpu.vector_load %arg5[%parallel_loop3A_145, %parallel_loop3A_146] {strides = array<i32>} : memref<50x512xi32, #tpu.memory_space<vmem>>, vector<16xi32>,
      %parallel_loop3A_148 = arith.index_cast %parallel_loop3A_117 : i32 to index
      %parallel_loop3A_149 = arith.constant 304 : index
      %parallel_loop3A_150 = tpu.vector_load %arg6[%parallel_loop3A_148, %parallel_loop3A_149] {strides = array<i32>} : memref<50x512xf32, #tpu.memory_space<vmem>>, vector<16xf32>,
      %parallel_loop3A_151 = arith.constant 48 : i32
      %parallel_loop3A_152 = vector.broadcast %parallel_loop3A_151 : i32 to vector<16xi32>
      %parallel_loop3A_153 = arith.addi %iota3A, %parallel_loop3A_152 : vector<16xi32>
      tpu.vector_store_idx %arg7[%parallel_loop3A_153, %parallel_loop3A_147], %parallel_loop3A_150 {add = true} : memref<128x256xf32, #tpu.memory_space<vmem>>[vector<16xi32>, vector<16xi32>], vector<16xf32>,
      %parallel_loop3A_154 = arith.index_cast %parallel_loop3A_117 : i32 to index
      %parallel_loop3A_155 = arith.constant 320 : index
      %parallel_loop3A_156 = tpu.vector_load %arg5[%parallel_loop3A_154, %parallel_loop3A_155] {strides = array<i32>} : memref<50x512xi32, #tpu.memory_space<vmem>>, vector<16xi32>,
      %parallel_loop3A_157 = arith.index_cast %parallel_loop3A_117 : i32 to index
      %parallel_loop3A_158 = arith.constant 320 : index
      %parallel_loop3A_159 = tpu.vector_load %arg6[%parallel_loop3A_157, %parallel_loop3A_158] {strides = array<i32>} : memref<50x512xf32, #tpu.memory_space<vmem>>, vector<16xf32>,
      %parallel_loop3A_160 = arith.constant 64 : i32
      %parallel_loop3A_161 = vector.broadcast %parallel_loop3A_160 : i32 to vector<16xi32>
      %parallel_loop3A_162 = arith.addi %iota3A, %parallel_loop3A_161 : vector<16xi32>
      tpu.vector_store_idx %arg7[%parallel_loop3A_162, %parallel_loop3A_156], %parallel_loop3A_159 {add = true} : memref<128x256xf32, #tpu.memory_space<vmem>>[vector<16xi32>, vector<16xi32>], vector<16xf32>,
      %parallel_loop3A_163 = arith.index_cast %parallel_loop3A_117 : i32 to index
      %parallel_loop3A_164 = arith.constant 336 : index
      %parallel_loop3A_165 = tpu.vector_load %arg5[%parallel_loop3A_163, %parallel_loop3A_164] {strides = array<i32>} : memref<50x512xi32, #tpu.memory_space<vmem>>, vector<16xi32>,
      %parallel_loop3A_166 = arith.index_cast %parallel_loop3A_117 : i32 to index
      %parallel_loop3A_167 = arith.constant 336 : index
      %parallel_loop3A_168 = tpu.vector_load %arg6[%parallel_loop3A_166, %parallel_loop3A_167] {strides = array<i32>} : memref<50x512xf32, #tpu.memory_space<vmem>>, vector<16xf32>,
      %parallel_loop3A_169 = arith.constant 80 : i32
      %parallel_loop3A_170 = vector.broadcast %parallel_loop3A_169 : i32 to vector<16xi32>
      %parallel_loop3A_171 = arith.addi %iota3A, %parallel_loop3A_170 : vector<16xi32>
      tpu.vector_store_idx %arg7[%parallel_loop3A_171, %parallel_loop3A_165], %parallel_loop3A_168 {add = true} : memref<128x256xf32, #tpu.memory_space<vmem>>[vector<16xi32>, vector<16xi32>], vector<16xf32>,
      %parallel_loop3A_172 = arith.index_cast %parallel_loop3A_117 : i32 to index
      %parallel_loop3A_173 = arith.constant 352 : index
      %parallel_loop3A_174 = tpu.vector_load %arg5[%parallel_loop3A_172, %parallel_loop3A_173] {strides = array<i32>} : memref<50x512xi32, #tpu.memory_space<vmem>>, vector<16xi32>,
      %parallel_loop3A_175 = arith.index_cast %parallel_loop3A_117 : i32 to index
      %parallel_loop3A_176 = arith.constant 352 : index
      %parallel_loop3A_177 = tpu.vector_load %arg6[%parallel_loop3A_175, %parallel_loop3A_176] {strides = array<i32>} : memref<50x512xf32, #tpu.memory_space<vmem>>, vector<16xf32>,
      %parallel_loop3A_178 = arith.constant 96 : i32
      %parallel_loop3A_179 = vector.broadcast %parallel_loop3A_178 : i32 to vector<16xi32>
      %parallel_loop3A_180 = arith.addi %iota3A, %parallel_loop3A_179 : vector<16xi32>
      tpu.vector_store_idx %arg7[%parallel_loop3A_180, %parallel_loop3A_174], %parallel_loop3A_177 {add = true} : memref<128x256xf32, #tpu.memory_space<vmem>>[vector<16xi32>, vector<16xi32>], vector<16xf32>,
      %parallel_loop3A_181 = arith.index_cast %parallel_loop3A_117 : i32 to index
      %parallel_loop3A_182 = arith.constant 368 : index
      %parallel_loop3A_183 = tpu.vector_load %arg5[%parallel_loop3A_181, %parallel_loop3A_182] {strides = array<i32>} : memref<50x512xi32, #tpu.memory_space<vmem>>, vector<16xi32>,
      %parallel_loop3A_184 = arith.index_cast %parallel_loop3A_117 : i32 to index
      %parallel_loop3A_185 = arith.constant 368 : index
      %parallel_loop3A_186 = tpu.vector_load %arg6[%parallel_loop3A_184, %parallel_loop3A_185] {strides = array<i32>} : memref<50x512xf32, #tpu.memory_space<vmem>>, vector<16xf32>,
      %parallel_loop3A_187 = arith.constant 112 : i32
      %parallel_loop3A_188 = vector.broadcast %parallel_loop3A_187 : i32 to vector<16xi32>
      %parallel_loop3A_189 = arith.addi %iota3A, %parallel_loop3A_188 : vector<16xi32>
      tpu.vector_store_idx %arg7[%parallel_loop3A_189, %parallel_loop3A_183], %parallel_loop3A_186 {add = true} : memref<128x256xf32, #tpu.memory_space<vmem>>[vector<16xi32>, vector<16xi32>], vector<16xf32>,
    } {sc.loop_unroll_factor = 5 : i64, sc.parallel_access}
    %add3A_72 = arith.constant 256 : i32
    %add3A_73 = arith.addi %mul3A_2, %add3A_72 : i32
    %dma_start3A_74 = arith.constant 0 : i32
    %dma_start3A_75 = arith.constant 0 : i32
    %dma_start3A_76 = tpu.memref_slice %arg4[%add3A_73, %dma_start3A_75] : memref<16384x256xf32, #tpu.memory_space<hbm>> -> memref<128x256xf32, #tpu.memory_space<hbm>>
    %dma_start3A_77 = tpu.memref_slice %arg9[%dma_start3A_74] : memref<4x!tpu.dma_semaphore, #tpu.memory_space<semaphore_mem>> -> memref<1x!tpu.dma_semaphore, #tpu.memory_space<semaphore_mem>>
    %dma_start3A_78 = tpu.memref_squeeze %dma_start3A_77 : memref<1x!tpu.dma_semaphore, #tpu.memory_space<semaphore_mem>> -> memref<!tpu.dma_semaphore, #tpu.memory_space<semaphore_mem>>
    %dma_start3A_79 = arith.constant 0 : i32
    %dma_start3A_80 = tpu.memref_slice %arg4[%add3A_73, %dma_start3A_79] : memref<16384x256xf32, #tpu.memory_space<hbm>> -> memref<128x256xf32, #tpu.memory_space<hbm>>
    tpu.enqueue_dma source(%arg7 : memref<128x256xf32, #tpu.memory_space<vmem>>) target(%dma_start3A_80 : memref<128x256xf32, #tpu.memory_space<hbm>>) target_semaphore(%dma_start3A_78 : memref<!tpu.dma_semaphore, #tpu.memory_space<semaphore_mem>>)
    %dma_wait3A_81 = arith.constant 1 : i32
    %dma_wait3A_82 = arith.constant 0 : i32
    %dma_wait3A_83 = tpu.memref_slice %arg4[%add3A_51, %dma_wait3A_82] : memref<16384x256xf32, #tpu.memory_space<hbm>> -> memref<128x256xf32, #tpu.memory_space<hbm>>
    %dma_wait3A_84 = tpu.memref_slice %arg9[%dma_wait3A_81] : memref<4x!tpu.dma_semaphore, #tpu.memory_space<semaphore_mem>> -> memref<1x!tpu.dma_semaphore, #tpu.memory_space<semaphore_mem>>
    %dma_wait3A_85 = tpu.memref_squeeze %dma_wait3A_84 : memref<1x!tpu.dma_semaphore, #tpu.memory_space<semaphore_mem>> -> memref<!tpu.dma_semaphore, #tpu.memory_space<semaphore_mem>>
    %dma_wait3A_86 = arith.constant 0 : i32
    %dma_wait3A_87 = tpu.memref_slice %arg4[%add3A_51, %dma_wait3A_86] : memref<16384x256xf32, #tpu.memory_space<hbm>> -> memref<128x256xf32, #tpu.memory_space<hbm>>
    tpu.wait_dma2 semaphore(%dma_wait3A_85 : memref<!tpu.dma_semaphore, #tpu.memory_space<semaphore_mem>>) src(%arg8 : memref<128x256xf32, #tpu.memory_space<vmem>>) dst(%dma_wait3A_87 : memref<128x256xf32, #tpu.memory_space<hbm>>)
    %parallel_loop3A_88 = arith.constant 0 : i32
    %parallel_loop3A_89 = arith.constant 128 : i32
    %parallel_loop3A_90 = arith.constant 2 : i32
    scf.for %parallel_loop3A_117 = %parallel_loop3A_88 to %parallel_loop3A_89 step %parallel_loop3A_90  : i32 {
      %parallel_loop3A_118 = arith.constant 0 : i32
      %parallel_loop3A_119 = arith.addi %parallel_loop3A_117, %parallel_loop3A_118 : i32
      %parallel_loop3A_120 = arith.index_cast %parallel_loop3A_119 : i32 to index
      %parallel_loop3A_121 = arith.constant 0 : index
      %parallel_loop3A_122 = tpu.vector_load %arg8[%parallel_loop3A_120, %parallel_loop3A_121] {strides = array<i32>} : memref<128x256xf32, #tpu.memory_space<vmem>>, vector<16xf32>,
      tpu.vector_store %arg8[%parallel_loop3A_120, %parallel_loop3A_121], %broadcast_in_dim3A_3 {strides = array<i32>} : memref<128x256xf32, #tpu.memory_space<vmem>>, vector<16xf32>,
      %parallel_loop3A_123 = arith.constant 0 : i32
      %parallel_loop3A_124 = arith.addi %parallel_loop3A_117, %parallel_loop3A_123 : i32
      %parallel_loop3A_125 = arith.index_cast %parallel_loop3A_124 : i32 to index
      %parallel_loop3A_126 = arith.constant 16 : index
      %parallel_loop3A_127 = tpu.vector_load %arg8[%parallel_loop3A_125, %parallel_loop3A_126] {strides = array<i32>} : memref<128x256xf32, #tpu.memory_space<vmem>>, vector<16xf32>,
      tpu.vector_store %arg8[%parallel_loop3A_125, %parallel_loop3A_126], %broadcast_in_dim3A_3 {strides = array<i32>} : memref<128x256xf32, #tpu.memory_space<vmem>>, vector<16xf32>,
      %parallel_loop3A_128 = arith.constant 0 : i32
      %parallel_loop3A_129 = arith.addi %parallel_loop3A_117, %parallel_loop3A_128 : i32
      %parallel_loop3A_130 = arith.index_cast %parallel_loop3A_129 : i32 to index
      %parallel_loop3A_131 = arith.constant 32 : index
      %parallel_loop3A_132 = tpu.vector_load %arg8[%parallel_loop3A_130, %parallel_loop3A_131] {strides = array<i32>} : memref<128x256xf32, #tpu.memory_space<vmem>>, vector<16xf32>,
      tpu.vector_store %arg8[%parallel_loop3A_130, %parallel_loop3A_131], %broadcast_in_dim3A_3 {strides = array<i32>} : memref<128x256xf32, #tpu.memory_space<vmem>>, vector<16xf32>,
      %parallel_loop3A_133 = arith.constant 0 : i32
      %parallel_loop3A_134 = arith.addi %parallel_loop3A_117, %parallel_loop3A_133 : i32
      %parallel_loop3A_135 = arith.index_cast %parallel_loop3A_134 : i32 to index
      %parallel_loop3A_136 = arith.constant 48 : index
      %parallel_loop3A_137 = tpu.vector_load %arg8[%parallel_loop3A_135, %parallel_loop3A_136] {strides = array<i32>} : memref<128x256xf32, #tpu.memory_space<vmem>>, vector<16xf32>,
      tpu.vector_store %arg8[%parallel_loop3A_135, %parallel_loop3A_136], %broadcast_in_dim3A_3 {strides = array<i32>} : memref<128x256xf32, #tpu.memory_space<vmem>>, vector<16xf32>,
      %parallel_loop3A_138 = arith.constant 0 : i32
      %parallel_loop3A_139 = arith.addi %parallel_loop3A_117, %parallel_loop3A_138 : i32
      %parallel_loop3A_140 = arith.index_cast %parallel_loop3A_139 : i32 to index
      %parallel_loop3A_141 = arith.constant 64 : index
      %parallel_loop3A_142 = tpu.vector_load %arg8[%parallel_loop3A_140, %parallel_loop3A_141] {strides = array<i32>} : memref<128x256xf32, #tpu.memory_space<vmem>>, vector<16xf32>,
      tpu.vector_store %arg8[%parallel_loop3A_140, %parallel_loop3A_141], %broadcast_in_dim3A_3 {strides = array<i32>} : memref<128x256xf32, #tpu.memory_space<vmem>>, vector<16xf32>,
      %parallel_loop3A_143 = arith.constant 0 : i32
      %parallel_loop3A_144 = arith.addi %parallel_loop3A_117, %parallel_loop3A_143 : i32
      %parallel_loop3A_145 = arith.index_cast %parallel_loop3A_144 : i32 to index
      %parallel_loop3A_146 = arith.constant 80 : index
      %parallel_loop3A_147 = tpu.vector_load %arg8[%parallel_loop3A_145, %parallel_loop3A_146] {strides = array<i32>} : memref<128x256xf32, #tpu.memory_space<vmem>>, vector<16xf32>,
      tpu.vector_store %arg8[%parallel_loop3A_145, %parallel_loop3A_146], %broadcast_in_dim3A_3 {strides = array<i32>} : memref<128x256xf32, #tpu.memory_space<vmem>>, vector<16xf32>,
      %parallel_loop3A_148 = arith.constant 0 : i32
      %parallel_loop3A_149 = arith.addi %parallel_loop3A_117, %parallel_loop3A_148 : i32
      %parallel_loop3A_150 = arith.index_cast %parallel_loop3A_149 : i32 to index
      %parallel_loop3A_151 = arith.constant 96 : index
      %parallel_loop3A_152 = tpu.vector_load %arg8[%parallel_loop3A_150, %parallel_loop3A_151] {strides = array<i32>} : memref<128x256xf32, #tpu.memory_space<vmem>>, vector<16xf32>,
      tpu.vector_store %arg8[%parallel_loop3A_150, %parallel_loop3A_151], %broadcast_in_dim3A_3 {strides = array<i32>} : memref<128x256xf32, #tpu.memory_space<vmem>>, vector<16xf32>,
      %parallel_loop3A_153 = arith.constant 0 : i32
      %parallel_loop3A_154 = arith.addi %parallel_loop3A_117, %parallel_loop3A_153 : i32
      %parallel_loop3A_155 = arith.index_cast %parallel_loop3A_154 : i32 to index
      %parallel_loop3A_156 = arith.constant 112 : index
      %parallel_loop3A_157 = tpu.vector_load %arg8[%parallel_loop3A_155, %parallel_loop3A_156] {strides = array<i32>} : memref<128x256xf32, #tpu.memory_space<vmem>>, vector<16xf32>,
      tpu.vector_store %arg8[%parallel_loop3A_155, %parallel_loop3A_156], %broadcast_in_dim3A_3 {strides = array<i32>} : memref<128x256xf32, #tpu.memory_space<vmem>>, vector<16xf32>,
      %parallel_loop3A_158 = arith.constant 0 : i32
      %parallel_loop3A_159 = arith.addi %parallel_loop3A_117, %parallel_loop3A_158 : i32
      %parallel_loop3A_160 = arith.index_cast %parallel_loop3A_159 : i32 to index
      %parallel_loop3A_161 = arith.constant 128 : index
      %parallel_loop3A_162 = tpu.vector_load %arg8[%parallel_loop3A_160, %parallel_loop3A_161] {strides = array<i32>} : memref<128x256xf32, #tpu.memory_space<vmem>>, vector<16xf32>,
      tpu.vector_store %arg8[%parallel_loop3A_160, %parallel_loop3A_161], %broadcast_in_dim3A_3 {strides = array<i32>} : memref<128x256xf32, #tpu.memory_space<vmem>>, vector<16xf32>,
      %parallel_loop3A_163 = arith.constant 0 : i32
      %parallel_loop3A_164 = arith.addi %parallel_loop3A_117, %parallel_loop3A_163 : i32
      %parallel_loop3A_165 = arith.index_cast %parallel_loop3A_164 : i32 to index
      %parallel_loop3A_166 = arith.constant 144 : index
      %parallel_loop3A_167 = tpu.vector_load %arg8[%parallel_loop3A_165, %parallel_loop3A_166] {strides = array<i32>} : memref<128x256xf32, #tpu.memory_space<vmem>>, vector<16xf32>,
      tpu.vector_store %arg8[%parallel_loop3A_165, %parallel_loop3A_166], %broadcast_in_dim3A_3 {strides = array<i32>} : memref<128x256xf32, #tpu.memory_space<vmem>>, vector<16xf32>,
      %parallel_loop3A_168 = arith.constant 0 : i32
      %parallel_loop3A_169 = arith.addi %parallel_loop3A_117, %parallel_loop3A_168 : i32
      %parallel_loop3A_170 = arith.index_cast %parallel_loop3A_169 : i32 to index
      %parallel_loop3A_171 = arith.constant 160 : index
      %parallel_loop3A_172 = tpu.vector_load %arg8[%parallel_loop3A_170, %parallel_loop3A_171] {strides = array<i32>} : memref<128x256xf32, #tpu.memory_space<vmem>>, vector<16xf32>,
      tpu.vector_store %arg8[%parallel_loop3A_170, %parallel_loop3A_171], %broadcast_in_dim3A_3 {strides = array<i32>} : memref<128x256xf32, #tpu.memory_space<vmem>>, vector<16xf32>,
      %parallel_loop3A_173 = arith.constant 0 : i32
      %parallel_loop3A_174 = arith.addi %parallel_loop3A_117, %parallel_loop3A_173 : i32
      %parallel_loop3A_175 = arith.index_cast %parallel_loop3A_174 : i32 to index
      %parallel_loop3A_176 = arith.constant 176 : index
      %parallel_loop3A_177 = tpu.vector_load %arg8[%parallel_loop3A_175, %parallel_loop3A_176] {strides = array<i32>} : memref<128x256xf32, #tpu.memory_space<vmem>>, vector<16xf32>,
      tpu.vector_store %arg8[%parallel_loop3A_175, %parallel_loop3A_176], %broadcast_in_dim3A_3 {strides = array<i32>} : memref<128x256xf32, #tpu.memory_space<vmem>>, vector<16xf32>,
      %parallel_loop3A_178 = arith.constant 0 : i32
      %parallel_loop3A_179 = arith.addi %parallel_loop3A_117, %parallel_loop3A_178 : i32
      %parallel_loop3A_180 = arith.index_cast %parallel_loop3A_179 : i32 to index
      %parallel_loop3A_181 = arith.constant 192 : index
      %parallel_loop3A_182 = tpu.vector_load %arg8[%parallel_loop3A_180, %parallel_loop3A_181] {strides = array<i32>} : memref<128x256xf32, #tpu.memory_space<vmem>>, vector<16xf32>,
      tpu.vector_store %arg8[%parallel_loop3A_180, %parallel_loop3A_181], %broadcast_in_dim3A_3 {strides = array<i32>} : memref<128x256xf32, #tpu.memory_space<vmem>>, vector<16xf32>,
      %parallel_loop3A_183 = arith.constant 0 : i32
      %parallel_loop3A_184 = arith.addi %parallel_loop3A_117, %parallel_loop3A_183 : i32
      %parallel_loop3A_185 = arith.index_cast %parallel_loop3A_184 : i32 to index
      %parallel_loop3A_186 = arith.constant 208 : index
      %parallel_loop3A_187 = tpu.vector_load %arg8[%parallel_loop3A_185, %parallel_loop3A_186] {strides = array<i32>} : memref<128x256xf32, #tpu.memory_space<vmem>>, vector<16xf32>,
      tpu.vector_store %arg8[%parallel_loop3A_185, %parallel_loop3A_186], %broadcast_in_dim3A_3 {strides = array<i32>} : memref<128x256xf32, #tpu.memory_space<vmem>>, vector<16xf32>,
      %parallel_loop3A_188 = arith.constant 0 : i32
      %parallel_loop3A_189 = arith.addi %parallel_loop3A_117, %parallel_loop3A_188 : i32
      %parallel_loop3A_190 = arith.index_cast %parallel_loop3A_189 : i32 to index
      %parallel_loop3A_191 = arith.constant 224 : index
      %parallel_loop3A_192 = tpu.vector_load %arg8[%parallel_loop3A_190, %parallel_loop3A_191] {strides = array<i32>} : memref<128x256xf32, #tpu.memory_space<vmem>>, vector<16xf32>,
      tpu.vector_store %arg8[%parallel_loop3A_190, %parallel_loop3A_191], %broadcast_in_dim3A_3 {strides = array<i32>} : memref<128x256xf32, #tpu.memory_space<vmem>>, vector<16xf32>,
      %parallel_loop3A_193 = arith.constant 0 : i32
      %parallel_loop3A_194 = arith.addi %parallel_loop3A_117, %parallel_loop3A_193 : i32
      %parallel_loop3A_195 = arith.index_cast %parallel_loop3A_194 : i32 to index
      %parallel_loop3A_196 = arith.constant 240 : index
      %parallel_loop3A_197 = tpu.vector_load %arg8[%parallel_loop3A_195, %parallel_loop3A_196] {strides = array<i32>} : memref<128x256xf32, #tpu.memory_space<vmem>>, vector<16xf32>,
      tpu.vector_store %arg8[%parallel_loop3A_195, %parallel_loop3A_196], %broadcast_in_dim3A_3 {strides = array<i32>} : memref<128x256xf32, #tpu.memory_space<vmem>>, vector<16xf32>,
      %parallel_loop3A_198 = arith.constant 1 : i32
      %parallel_loop3A_199 = arith.addi %parallel_loop3A_117, %parallel_loop3A_198 : i32
      %parallel_loop3A_200 = arith.index_cast %parallel_loop3A_199 : i32 to index
      %parallel_loop3A_201 = arith.constant 0 : index
      %parallel_loop3A_202 = tpu.vector_load %arg8[%parallel_loop3A_200, %parallel_loop3A_201] {strides = array<i32>} : memref<128x256xf32, #tpu.memory_space<vmem>>, vector<16xf32>,
      tpu.vector_store %arg8[%parallel_loop3A_200, %parallel_loop3A_201], %broadcast_in_dim3A_3 {strides = array<i32>} : memref<128x256xf32, #tpu.memory_space<vmem>>, vector<16xf32>,
      %parallel_loop3A_203 = arith.constant 1 : i32
      %parallel_loop3A_204 = arith.addi %parallel_loop3A_117, %parallel_loop3A_203 : i32
      %parallel_loop3A_205 = arith.index_cast %parallel_loop3A_204 : i32 to index
      %parallel_loop3A_206 = arith.constant 16 : index
      %parallel_loop3A_207 = tpu.vector_load %arg8[%parallel_loop3A_205, %parallel_loop3A_206] {strides = array<i32>} : memref<128x256xf32, #tpu.memory_space<vmem>>, vector<16xf32>,
      tpu.vector_store %arg8[%parallel_loop3A_205, %parallel_loop3A_206], %broadcast_in_dim3A_3 {strides = array<i32>} : memref<128x256xf32, #tpu.memory_space<vmem>>, vector<16xf32>,
      %parallel_loop3A_208 = arith.constant 1 : i32
      %parallel_loop3A_209 = arith.addi %parallel_loop3A_117, %parallel_loop3A_208 : i32
      %parallel_loop3A_210 = arith.index_cast %parallel_loop3A_209 : i32 to index
      %parallel_loop3A_211 = arith.constant 32 : index
      %parallel_loop3A_212 = tpu.vector_load %arg8[%parallel_loop3A_210, %parallel_loop3A_211] {strides = array<i32>} : memref<128x256xf32, #tpu.memory_space<vmem>>, vector<16xf32>,
      tpu.vector_store %arg8[%parallel_loop3A_210, %parallel_loop3A_211], %broadcast_in_dim3A_3 {strides = array<i32>} : memref<128x256xf32, #tpu.memory_space<vmem>>, vector<16xf32>,
      %parallel_loop3A_213 = arith.constant 1 : i32
      %parallel_loop3A_214 = arith.addi %parallel_loop3A_117, %parallel_loop3A_213 : i32
      %parallel_loop3A_215 = arith.index_cast %parallel_loop3A_214 : i32 to index
      %parallel_loop3A_216 = arith.constant 48 : index
      %parallel_loop3A_217 = tpu.vector_load %arg8[%parallel_loop3A_215, %parallel_loop3A_216] {strides = array<i32>} : memref<128x256xf32, #tpu.memory_space<vmem>>, vector<16xf32>,
      tpu.vector_store %arg8[%parallel_loop3A_215, %parallel_loop3A_216], %broadcast_in_dim3A_3 {strides = array<i32>} : memref<128x256xf32, #tpu.memory_space<vmem>>, vector<16xf32>,
      %parallel_loop3A_218 = arith.constant 1 : i32
      %parallel_loop3A_219 = arith.addi %parallel_loop3A_117, %parallel_loop3A_218 : i32
      %parallel_loop3A_220 = arith.index_cast %parallel_loop3A_219 : i32 to index
      %parallel_loop3A_221 = arith.constant 64 : index
      %parallel_loop3A_222 = tpu.vector_load %arg8[%parallel_loop3A_220, %parallel_loop3A_221] {strides = array<i32>} : memref<128x256xf32, #tpu.memory_space<vmem>>, vector<16xf32>,
      tpu.vector_store %arg8[%parallel_loop3A_220, %parallel_loop3A_221], %broadcast_in_dim3A_3 {strides = array<i32>} : memref<128x256xf32, #tpu.memory_space<vmem>>, vector<16xf32>,
      %parallel_loop3A_223 = arith.constant 1 : i32
      %parallel_loop3A_224 = arith.addi %parallel_loop3A_117, %parallel_loop3A_223 : i32
      %parallel_loop3A_225 = arith.index_cast %parallel_loop3A_224 : i32 to index
      %parallel_loop3A_226 = arith.constant 80 : index
      %parallel_loop3A_227 = tpu.vector_load %arg8[%parallel_loop3A_225, %parallel_loop3A_226] {strides = array<i32>} : memref<128x256xf32, #tpu.memory_space<vmem>>, vector<16xf32>,
      tpu.vector_store %arg8[%parallel_loop3A_225, %parallel_loop3A_226], %broadcast_in_dim3A_3 {strides = array<i32>} : memref<128x256xf32, #tpu.memory_space<vmem>>, vector<16xf32>,
      %parallel_loop3A_228 = arith.constant 1 : i32
      %parallel_loop3A_229 = arith.addi %parallel_loop3A_117, %parallel_loop3A_228 : i32
      %parallel_loop3A_230 = arith.index_cast %parallel_loop3A_229 : i32 to index
      %parallel_loop3A_231 = arith.constant 96 : index
      %parallel_loop3A_232 = tpu.vector_load %arg8[%parallel_loop3A_230, %parallel_loop3A_231] {strides = array<i32>} : memref<128x256xf32, #tpu.memory_space<vmem>>, vector<16xf32>,
      tpu.vector_store %arg8[%parallel_loop3A_230, %parallel_loop3A_231], %broadcast_in_dim3A_3 {strides = array<i32>} : memref<128x256xf32, #tpu.memory_space<vmem>>, vector<16xf32>,
      %parallel_loop3A_233 = arith.constant 1 : i32
      %parallel_loop3A_234 = arith.addi %parallel_loop3A_117, %parallel_loop3A_233 : i32
      %parallel_loop3A_235 = arith.index_cast %parallel_loop3A_234 : i32 to index
      %parallel_loop3A_236 = arith.constant 112 : index
      %parallel_loop3A_237 = tpu.vector_load %arg8[%parallel_loop3A_235, %parallel_loop3A_236] {strides = array<i32>} : memref<128x256xf32, #tpu.memory_space<vmem>>, vector<16xf32>,
      tpu.vector_store %arg8[%parallel_loop3A_235, %parallel_loop3A_236], %broadcast_in_dim3A_3 {strides = array<i32>} : memref<128x256xf32, #tpu.memory_space<vmem>>, vector<16xf32>,
      %parallel_loop3A_238 = arith.constant 1 : i32
      %parallel_loop3A_239 = arith.addi %parallel_loop3A_117, %parallel_loop3A_238 : i32
      %parallel_loop3A_240 = arith.index_cast %parallel_loop3A_239 : i32 to index
      %parallel_loop3A_241 = arith.constant 128 : index
      %parallel_loop3A_242 = tpu.vector_load %arg8[%parallel_loop3A_240, %parallel_loop3A_241] {strides = array<i32>} : memref<128x256xf32, #tpu.memory_space<vmem>>, vector<16xf32>,
      tpu.vector_store %arg8[%parallel_loop3A_240, %parallel_loop3A_241], %broadcast_in_dim3A_3 {strides = array<i32>} : memref<128x256xf32, #tpu.memory_space<vmem>>, vector<16xf32>,
      %parallel_loop3A_243 = arith.constant 1 : i32
      %parallel_loop3A_244 = arith.addi %parallel_loop3A_117, %parallel_loop3A_243 : i32
      %parallel_loop3A_245 = arith.index_cast %parallel_loop3A_244 : i32 to index
      %parallel_loop3A_246 = arith.constant 144 : index
      %parallel_loop3A_247 = tpu.vector_load %arg8[%parallel_loop3A_245, %parallel_loop3A_246] {strides = array<i32>} : memref<128x256xf32, #tpu.memory_space<vmem>>, vector<16xf32>,
      tpu.vector_store %arg8[%parallel_loop3A_245, %parallel_loop3A_246], %broadcast_in_dim3A_3 {strides = array<i32>} : memref<128x256xf32, #tpu.memory_space<vmem>>, vector<16xf32>,
      %parallel_loop3A_248 = arith.constant 1 : i32
      %parallel_loop3A_249 = arith.addi %parallel_loop3A_117, %parallel_loop3A_248 : i32
      %parallel_loop3A_250 = arith.index_cast %parallel_loop3A_249 : i32 to index
      %parallel_loop3A_251 = arith.constant 160 : index
      %parallel_loop3A_252 = tpu.vector_load %arg8[%parallel_loop3A_250, %parallel_loop3A_251] {strides = array<i32>} : memref<128x256xf32, #tpu.memory_space<vmem>>, vector<16xf32>,
      tpu.vector_store %arg8[%parallel_loop3A_250, %parallel_loop3A_251], %broadcast_in_dim3A_3 {strides = array<i32>} : memref<128x256xf32, #tpu.memory_space<vmem>>, vector<16xf32>,
      %parallel_loop3A_253 = arith.constant 1 : i32
      %parallel_loop3A_254 = arith.addi %parallel_loop3A_117, %parallel_loop3A_253 : i32
      %parallel_loop3A_255 = arith.index_cast %parallel_loop3A_254 : i32 to index
      %parallel_loop3A_256 = arith.constant 176 : index
      %parallel_loop3A_257 = tpu.vector_load %arg8[%parallel_loop3A_255, %parallel_loop3A_256] {strides = array<i32>} : memref<128x256xf32, #tpu.memory_space<vmem>>, vector<16xf32>,
      tpu.vector_store %arg8[%parallel_loop3A_255, %parallel_loop3A_256], %broadcast_in_dim3A_3 {strides = array<i32>} : memref<128x256xf32, #tpu.memory_space<vmem>>, vector<16xf32>,
      %parallel_loop3A_258 = arith.constant 1 : i32
      %parallel_loop3A_259 = arith.addi %parallel_loop3A_117, %parallel_loop3A_258 : i32
      %parallel_loop3A_260 = arith.index_cast %parallel_loop3A_259 : i32 to index
      %parallel_loop3A_261 = arith.constant 192 : index
      %parallel_loop3A_262 = tpu.vector_load %arg8[%parallel_loop3A_260, %parallel_loop3A_261] {strides = array<i32>} : memref<128x256xf32, #tpu.memory_space<vmem>>, vector<16xf32>,
      tpu.vector_store %arg8[%parallel_loop3A_260, %parallel_loop3A_261], %broadcast_in_dim3A_3 {strides = array<i32>} : memref<128x256xf32, #tpu.memory_space<vmem>>, vector<16xf32>,
      %parallel_loop3A_263 = arith.constant 1 : i32
      %parallel_loop3A_264 = arith.addi %parallel_loop3A_117, %parallel_loop3A_263 : i32
      %parallel_loop3A_265 = arith.index_cast %parallel_loop3A_264 : i32 to index
      %parallel_loop3A_266 = arith.constant 208 : index
      %parallel_loop3A_267 = tpu.vector_load %arg8[%parallel_loop3A_265, %parallel_loop3A_266] {strides = array<i32>} : memref<128x256xf32, #tpu.memory_space<vmem>>, vector<16xf32>,
      tpu.vector_store %arg8[%parallel_loop3A_265, %parallel_loop3A_266], %broadcast_in_dim3A_3 {strides = array<i32>} : memref<128x256xf32, #tpu.memory_space<vmem>>, vector<16xf32>,
      %parallel_loop3A_268 = arith.constant 1 : i32
      %parallel_loop3A_269 = arith.addi %parallel_loop3A_117, %parallel_loop3A_268 : i32
      %parallel_loop3A_270 = arith.index_cast %parallel_loop3A_269 : i32 to index
      %parallel_loop3A_271 = arith.constant 224 : index
      %parallel_loop3A_272 = tpu.vector_load %arg8[%parallel_loop3A_270, %parallel_loop3A_271] {strides = array<i32>} : memref<128x256xf32, #tpu.memory_space<vmem>>, vector<16xf32>,
      tpu.vector_store %arg8[%parallel_loop3A_270, %parallel_loop3A_271], %broadcast_in_dim3A_3 {strides = array<i32>} : memref<128x256xf32, #tpu.memory_space<vmem>>, vector<16xf32>,
      %parallel_loop3A_273 = arith.constant 1 : i32
      %parallel_loop3A_274 = arith.addi %parallel_loop3A_117, %parallel_loop3A_273 : i32
      %parallel_loop3A_275 = arith.index_cast %parallel_loop3A_274 : i32 to index
      %parallel_loop3A_276 = arith.constant 240 : index
      %parallel_loop3A_277 = tpu.vector_load %arg8[%parallel_loop3A_275, %parallel_loop3A_276] {strides = array<i32>} : memref<128x256xf32, #tpu.memory_space<vmem>>, vector<16xf32>,
      tpu.vector_store %arg8[%parallel_loop3A_275, %parallel_loop3A_276], %broadcast_in_dim3A_3 {strides = array<i32>} : memref<128x256xf32, #tpu.memory_space<vmem>>, vector<16xf32>,
    } {sc.loop_unroll_factor = 1 : i64, sc.parallel_access}
    %parallel_loop3A_91 = arith.constant 0 : i32
    %parallel_loop3A_92 = arith.constant 50 : i32
    %parallel_loop3A_93 = arith.constant 1 : i32
    scf.for %parallel_loop3A_117 = %parallel_loop3A_91 to %parallel_loop3A_92 step %parallel_loop3A_93  : i32 {
      %parallel_loop3A_118 = arith.index_cast %parallel_loop3A_117 : i32 to index
      %parallel_loop3A_119 = arith.constant 384 : index
      %parallel_loop3A_120 = tpu.vector_load %arg5[%parallel_loop3A_118, %parallel_loop3A_119] {strides = array<i32>} : memref<50x512xi32, #tpu.memory_space<vmem>>, vector<16xi32>,
      %parallel_loop3A_121 = arith.index_cast %parallel_loop3A_117 : i32 to index
      %parallel_loop3A_122 = arith.constant 384 : index
      %parallel_loop3A_123 = tpu.vector_load %arg6[%parallel_loop3A_121, %parallel_loop3A_122] {strides = array<i32>} : memref<50x512xf32, #tpu.memory_space<vmem>>, vector<16xf32>,
      %parallel_loop3A_124 = arith.constant 0 : i32
      %parallel_loop3A_125 = vector.broadcast %parallel_loop3A_124 : i32 to vector<16xi32>
      %parallel_loop3A_126 = arith.addi %iota3A, %parallel_loop3A_125 : vector<16xi32>
      tpu.vector_store_idx %arg8[%parallel_loop3A_126, %parallel_loop3A_120], %parallel_loop3A_123 {add = true} : memref<128x256xf32, #tpu.memory_space<vmem>>[vector<16xi32>, vector<16xi32>], vector<16xf32>,
      %parallel_loop3A_127 = arith.index_cast %parallel_loop3A_117 : i32 to index
      %parallel_loop3A_128 = arith.constant 400 : index
      %parallel_loop3A_129 = tpu.vector_load %arg5[%parallel_loop3A_127, %parallel_loop3A_128] {strides = array<i32>} : memref<50x512xi32, #tpu.memory_space<vmem>>, vector<16xi32>,
      %parallel_loop3A_130 = arith.index_cast %parallel_loop3A_117 : i32 to index
      %parallel_loop3A_131 = arith.constant 400 : index
      %parallel_loop3A_132 = tpu.vector_load %arg6[%parallel_loop3A_130, %parallel_loop3A_131] {strides = array<i32>} : memref<50x512xf32, #tpu.memory_space<vmem>>, vector<16xf32>,
      %parallel_loop3A_133 = arith.constant 16 : i32
      %parallel_loop3A_134 = vector.broadcast %parallel_loop3A_133 : i32 to vector<16xi32>
      %parallel_loop3A_135 = arith.addi %iota3A, %parallel_loop3A_134 : vector<16xi32>
      tpu.vector_store_idx %arg8[%parallel_loop3A_135, %parallel_loop3A_129], %parallel_loop3A_132 {add = true} : memref<128x256xf32, #tpu.memory_space<vmem>>[vector<16xi32>, vector<16xi32>], vector<16xf32>,
      %parallel_loop3A_136 = arith.index_cast %parallel_loop3A_117 : i32 to index
      %parallel_loop3A_137 = arith.constant 416 : index
      %parallel_loop3A_138 = tpu.vector_load %arg5[%parallel_loop3A_136, %parallel_loop3A_137] {strides = array<i32>} : memref<50x512xi32, #tpu.memory_space<vmem>>, vector<16xi32>,
      %parallel_loop3A_139 = arith.index_cast %parallel_loop3A_117 : i32 to index
      %parallel_loop3A_140 = arith.constant 416 : index
      %parallel_loop3A_141 = tpu.vector_load %arg6[%parallel_loop3A_139, %parallel_loop3A_140] {strides = array<i32>} : memref<50x512xf32, #tpu.memory_space<vmem>>, vector<16xf32>,
      %parallel_loop3A_142 = arith.constant 32 : i32
      %parallel_loop3A_143 = vector.broadcast %parallel_loop3A_142 : i32 to vector<16xi32>
      %parallel_loop3A_144 = arith.addi %iota3A, %parallel_loop3A_143 : vector<16xi32>
      tpu.vector_store_idx %arg8[%parallel_loop3A_144, %parallel_loop3A_138], %parallel_loop3A_141 {add = true} : memref<128x256xf32, #tpu.memory_space<vmem>>[vector<16xi32>, vector<16xi32>], vector<16xf32>,
      %parallel_loop3A_145 = arith.index_cast %parallel_loop3A_117 : i32 to index
      %parallel_loop3A_146 = arith.constant 432 : index
      %parallel_loop3A_147 = tpu.vector_load %arg5[%parallel_loop3A_145, %parallel_loop3A_146] {strides = array<i32>} : memref<50x512xi32, #tpu.memory_space<vmem>>, vector<16xi32>,
      %parallel_loop3A_148 = arith.index_cast %parallel_loop3A_117 : i32 to index
      %parallel_loop3A_149 = arith.constant 432 : index
      %parallel_loop3A_150 = tpu.vector_load %arg6[%parallel_loop3A_148, %parallel_loop3A_149] {strides = array<i32>} : memref<50x512xf32, #tpu.memory_space<vmem>>, vector<16xf32>,
      %parallel_loop3A_151 = arith.constant 48 : i32
      %parallel_loop3A_152 = vector.broadcast %parallel_loop3A_151 : i32 to vector<16xi32>
      %parallel_loop3A_153 = arith.addi %iota3A, %parallel_loop3A_152 : vector<16xi32>
      tpu.vector_store_idx %arg8[%parallel_loop3A_153, %parallel_loop3A_147], %parallel_loop3A_150 {add = true} : memref<128x256xf32, #tpu.memory_space<vmem>>[vector<16xi32>, vector<16xi32>], vector<16xf32>,
      %parallel_loop3A_154 = arith.index_cast %parallel_loop3A_117 : i32 to index
      %parallel_loop3A_155 = arith.constant 448 : index
      %parallel_loop3A_156 = tpu.vector_load %arg5[%parallel_loop3A_154, %parallel_loop3A_155] {strides = array<i32>} : memref<50x512xi32, #tpu.memory_space<vmem>>, vector<16xi32>,
      %parallel_loop3A_157 = arith.index_cast %parallel_loop3A_117 : i32 to index
      %parallel_loop3A_158 = arith.constant 448 : index
      %parallel_loop3A_159 = tpu.vector_load %arg6[%parallel_loop3A_157, %parallel_loop3A_158] {strides = array<i32>} : memref<50x512xf32, #tpu.memory_space<vmem>>, vector<16xf32>,
      %parallel_loop3A_160 = arith.constant 64 : i32
      %parallel_loop3A_161 = vector.broadcast %parallel_loop3A_160 : i32 to vector<16xi32>
      %parallel_loop3A_162 = arith.addi %iota3A, %parallel_loop3A_161 : vector<16xi32>
      tpu.vector_store_idx %arg8[%parallel_loop3A_162, %parallel_loop3A_156], %parallel_loop3A_159 {add = true} : memref<128x256xf32, #tpu.memory_space<vmem>>[vector<16xi32>, vector<16xi32>], vector<16xf32>,
      %parallel_loop3A_163 = arith.index_cast %parallel_loop3A_117 : i32 to index
      %parallel_loop3A_164 = arith.constant 464 : index
      %parallel_loop3A_165 = tpu.vector_load %arg5[%parallel_loop3A_163, %parallel_loop3A_164] {strides = array<i32>} : memref<50x512xi32, #tpu.memory_space<vmem>>, vector<16xi32>,
      %parallel_loop3A_166 = arith.index_cast %parallel_loop3A_117 : i32 to index
      %parallel_loop3A_167 = arith.constant 464 : index
      %parallel_loop3A_168 = tpu.vector_load %arg6[%parallel_loop3A_166, %parallel_loop3A_167] {strides = array<i32>} : memref<50x512xf32, #tpu.memory_space<vmem>>, vector<16xf32>,
      %parallel_loop3A_169 = arith.constant 80 : i32
      %parallel_loop3A_170 = vector.broadcast %parallel_loop3A_169 : i32 to vector<16xi32>
      %parallel_loop3A_171 = arith.addi %iota3A, %parallel_loop3A_170 : vector<16xi32>
      tpu.vector_store_idx %arg8[%parallel_loop3A_171, %parallel_loop3A_165], %parallel_loop3A_168 {add = true} : memref<128x256xf32, #tpu.memory_space<vmem>>[vector<16xi32>, vector<16xi32>], vector<16xf32>,
      %parallel_loop3A_172 = arith.index_cast %parallel_loop3A_117 : i32 to index
      %parallel_loop3A_173 = arith.constant 480 : index
      %parallel_loop3A_174 = tpu.vector_load %arg5[%parallel_loop3A_172, %parallel_loop3A_173] {strides = array<i32>} : memref<50x512xi32, #tpu.memory_space<vmem>>, vector<16xi32>,
      %parallel_loop3A_175 = arith.index_cast %parallel_loop3A_117 : i32 to index
      %parallel_loop3A_176 = arith.constant 480 : index
      %parallel_loop3A_177 = tpu.vector_load %arg6[%parallel_loop3A_175, %parallel_loop3A_176] {strides = array<i32>} : memref<50x512xf32, #tpu.memory_space<vmem>>, vector<16xf32>,
      %parallel_loop3A_178 = arith.constant 96 : i32
      %parallel_loop3A_179 = vector.broadcast %parallel_loop3A_178 : i32 to vector<16xi32>
      %parallel_loop3A_180 = arith.addi %iota3A, %parallel_loop3A_179 : vector<16xi32>
      tpu.vector_store_idx %arg8[%parallel_loop3A_180, %parallel_loop3A_174], %parallel_loop3A_177 {add = true} : memref<128x256xf32, #tpu.memory_space<vmem>>[vector<16xi32>, vector<16xi32>], vector<16xf32>,
      %parallel_loop3A_181 = arith.index_cast %parallel_loop3A_117 : i32 to index
      %parallel_loop3A_182 = arith.constant 496 : index
      %parallel_loop3A_183 = tpu.vector_load %arg5[%parallel_loop3A_181, %parallel_loop3A_182] {strides = array<i32>} : memref<50x512xi32, #tpu.memory_space<vmem>>, vector<16xi32>,
      %parallel_loop3A_184 = arith.index_cast %parallel_loop3A_117 : i32 to index
      %parallel_loop3A_185 = arith.constant 496 : index
      %parallel_loop3A_186 = tpu.vector_load %arg6[%parallel_loop3A_184, %parallel_loop3A_185] {strides = array<i32>} : memref<50x512xf32, #tpu.memory_space<vmem>>, vector<16xf32>,
      %parallel_loop3A_187 = arith.constant 112 : i32
      %parallel_loop3A_188 = vector.broadcast %parallel_loop3A_187 : i32 to vector<16xi32>
      %parallel_loop3A_189 = arith.addi %iota3A, %parallel_loop3A_188 : vector<16xi32>
      tpu.vector_store_idx %arg8[%parallel_loop3A_189, %parallel_loop3A_183], %parallel_loop3A_186 {add = true} : memref<128x256xf32, #tpu.memory_space<vmem>>[vector<16xi32>, vector<16xi32>], vector<16xf32>,
    } {sc.loop_unroll_factor = 5 : i64, sc.parallel_access}
    %add3A_94 = arith.constant 384 : i32
    %add3A_95 = arith.addi %mul3A_2, %add3A_94 : i32
    %dma_start3A_96 = arith.constant 1 : i32
    %dma_start3A_97 = arith.constant 0 : i32
    %dma_start3A_98 = tpu.memref_slice %arg4[%add3A_95, %dma_start3A_97] : memref<16384x256xf32, #tpu.memory_space<hbm>> -> memref<128x256xf32, #tpu.memory_space<hbm>>
    %dma_start3A_99 = tpu.memref_slice %arg9[%dma_start3A_96] : memref<4x!tpu.dma_semaphore, #tpu.memory_space<semaphore_mem>> -> memref<1x!tpu.dma_semaphore, #tpu.memory_space<semaphore_mem>>
    %dma_start3A_100 = tpu.memref_squeeze %dma_start3A_99 : memref<1x!tpu.dma_semaphore, #tpu.memory_space<semaphore_mem>> -> memref<!tpu.dma_semaphore, #tpu.memory_space<semaphore_mem>>
    %dma_start3A_101 = arith.constant 0 : i32
    %dma_start3A_102 = tpu.memref_slice %arg4[%add3A_95, %dma_start3A_101] : memref<16384x256xf32, #tpu.memory_space<hbm>> -> memref<128x256xf32, #tpu.memory_space<hbm>>
    tpu.enqueue_dma source(%arg8 : memref<128x256xf32, #tpu.memory_space<vmem>>) target(%dma_start3A_102 : memref<128x256xf32, #tpu.memory_space<hbm>>) target_semaphore(%dma_start3A_100 : memref<!tpu.dma_semaphore, #tpu.memory_space<semaphore_mem>>)
    %dma_wait3A_103 = arith.constant 0 : i32
    %dma_wait3A_104 = arith.constant 0 : i32
    %dma_wait3A_105 = tpu.memref_slice %arg4[%add3A_73, %dma_wait3A_104] : memref<16384x256xf32, #tpu.memory_space<hbm>> -> memref<128x256xf32, #tpu.memory_space<hbm>>
    %dma_wait3A_106 = tpu.memref_slice %arg9[%dma_wait3A_103] : memref<4x!tpu.dma_semaphore, #tpu.memory_space<semaphore_mem>> -> memref<1x!tpu.dma_semaphore, #tpu.memory_space<semaphore_mem>>
    %dma_wait3A_107 = tpu.memref_squeeze %dma_wait3A_106 : memref<1x!tpu.dma_semaphore, #tpu.memory_space<semaphore_mem>> -> memref<!tpu.dma_semaphore, #tpu.memory_space<semaphore_mem>>
    %dma_wait3A_108 = arith.constant 0 : i32
    %dma_wait3A_109 = tpu.memref_slice %arg4[%add3A_73, %dma_wait3A_108] : memref<16384x256xf32, #tpu.memory_space<hbm>> -> memref<128x256xf32, #tpu.memory_space<hbm>>
    tpu.wait_dma2 semaphore(%dma_wait3A_107 : memref<!tpu.dma_semaphore, #tpu.memory_space<semaphore_mem>>) src(%arg7 : memref<128x256xf32, #tpu.memory_space<vmem>>) dst(%dma_wait3A_109 : memref<128x256xf32, #tpu.memory_space<hbm>>)
    %dma_wait3A_110 = arith.constant 1 : i32
    %dma_wait3A_111 = arith.constant 0 : i32
    %dma_wait3A_112 = tpu.memref_slice %arg4[%add3A_95, %dma_wait3A_111] : memref<16384x256xf32, #tpu.memory_space<hbm>> -> memref<128x256xf32, #tpu.memory_space<hbm>>
    %dma_wait3A_113 = tpu.memref_slice %arg9[%dma_wait3A_110] : memref<4x!tpu.dma_semaphore, #tpu.memory_space<semaphore_mem>> -> memref<1x!tpu.dma_semaphore, #tpu.memory_space<semaphore_mem>>
    %dma_wait3A_114 = tpu.memref_squeeze %dma_wait3A_113 : memref<1x!tpu.dma_semaphore, #tpu.memory_space<semaphore_mem>> -> memref<!tpu.dma_semaphore, #tpu.memory_space<semaphore_mem>>
    %dma_wait3A_115 = arith.constant 0 : i32
    %dma_wait3A_116 = tpu.memref_slice %arg4[%add3A_95, %dma_wait3A_115] : memref<16384x256xf32, #tpu.memory_space<hbm>> -> memref<128x256xf32, #tpu.memory_space<hbm>>
    tpu.wait_dma2 semaphore(%dma_wait3A_114 : memref<!tpu.dma_semaphore, #tpu.memory_space<semaphore_mem>>) src(%arg8 : memref<128x256xf32, #tpu.memory_space<vmem>>) dst(%dma_wait3A_116 : memref<128x256xf32, #tpu.memory_space<hbm>>)
    return
  }
}

module attributes {stable_mosaic.version = 14 : i64} {
  func.func @_mm_body(%arg0: i32, %arg1: memref<8192x256xf32, #tpu.memory_space<vmem>>, %arg2: memref<256x256xf32, #tpu.memory_space<vmem>>, %arg3: memref<8192x256xf32, #tpu.memory_space<vmem>>) attributes {dimension_semantics = [#tpu.dimension_semantics<arbitrary>], iteration_bounds = array<i64: 2>, scalar_prefetch = 0 : i64, scratch_operands = 0 : i64, tpu.core_type = #tpu.core_type<tc>, window_params = [{transform_indices = @transform_0, window_bounds = array<i64: 8192, 256>}, {pipeline_mode = #tpu.pipeline_mode<synchronous>, transform_indices = @transform_1, window_bounds = array<i64: 256, 256>}, {transform_indices = @transform_2, window_bounds = array<i64: 8192, 256>}]} {
    %get3A = arith.constant 0 : index
    %get3A_0 = arith.constant 0 : index
    %get3A_1 = vector.load %arg1[%get3A, %get3A_0] : memref<8192x256xf32, #tpu.memory_space<vmem>>, vector<8192x256xf32>
    %convert_element_type3A = arith.truncf %get3A_1 : vector<8192x256xf32> to vector<8192x256xbf16>
    %get3A_2 = arith.constant 0 : index
    %get3A_3 = arith.constant 0 : index
    %get3A_4 = vector.load %arg2[%get3A_2, %get3A_3] : memref<256x256xf32, #tpu.memory_space<vmem>>, vector<256x256xf32>
    %convert_element_type3A_5 = arith.truncf %get3A_4 : vector<256x256xf32> to vector<256x256xbf16>
    %dot_general3A = arith.constant dense<0.000000e+00> : vector<8192x256xf32>
    %dot_general3A_6 = tpu.matmul %convert_element_type3A, %convert_element_type3A_5, %dot_general3A {dimension_numbers = #tpu.dot_dimension_numbers<[1], [0], [0], [1], [0, 0, 1, 1], [], []>, transpose_lhs_hint = false} : vector<8192x256xbf16>, vector<256x256xbf16>, vector<8192x256xf32> -> vector<8192x256xf32>
    %swap3A = arith.constant 0 : index
    %swap3A_7 = arith.constant 0 : index
    %swap3A_8 = vector.load %arg3[%swap3A, %swap3A_7] : memref<8192x256xf32, #tpu.memory_space<vmem>>, vector<8192x256xf32>
    tpu.vector_store %arg3[%swap3A, %swap3A_7], %dot_general3A_6 {strides = array<i32>} : memref<8192x256xf32, #tpu.memory_space<vmem>>, vector<8192x256xf32>,
    return
  }
  func.func @transform_0(%arg0: i32) -> (i32, i32) {
    %c0_i32 = arith.constant 0 : i32
    %c0_i32_0 = arith.constant 0 : i32
    return %arg0, %c0_i32 : i32, i32
  }
  func.func @transform_1(%arg0: i32) -> (i32, i32) {
    %c0_i32 = arith.constant 0 : i32
    %c0_i32_0 = arith.constant 0 : i32
    %c0_i32_1 = arith.constant 0 : i32
    return %c0_i32, %c0_i32_0 : i32, i32
  }
  func.func @transform_2(%arg0: i32) -> (i32, i32) {
    %c0_i32 = arith.constant 0 : i32
    %c0_i32_0 = arith.constant 0 : i32
    return %arg0, %c0_i32 : i32, i32
  }
}

</mosaic_0001>

<sc_bundles>
// kernel: kernel.4.cloned.1.call-start
scs
__scs_entry_jumppad:
0x0: {  	(pc) =	sbr.rel $0x88, $3  }
0x1: {  	(tag) =	ssettag $0x0;
	lr =	simm.s32 $0x1  }
0x2: {  	[smem:$0x3F9E] =	sst lr;
	_ =	strace $0xD0000000  }
0x3: {  	_ = 	snop  }
0x4: {  	_ = 	snop  }
0x5: {  	_ = 	snop  }
0x6: {  	_ = 	snop  }
0x7: {  	_ = 	snop  }
__scs_overlays_trampoline_lowered:
0x8: {  	[smem:$0x3FAD] =	sst s0  }
0x9: {  	[smem:$0x3FAE] =	sst s1  }
0xa: {  	[smem:$0x3FAF] =	sst s2  }
0xb: {  	[smem:$0x3FB0] =	sst s3  }
0xc: {  	[smem:$0x3FB1] =	sst s4  }
0xd: {  	[smem:$0x3FB2] =	sst s5  }
0xe: {  	[smem:$0x3FB3] =	sst s6  }
0xf: {  	[smem:$0x3FB4] =	sst s7  }
0x10: {  	[smem:$0x3FB5] =	sst s8  }
0x11: {  	[smem:$0x3FB6] =	sst s9;
	s0 =	simm.s32 @!p0 $0x0  }
0x12: {  	s1 =	sld [smem:$0x3F9C];
	s0 =	simm.s32 @p0 $0x1  }
0x13: {  	[smem:$0x3FB7] =	sst s0;
	s0 =	simm.s32 @!p1 $0x0  }
0x14: {  	s2 =	sld [smem:$0x3F9B];
	s0 =	simm.s32 @p1 $0x1  }
0x15: {  	[smem:$0x3FB8] =	sst s0;
	s0 =	simm.s32 @!p2 $0x0  }
0x16: {  	s3 =	sld [smem:$0x3FDB];
	s0 =	simm.s32 @p2 $0x1  }
0x17: {  	s4 =	simm.s32 $0x1BF5;
	[smem:$0x3FBA] =	sst s0  }
0x18: {  	s0 =	sld [smem:$0x3F9D];
	_ =	swait.ge [sflag:s4], $0x0  }
0x19: {  	s7 =	sld [smem:$0x3F9E]  }
0x1a: {  	s8 =	sadd.s32 $0xFFFFE003, lr  }
0x1b: {  	s9 =	sadd.s32 $0xFFFFFEF7, lr;
	s5 =	simm.s32 $0xFFFFFFFF;
	p2 =	slt.u32 s8, $0xFFFFF086  }
0x1c: {  	p1 =	slt.u32 s9, $0xF7A;
	s5 =	simm.s32 @!p2 $0x0  }
0x1d: {  	s5 =	simm.s32 @p1 $0x1;
	p0 =	seq.s32 s7, s2  }
0x1e: {  	s7 =	smul.u32 @!p0 $0xF7A, s2;
	p2 =	seq.s32 @!p0 s5, $0x0  }
0x1f: {  	s9 =	smul.u32 $0xF7A, s1;
	s8 =	simm.s32 @!p0 $0x1BF5;
	p2 =	por !p2, p0  }
0x20: {  	[sflag:s8] =	ssyncset.s32 @!p0 $0xFFFFF086;
	s6 =	sadd.s32 @!p0 s3, s7;
	s7 =	simm.s32 @!p0 $0x108  }
0x21: {  	s3 =	sadd.s32 s3, s9;
	s6 =	sadd.s32 @!p0 $0x88, s6;
	s7 =	simm.s32 @p2 $0x1082  }
0x22: {  	[simem:s7], [sflag:s8] =	dma.local @!p0 [hbm:s6], $0xF7A  }
0x23: {  	s9 =	sor.u32 $0xD0000000, s2;
	s6 =	simm.s32 $0x108;
	_ =	swait.ge @!p0 [sflag:s8], $0x0  }
0x24: {  	s3 =	sadd.s32 $0x88, s3;
	s6 =	simm.s32 @!p1 $0x1082;
	[sflag:s4] =	ssyncset.s32 $0xFFFFF086  }
0x25: {  	[simem:s6], [sflag:s4] =	dma.local [hbm:s3], $0xF7A  }
0x26: {  	[smem:$0x3F9E] =	sst s1;
	(tag) =	ssettag s2;
	_ =	strace s9  }
0x27: {  	s1 =	sld [smem:$0x3FAE]  }
0x28: {  	s2 =	sld [smem:$0x3FAF]  }
0x29: {  	s4 =	sld [smem:$0x3FB1]  }
0x2a: {  	p0 =	seq.s32 s5, $0x0;
	s5 =	sld [smem:$0x3FB2]  }
0x2b: {  	s6 =	sld [smem:$0x3FB3]  }
0x2c: {  	s7 =	sld [smem:$0x3FB4]  }
0x2d: {  	s3 =	simm.s32 $0x108;
	s8 =	sld [smem:$0x3FB5]  }
0x2e: {  	s3 =	simm.s32 @!p0 $0x1082;
	s9 =	sld [smem:$0x3FB6]  }
0x2f: {  	lr =	sadd.s32 s0, s3;
	s0 =	sld [smem:$0x3FAD]  }
0x30: {  	s3 =	sld [smem:$0x3FB0]  }
0x31: {  	[smem:$0x3FB9] =	sst s10  }
0x32: {  	s10 =	sld [smem:$0x3FB7];
	_ =	sdelay $0x3  }
0x33: {  	p0 =	seq.s32 s10, $0x1;
	s10 =	sld [smem:$0x3FB9];
	_ =	sdelay $0x3  }
0x34: {  	[smem:$0x3FB9] =	sst s10  }
0x35: {  	s10 =	sld [smem:$0x3FB8];
	_ =	sdelay $0x3  }
0x36: {  	p1 =	seq.s32 s10, $0x1;
	s10 =	sld [smem:$0x3FB9];
	_ =	sdelay $0x3  }
0x37: {  	[smem:$0x3FB9] =	sst s10  }
0x38: {  	s10 =	sld [smem:$0x3FBA]  }
0x39: {  	_ = 	snop;
	(pc) =	sbr.ind lr, $3  }
0x3a: {  	_ = 	snop  }
0x3b: {  	_ = 	snop  }
0x3c: {  	p2 =	seq.s32 s10, $0x1;
	s10 =	sld [smem:$0x3FB9]  }
0x3d: {  	_ =	shalt  }
0x3e: {  	_ =	shalt  }
0x3f: {  	_ =	shalt  }
0x40: {  	_ =	shalt  }
0x41: {  	_ =	shalt  }
0x42: {  	_ =	shalt  }
0x43: {  	_ =	shalt  }
0x44: {  	_ =	shalt  }
0x45: {  	_ =	shalt  }
0x46: {  	_ =	shalt  }
0x47: {  	_ =	shalt  }
0x48: {  	_ =	shalt  }
0x49: {  	_ =	shalt  }
0x4a: {  	_ =	shalt  }
0x4b: {  	_ =	shalt  }
0x4c: {  	_ =	shalt  }
0x4d: {  	_ =	shalt  }
0x4e: {  	_ =	shalt  }
0x4f: {  	_ =	shalt  }
0x50: {  	_ =	shalt  }
0x51: {  	_ =	shalt  }
0x52: {  	_ =	shalt  }
0x53: {  	_ =	shalt  }
0x54: {  	_ =	shalt  }
0x55: {  	_ =	shalt  }
0x56: {  	_ =	shalt  }
0x57: {  	_ =	shalt  }
0x58: {  	_ =	shalt  }
0x59: {  	_ =	shalt  }
0x5a: {  	_ =	shalt  }
0x5b: {  	_ =	shalt  }
0x5c: {  	_ =	shalt  }
0x5d: {  	_ =	shalt  }
0x5e: {  	_ =	shalt  }
0x5f: {  	_ =	shalt  }
0x60: {  	_ =	shalt  }
0x61: {  	_ =	shalt  }
0x62: {  	_ =	shalt  }
0x63: {  	_ =	shalt  }
0x64: {  	_ =	shalt  }
0x65: {  	_ =	shalt  }
0x66: {  	_ =	shalt  }
0x67: {  	_ =	shalt  }
0x68: {  	_ =	shalt  }
0x69: {  	_ =	shalt  }
0x6a: {  	_ =	shalt  }
0x6b: {  	_ =	shalt  }
0x6c: {  	_ =	shalt  }
0x6d: {  	_ =	shalt  }
0x6e: {  	_ =	shalt  }
0x6f: {  	_ =	shalt  }
0x70: {  	_ =	shalt  }
0x71: {  	_ =	shalt  }
0x72: {  	_ =	shalt  }
0x73: {  	_ =	shalt  }
0x74: {  	_ =	shalt  }
0x75: {  	_ =	shalt  }
0x76: {  	_ =	shalt  }
0x77: {  	_ =	shalt  }
0x78: {  	_ =	shalt  }
0x79: {  	_ =	shalt  }
0x7a: {  	_ =	shalt  }
0x7b: {  	_ =	shalt  }
0x7c: {  	_ =	shalt  }
0x7d: {  	_ =	shalt  }
0x7e: {  	_ =	shalt  }
0x7f: {  	_ =	shalt  }
0x80: {  	_ =	shalt  }
0x81: {  	_ =	shalt  }
0x82: {  	_ =	shalt  }
0x83: {  	_ =	shalt  }
0x84: {  	_ =	shalt  }
0x85: {  	_ =	shalt  }
0x86: {  	_ =	shalt  }
0x87: {  	_ =	shalt  }
.Lfunc_end0:
.L_simem_size_0:
called_computation_lowered:
.L_overlay_start_0:
0x88: {  	s2 =	sld [smem:$0x3FD9]  }
0x89: {  	s3 =	sld [smem:$0x3FFE];
	_ =	sdelay $0x1  }
0x8a: {  	s1 =	srdreg.scid  }
0x8b: {  	s0 =	sand.u32 $0x1, s1  }
0x8c: {  	s18 =	sshll.u32 s0, $0xA;
	s2 =	sadd.s32 s3, s2  }
0x8d: {  	s2 =	sadd.s32 s2, s18  }
0x8e: {  	[smem:$0x3FC5] =	sst s2  }
0x8f: {  	_ = 	snop  }
0x90: {  	s2 =	sld [smem:$0x3FC9]  }
0x91: {  	s19 =	sld [smem:$0x3FC8]  }
0x92: {  	s4 =	sld [smem:$0x3FD0];
	(tm) =	ssettm $0x1  }
0x93: {  	s5 =	sld [smem:$0x3FFB];
	_ =	sdelay $0x3  }
0x94: {  	_ =	strace s5  }
0x95: {  	s5 =	sld [smem:$0x3FFC];
	_ =	sdelay $0x3  }
0x96: {  	_ =	strace s5  }
0x97: {  	s5 =	sld [smem:$0x3FFD];
	_ =	sdelay $0x3  }
0x98: {  	_ =	strace s5  }
0x99: {  	_ =	strace $0x8FFFFFFF  }
0x9a: {  	s20 =	sld [smem:$0x3FDB];
	_ =	sdelay $0x1  }
0x9b: {  	s6 =	simm.s32 $_scs_section_size  }
0x9c: {  	s7 =	simm.s32 $_size__tile_overlayer_lowered;
	s8 =	simm.s32 $_tile_overlayer_lowered  }
0x9d: {  	s23 =	simm.s32 $0x1BFF;
	s22 =	sshll.u32 s8, $0x1;
	s5 =	sadd.s32 s6, s20  }
0x9e: {  	s9 =	simm.s32 $0x0;
	s21 =	sshll.u32 s7, $0x1;
	s7 =	sadd.s32 s22, s5  }
0x9f: {  	[timem:s9], [sflag:s23] =	dma.local [hbm:s7], s21  }
0xa0: {  	_ =	swait.ge [sflag:s23], s21  }
0xa1: {  	s6 =	ssub.s32 $0x0, s21;
	[sflag:s23] =	ssyncset.done $0x0  }
0xa2: {  	[sflag:s23] =	ssyncadd.s32 s6;
	_ =	sdelay $0x1  }
0xa3: {  	s24 =	simm.s32 $0x1B8B  }
0xa4: {  	_ =	swait.ge [sflag:s24], $0x1  }
0xa5: {  	[sflag:s24] =	ssyncset.done $0x0  }
0xa6: {  	s25 =	simm.s32 $0x1B8E;
	[sflag:s24] =	ssyncadd.s32 $0xFFFFFFFF  }
0xa7: {  	s26 =	simm.s32 $execute0_lowered;
	[smem:$0x3FD2] =	sst s25  }
0xa8: {  	s6 =	sshll.u32 s26, $0x1;
	_ =	strace $0x80000046;
	[dreg:$0x1] =	wrdreg $0xFFFFFFFF  }
0xa9: {  	s28 =	simm.s32 $_size_execute0_lowered;
	s5 =	sadd.s32 s5, s6;
	[dreg:$0x0] =	wrdreg $0x0  }
0xaa: {  	s6 =	sshll.u32 s28, $0x1;
	[dreg:$0x2] =	wrdreg s5  }
0xab: {  	[dreg:$0x3] =	wrdreg s6  }
0xac: {  	[dreg:$0x4] =	wrdreg $0xC0  }
0xad: {  	_ =	task [dreg:s9], $0x5FFFF  }
0xae: {  	[dreg:$0x1] =	wrdreg $0xFFFFFFFF  }
0xaf: {  	[dreg:$0x0] =	wrdreg $0x60  }
0xb0: {  	[dreg:$0x2] =	wrdreg s2  }
0xb1: {  	[dreg:$0x3] =	wrdreg s19  }
0xb2: {  	[dreg:$0x4] =	wrdreg s4  }
0xb3: {  	[dreg:$0x5] =	wrdreg $0x9  }
0xb4: {  	_ =	task.clear_ibuf [dreg:s9], $0x6FFFF;
	_ =	strace $0x90000046  }
0xb5: {  	s29 =	simm.s32 $0x9;
	_ =	strace $0x80000048  }
0xb6: {  	_ =	swait.ge [sflag:s29], $0x1  }
0xb7: {  	[sflag:s29] =	ssyncadd.s32 $0xFFFFFFFF  }
0xb8: {  	_ =	strace $0x90000048  }
0xb9: {  	_ =	sfence  }
0xba: {  	s30 =	sld [smem:$0x0];
	_ =	sdelay $0x2  }
0xbb: {  	s31 =	sshll.u32 s1, $0xD;
	s1 =	sshrl.u32 s1, $0x2  }
0xbc: {  	s3 =	sand.u32 $0x4000, s31;
	s1 =	sadd.s32 s1, s30  }
0xbd: {  	s0 =	sor.u32 s3, s0;
	s1 =	sshll.u32 s1, $0x11  }
0xbe: {  	s0 =	sor.u32 s1, s0  }
0xbf: {  	s0 =	sadd.s32 $0x8F2B, s0  }
0xc0: {  	[sflag:s0] =	ssyncadd.remote.s32 $0x1  }
0xc1: {  	_ =	sfence.sel $0xFFFF  }
0xc2: {  	[dreg:$0x0] =	wrdreg $0xFFFFFFFF;
	(pc) =	sbr.abs _section_cstart, $3  }
0xc3: {  	[dreg:$0x1] =	wrdreg $0xFFFFFFFF  }
0xc4: {  	_ =	task.clear_ibuf [dreg:s9], $0x2FFFF;
	_ =	strace $0x9FFFFFFF  }
0xc5: {  	(tm) =	ssettm $0x7FFFFFFF  }
tec
execute0_lowered:
.L_overlay_start_1:
0x0: {  	(tag) =	ssettag $0x1  }
0x1: {  	v0 =	vimm.s32 $0xB80;
	vm13 =	vcmask $0x300;
	v1 =	vimm.s32 $0x1B80  }
0x2: {  	vm14 =	vcmask $0x704;
	vm12 =	vcmask $0xB08;
	vm11 =	vcmask $0xF0C  }
0x3: {  	vm10 =	vcmask $0x1310;
	vm9 =	vcmask $0x1714;
	vm8 =	vcmask $0x1B18  }
0x4: {  	vm7 =	vcmask $0x1F1C;
	vm6 =	vcmask $0x2320;
	vm5 =	vcmask $0x2724  }
0x5: {  	vm4 =	vcmask $0x2B28;
	vm3 =	vcmask $0x2F2C;
	vm2 =	vcmask $0x3330  }
0x6: {  	vm1 =	vcmask $0x3734;
	vm0 =	vcmask $0x3B38;
	v4 =	vimm.s32 $0x3B80  }
0x7: {  	v5 =	vimm.s32 $0x4B80;
	v6 =	vimm.s32 $0x5B80;
	v7 =	vimm.s32 $0x6B80  }
0x8: {  	v8 =	vimm.s32 $0x7B80;
	v0 =	vsel vm13, $0x0, v0;
	v1 =	vsel vm13, $0x1000, v1  }
0x9: {  	v4 =	vsel vm13, $0x3000, v4;
	v5 =	vsel vm13, $0x4000, v5;
	v6 =	vsel vm13, $0x5000, v6  }
0xa: {  	v7 =	vsel vm13, $0x6000, v7;
	v8 =	vsel vm13, $0x7000, v8;
	v0 =	vsel vm14, $0x80, v0  }
0xb: {  	v1 =	vsel vm14, $0x1080, v1;
	v4 =	vsel vm14, $0x3080, v4;
	v5 =	vsel vm14, $0x4080, v5  }
0xc: {  	v6 =	vsel vm14, $0x5080, v6;
	v7 =	vsel vm14, $0x6080, v7;
	v8 =	vsel vm14, $0x7080, v8  }
0xd: {  	v0 =	vsel vm12, $0x100, v0;
	v1 =	vsel vm12, $0x1100, v1;
	v4 =	vsel vm12, $0x3100, v4  }
0xe: {  	v5 =	vsel vm12, $0x4100, v5;
	v6 =	vsel vm12, $0x5100, v6;
	v7 =	vsel vm12, $0x6100, v7  }
0xf: {  	v8 =	vsel vm12, $0x7100, v8;
	v0 =	vsel vm11, $0x180, v0;
	v1 =	vsel vm11, $0x1180, v1  }
0x10: {  	v4 =	vsel vm11, $0x3180, v4;
	v5 =	vsel vm11, $0x4180, v5;
	v6 =	vsel vm11, $0x5180, v6  }
0x11: {  	v7 =	vsel vm11, $0x6180, v7;
	v8 =	vsel vm11, $0x7180, v8;
	v0 =	vsel vm10, $0x200, v0  }
0x12: {  	v1 =	vsel vm10, $0x1200, v1;
	v4 =	vsel vm10, $0x3200, v4;
	v5 =	vsel vm10, $0x4200, v5  }
0x13: {  	v6 =	vsel vm10, $0x5200, v6;
	v7 =	vsel vm10, $0x6200, v7;
	v8 =	vsel vm10, $0x7200, v8  }
0x14: {  	v0 =	vsel vm9, $0x280, v0;
	v1 =	vsel vm9, $0x1280, v1;
	v4 =	vsel vm9, $0x3280, v4  }
0x15: {  	v5 =	vsel vm9, $0x4280, v5;
	v6 =	vsel vm9, $0x5280, v6;
	v7 =	vsel vm9, $0x6280, v7  }
0x16: {  	v8 =	vsel vm9, $0x7280, v8;
	v0 =	vsel vm8, $0x300, v0;
	v1 =	vsel vm8, $0x1300, v1  }
0x17: {  	v4 =	vsel vm8, $0x3300, v4;
	v5 =	vsel vm8, $0x4300, v5;
	v6 =	vsel vm8, $0x5300, v6  }
0x18: {  	v7 =	vsel vm8, $0x6300, v7;
	v8 =	vsel vm8, $0x7300, v8;
	v0 =	vsel vm7, $0x380, v0  }
0x19: {  	v1 =	vsel vm7, $0x1380, v1;
	v4 =	vsel vm7, $0x3380, v4;
	v5 =	vsel vm7, $0x4380, v5  }
0x1a: {  	v6 =	vsel vm7, $0x5380, v6;
	v7 =	vsel vm7, $0x6380, v7;
	v8 =	vsel vm7, $0x7380, v8  }
0x1b: {  	v0 =	vsel vm6, $0x800, v0;
	v1 =	vsel vm6, $0x1800, v1;
	v4 =	vsel vm6, $0x3800, v4  }
0x1c: {  	v5 =	vsel vm6, $0x4800, v5;
	v0 =	vsel vm5, $0x880, v0;
	v1 =	vsel vm5, $0x1880, v1  }
0x1d: {  	v6 =	vsel vm6, $0x5800, v6;
	v0 =	vsel vm4, $0x900, v0;
	v1 =	vsel vm4, $0x1900, v1  }
0x1e: {  	v7 =	vsel vm6, $0x6800, v7;
	v0 =	vsel vm3, $0x980, v0;
	v1 =	vsel vm3, $0x1980, v1  }
0x1f: {  	v8 =	vsel vm6, $0x7800, v8;
	v0 =	vsel vm2, $0xA00, v0;
	v1 =	vsel vm2, $0x1A00, v1  }
0x20: {  	v4 =	vsel vm5, $0x3880, v4;
	v2 =	vsel vm1, $0xA80, v0;
	v3 =	vsel vm1, $0x1A80, v1  }
0x21: {  	v1 =	vsel vm0, $0xB00, v2;
	v2 =	vsel vm0, $0x1B00, v3;
	v3 =	vimm.s32 $0x2B80  }
0x22: {  	v5 =	vsel vm5, $0x4880, v5;
	v6 =	vsel vm5, $0x5880, v6;
	v3 =	vsel vm13, $0x2000, v3  }
0x23: {  	v7 =	vsel vm5, $0x6880, v7;
	v8 =	vsel vm5, $0x7880, v8;
	v3 =	vsel vm14, $0x2080, v3  }
0x24: {  	s0 =	rddreg [dreg:$0x0];
	v4 =	vsel vm4, $0x3900, v4;
	v5 =	vsel vm4, $0x4900, v5;
	v3 =	vsel vm12, $0x2100, v3  }
0x25: {  	s5 =	rddreg [dreg:$0x1];
	v6 =	vsel vm4, $0x5900, v6;
	v7 =	vsel vm4, $0x6900, v7;
	v3 =	vsel vm11, $0x2180, v3  }
0x26: {  	s4 =	rddreg [dreg:$0x2];
	v8 =	vsel vm4, $0x7900, v8;
	v4 =	vsel vm3, $0x3980, v4;
	v3 =	vsel vm10, $0x2200, v3  }
0x27: {  	s2 =	srdreg.scid;
	s1 =	stileid.u32;
	s13 =	simm.s32 $0x3;
	v5 =	vsel vm3, $0x4980, v5;
	v6 =	vsel vm3, $0x5980, v6;
	v3 =	vsel vm9, $0x2280, v3  }
0x28: {  	s14 =	simm.s32 $0x4;
	s15 =	simm.s32 $0xE000;
	s16 =	simm.s32 $0x16000;
	v7 =	vsel vm3, $0x6980, v7;
	v8 =	vsel vm3, $0x7980, v8;
	v3 =	vsel vm8, $0x2300, v3  }
0x29: {  	s17 =	simm.s32 $0x1;
	s18 =	simm.s32 $0x2;
	s19 =	simm.s32 $0x0;
	v4 =	vsel vm2, $0x3A00, v4;
	v5 =	vsel vm2, $0x4A00, v5;
	v3 =	vsel vm7, $0x2380, v3  }
0x2a: {  	s3 =	sand.u32 $0x1, s2;
	s2 =	simm.s32 $0x0;
	s6 =	sshll.u32 s1, $0xA;
	v6 =	vsel vm2, $0x5A00, v6;
	v7 =	vsel vm2, $0x6A00, v7;
	v3 =	vsel vm6, $0x2800, v3  }
0x2b: {  	s7 =	sshll.u32 s3, $0x9;
	[smem:$0x7FF] =	sst s2;
	s3 =	ssub.s32 $0x2, s3;
	v8 =	vsel vm2, $0x7A00, v8;
	v0 =	vimm.f32 $0.0e+00;
	v3 =	vsel vm5, $0x2880, v3  }
0x2c: {  	s6 =	sor.u32 s7, s6;
	_ =	strace $0x80000047;
	s29 =	sshrl.u32 s3, $0x1;
	v4 =	vsel vm1, $0x3A80, v4;
	v5 =	vsel vm1, $0x4A80, v5;
	v3 =	vsel vm4, $0x2900, v3  }
0x2d: {  	s8 =	sshll.u32 s6, $0x5;
	s9 =	ssub.s32 s3, s29;
	s0 =	sadd.s32 s0, s6;
	v6 =	vsel vm1, $0x5A80, v6;
	v7 =	vsel vm1, $0x6A80, v7;
	v3 =	vsel vm3, $0x2980, v3  }
0x2e: {  	s30 =	sadd.s32 s5, s6;
	[dreg:$0x4] =	wrdreg s0;
	s4 =	sadd.s32 s4, s8;
	v8 =	vsel vm1, $0x7A80, v8;
	v4 =	vsel vm0, $0x3B00, v4;
	v3 =	vsel vm2, $0x2A00, v3  }
0x2f: {  	[dreg:$0x5] =	wrdreg s30;
	s9 =	smax.u32 s9, $0x1;
	s31 =	sadd.s32 $0x1000, s4;
	v5 =	vsel vm0, $0x4B00, v5;
	v6 =	vsel vm0, $0x5B00, v6;
	v3 =	vsel vm1, $0x2A80, v3  }
0x30: {  	s7 =	sadd.s32 $0x2000, s4;
	s8 =	sadd.s32 $0x3000, s4;
	[dreg:$0x6] =	wrdreg s31;
	v7 =	vsel vm0, $0x6B00, v7;
	v8 =	vsel vm0, $0x7B00, v8;
	v3 =	vsel vm0, $0x2B00, v3  }
.LBB2_1:
0x31: {  	s0 =	rddreg [dreg:$0x4];
	s1 =	simm.s32 $0x1000  }
0x32: {  	s3 =	simm.s32 $0x20000;
	s31 =	sand.u32 $0x7800, s2;
	s20 =	sand.u32 $0x300, s2  }
0x33: {  	[tilespmem:s2], [sflag:$0x3] =	stream.strided.gather [hbm4b:s0+s1], $0x7000, s3, s1, $0x38;
	[tilespmem:$0x1E000] =	vst v63  }
0x34: {  	s30 =	rddreg [dreg:$0x5];
	s5 =	simm.s32 $0x7000;
	s0 =	sor.u32 s20, s31  }
0x35: {  	[tilespmem:s5], [sflag:$0x4] =	stream.strided.gather [hbm4b:s30+s1], $0x7000, s3, s1, $0x38;
	[tilespmem:$0x1E000] =	vst v63  }
0x36: {  	[tilespmem:s0+$0xE4F0] =	vst v0  }
0x37: {  	[tilespmem:s0+$0xE000] =	vst v0  }
0x38: {  	[tilespmem:s0+$0xE010] =	vst v0  }
0x39: {  	[tilespmem:s0+$0xE020] =	vst v0  }
0x3a: {  	[tilespmem:s0+$0xE030] =	vst v0  }
0x3b: {  	[tilespmem:s0+$0xE040] =	vst v0  }
0x3c: {  	[tilespmem:s0+$0xE050] =	vst v0  }
0x3d: {  	[tilespmem:s0+$0xE060] =	vst v0  }
0x3e: {  	[tilespmem:s0+$0xE070] =	vst v0  }
0x3f: {  	[tilespmem:s0+$0xE400] =	vst v0  }
0x40: {  	[tilespmem:s0+$0xE410] =	vst v0  }
0x41: {  	[tilespmem:s0+$0xE420] =	vst v0  }
0x42: {  	[tilespmem:s0+$0xE430] =	vst v0  }
0x43: {  	[tilespmem:s0+$0xE440] =	vst v0  }
0x44: {  	[tilespmem:s0+$0xE450] =	vst v0  }
0x45: {  	[tilespmem:s0+$0xE460] =	vst v0  }
0x46: {  	[tilespmem:s0+$0xE470] =	vst v0  }
0x47: {  	[tilespmem:s0+$0xE080] =	vst v0  }
0x48: {  	[tilespmem:s0+$0xE090] =	vst v0  }
0x49: {  	[tilespmem:s0+$0xE0A0] =	vst v0  }
0x4a: {  	[tilespmem:s0+$0xE0B0] =	vst v0  }
0x4b: {  	[tilespmem:s0+$0xE0C0] =	vst v0  }
0x4c: {  	[tilespmem:s0+$0xE0D0] =	vst v0  }
0x4d: {  	[tilespmem:s0+$0xE0E0] =	vst v0  }
0x4e: {  	[tilespmem:s0+$0xE0F0] =	vst v0  }
0x4f: {  	[tilespmem:s0+$0xE480] =	vst v0  }
0x50: {  	[tilespmem:s0+$0xE490] =	vst v0  }
0x51: {  	[tilespmem:s0+$0xE4A0] =	vst v0  }
0x52: {  	[tilespmem:s0+$0xE4B0] =	vst v0  }
0x53: {  	s21 =	simm.s32 $0x100;
	s22 =	simm.s32 $0x200;
	s20 =	simm.s32 $0x0;
	[tilespmem:s0+$0xE4C0] =	vst v0  }
.LBB2_2:
0x54: {  	s23 =	sand.u32 $0x7800, s22;
	s24 =	sand.u32 $0x300, s21;
	s20 =	sadd.s32 $0x2, s20;
	[tilespmem:s0+$0xE4D0] =	vst v0  }
0x55: {  	p0 =	slt.u32 s20, $0x7E;
	[tilespmem:s0+$0xE4E0] =	vst v0;
	s0 =	sor.u32 s24, s23  }
0x56: {  	s23 =	simm.s32 $0x0;
	[tilespmem:s0+$0xE4F0] =	vst v0  }
0x57: {  	[tilespmem:s0+$0xE000] =	vst v0  }
0x58: {  	[tilespmem:s0+$0xE010] =	vst v0  }
0x59: {  	[tilespmem:s0+$0xE020] =	vst v0  }
0x5a: {  	[tilespmem:s0+$0xE030] =	vst v0  }
0x5b: {  	[tilespmem:s0+$0xE040] =	vst v0  }
0x5c: {  	[tilespmem:s0+$0xE050] =	vst v0  }
0x5d: {  	[tilespmem:s0+$0xE060] =	vst v0  }
0x5e: {  	[tilespmem:s0+$0xE070] =	vst v0  }
0x5f: {  	[tilespmem:s0+$0xE400] =	vst v0  }
0x60: {  	[tilespmem:s0+$0xE410] =	vst v0  }
0x61: {  	[tilespmem:s0+$0xE420] =	vst v0  }
0x62: {  	[tilespmem:s0+$0xE430] =	vst v0  }
0x63: {  	[tilespmem:s0+$0xE440] =	vst v0  }
0x64: {  	[tilespmem:s0+$0xE450] =	vst v0  }
0x65: {  	[tilespmem:s0+$0xE460] =	vst v0  }
0x66: {  	[tilespmem:s0+$0xE470] =	vst v0  }
0x67: {  	[tilespmem:s0+$0xE080] =	vst v0  }
0x68: {  	[tilespmem:s0+$0xE090] =	vst v0  }
0x69: {  	[tilespmem:s0+$0xE0A0] =	vst v0  }
0x6a: {  	[tilespmem:s0+$0xE0B0] =	vst v0  }
0x6b: {  	[tilespmem:s0+$0xE0C0] =	vst v0  }
0x6c: {  	[tilespmem:s0+$0xE0D0] =	vst v0  }
0x6d: {  	[tilespmem:s0+$0xE0E0] =	vst v0  }
0x6e: {  	[tilespmem:s0+$0xE0F0] =	vst v0  }
.Ltmp0:
0x6f: {  	[tilespmem:s0+$0xE480] =	vst v0;
	(pc) =	sbr.rel @p0 .LBB2_2-.Ltmp0, $4  }
0x70: {  	[tilespmem:s0+$0xE490] =	vst v0  }
0x71: {  	[tilespmem:s0+$0xE4A0] =	vst v0  }
0x72: {  	[tilespmem:s0+$0xE4B0] =	vst v0  }
0x73: {  	s21 =	sadd.s32 $0x100, s21;
	s22 =	sadd.s32 $0x200, s22;
	[tilespmem:s0+$0xE4C0] =	vst v0  }
0x74: {  	[tilespmem:s0+$0xE4D0] =	vst v0;
	s20 =	sand.u32 $0x7800, s23;
	s21 =	sand.u32 $0x300, s23  }
0x75: {  	[tilespmem:s0+$0xE4E0] =	vst v0;
	s20 =	sor.u32 s21, s20  }
0x76: {  	s0 =	sadd.s32 $0x16000, s20;
	[tilespmem:s20+$0x16000] =	vst v0  }
0x77: {  	[tilespmem:s0+$0x4F0] =	vst v0  }
0x78: {  	[tilespmem:s0+$0x10] =	vst v0  }
0x79: {  	[tilespmem:s0+$0x20] =	vst v0  }
0x7a: {  	[tilespmem:s0+$0x30] =	vst v0  }
0x7b: {  	[tilespmem:s0+$0x40] =	vst v0  }
0x7c: {  	[tilespmem:s0+$0x50] =	vst v0  }
0x7d: {  	[tilespmem:s0+$0x60] =	vst v0  }
0x7e: {  	[tilespmem:s0+$0x70] =	vst v0  }
0x7f: {  	[tilespmem:s0+$0x400] =	vst v0  }
0x80: {  	[tilespmem:s0+$0x410] =	vst v0  }
0x81: {  	[tilespmem:s0+$0x420] =	vst v0  }
0x82: {  	[tilespmem:s0+$0x430] =	vst v0  }
0x83: {  	[tilespmem:s0+$0x440] =	vst v0  }
0x84: {  	[tilespmem:s0+$0x450] =	vst v0  }
0x85: {  	[tilespmem:s0+$0x460] =	vst v0  }
0x86: {  	[tilespmem:s0+$0x470] =	vst v0  }
0x87: {  	[tilespmem:s0+$0x80] =	vst v0  }
0x88: {  	[tilespmem:s0+$0x90] =	vst v0  }
0x89: {  	[tilespmem:s0+$0xA0] =	vst v0  }
0x8a: {  	[tilespmem:s0+$0xB0] =	vst v0  }
0x8b: {  	[tilespmem:s0+$0xC0] =	vst v0  }
0x8c: {  	[tilespmem:s0+$0xD0] =	vst v0  }
0x8d: {  	[tilespmem:s0+$0xE0] =	vst v0  }
0x8e: {  	[tilespmem:s0+$0xF0] =	vst v0  }
0x8f: {  	[tilespmem:s0+$0x480] =	vst v0  }
0x90: {  	[tilespmem:s0+$0x490] =	vst v0  }
0x91: {  	[tilespmem:s0+$0x4A0] =	vst v0  }
0x92: {  	[tilespmem:s0+$0x4B0] =	vst v0  }
0x93: {  	s22 =	simm.s32 $0x200;
	s21 =	simm.s32 $0x100;
	s20 =	simm.s32 $0x0;
	[tilespmem:s0+$0x4C0] =	vst v0  }
.LBB2_4:
0x94: {  	s23 =	sand.u32 $0x7800, s22;
	s24 =	sand.u32 $0x300, s21;
	s20 =	sadd.s32 $0x2, s20;
	[tilespmem:s0+$0x4D0] =	vst v0  }
0x95: {  	s23 =	sor.u32 s24, s23;
	p0 =	slt.u32 s20, $0x7E;
	[tilespmem:s0+$0x4E0] =	vst v0  }
0x96: {  	s0 =	sadd.s32 $0x16000, s23;
	[tilespmem:s23+$0x16000] =	vst v0  }
0x97: {  	[tilespmem:s0+$0x4F0] =	vst v0  }
0x98: {  	[tilespmem:s0+$0x10] =	vst v0  }
0x99: {  	[tilespmem:s0+$0x20] =	vst v0  }
0x9a: {  	[tilespmem:s0+$0x30] =	vst v0  }
0x9b: {  	[tilespmem:s0+$0x40] =	vst v0  }
0x9c: {  	[tilespmem:s0+$0x50] =	vst v0  }
0x9d: {  	[tilespmem:s0+$0x60] =	vst v0  }
0x9e: {  	[tilespmem:s0+$0x70] =	vst v0  }
0x9f: {  	[tilespmem:s0+$0x400] =	vst v0  }
0xa0: {  	[tilespmem:s0+$0x410] =	vst v0  }
0xa1: {  	[tilespmem:s0+$0x420] =	vst v0  }
0xa2: {  	[tilespmem:s0+$0x430] =	vst v0  }
0xa3: {  	[tilespmem:s0+$0x440] =	vst v0  }
0xa4: {  	[tilespmem:s0+$0x450] =	vst v0  }
0xa5: {  	[tilespmem:s0+$0x460] =	vst v0  }
0xa6: {  	[tilespmem:s0+$0x470] =	vst v0  }
0xa7: {  	[tilespmem:s0+$0x80] =	vst v0  }
0xa8: {  	[tilespmem:s0+$0x90] =	vst v0  }
0xa9: {  	[tilespmem:s0+$0xA0] =	vst v0  }
0xaa: {  	[tilespmem:s0+$0xB0] =	vst v0  }
0xab: {  	[tilespmem:s0+$0xC0] =	vst v0  }
0xac: {  	[tilespmem:s0+$0xD0] =	vst v0  }
0xad: {  	[tilespmem:s0+$0xE0] =	vst v0  }
0xae: {  	[tilespmem:s0+$0xF0] =	vst v0  }
.Ltmp1:
0xaf: {  	[tilespmem:s0+$0x480] =	vst v0;
	(pc) =	sbr.rel @p0 .LBB2_4-.Ltmp1, $4  }
0xb0: {  	[tilespmem:s0+$0x490] =	vst v0  }
0xb1: {  	[tilespmem:s0+$0x4A0] =	vst v0  }
0xb2: {  	[tilespmem:s0+$0x4B0] =	vst v0  }
0xb3: {  	s21 =	sadd.s32 $0x100, s21;
	s22 =	sadd.s32 $0x200, s22;
	[tilespmem:s0+$0x4C0] =	vst v0  }
0xb4: {  	[tilespmem:s0+$0x4D0] =	vst v0  }
0xb5: {  	[tilespmem:s0+$0x4E0] =	vst v0  }
0xb6: {  	_ =	swait.ge [sflag:s13], $0x7000  }
0xb7: {  	[sflag:s13] =	ssyncset.done $0x0  }
0xb8: {  	[sflag:s13] =	ssyncadd.s32 $0xFFFF9000  }
0xb9: {  	s24 =	simm.s32 $0x600;
	s20 =	simm.s32 $0x180;
	_ =	swait.ge [sflag:s14], $0x7000  }
0xba: {  	s0 =	sand.u32 $0xF000, s24;
	s20 =	sand.u32 $0x380, s20;
	[sflag:s14] =	ssyncset.done $0x0  }
0xbb: {  	s24 =	sor.u32 s20, s0;
	[sflag:s14] =	ssyncadd.s32 $0xFFFF9000  }
0xbc: {  	v9 =	vld [tilespmem:s24+$0x0];
	_ =	sdelay $0x4  }
0xbd: {  	v10 =	vshll.u32 v9, $0x3  }
0xbe: {  	v9 =	vand.u32 $0x7F, v9;
	v10 =	vand.u32 $0xFFFFFC00, v10  }
0xbf: {  	v9 =	vor.u32 v9, v10  }
0xc0: {  	v10 =	vld [tilespmem:s24+$0x7000];
	v9 =	vadd.s32 v1, v9;
	_ =	sdelay $0x4  }
0xc1: {  	[tilespmem:v9+s15+$0x0] =	vst.idx.add.f32.msk $0xffff, v10  }
0xc2: {  	v9 =	vld [tilespmem:s24+$0x10]  }
0xc3: {  	s25 =	simm.s32 $0x0;
	s26 =	simm.s32 $0x200;
	s22 =	simm.s32 $0x80  }
0xc4: {  	s21 =	simm.s32 $0x0;
	s22 =	sand.u32 $0x380, s22;
	s20 =	sand.u32 $0xF000, s26  }
0xc5: {  	s21 =	sand.u32 $0x7000, s21;
	s0 =	sand.u32 $0x380, s25;
	s20 =	sor.u32 s22, s20  }
0xc6: {  	s28 =	simm.s32 $0x400;
	s23 =	simm.s32 $0x100;
	s21 =	sor.u32 s0, s21;
	v11 =	vld [tilespmem:s20+$0x0]  }
0xc7: {  	s29 =	sand.u32 $0x380, s23;
	s0 =	sand.u32 $0xF000, s28;
	v10 =	vld [tilespmem:s21+$0x0];
	v12 =	vshll.u32 v9, $0x3  }
0xc8: {  	s22 =	sor.u32 s29, s0;
	v9 =	vand.u32 $0x7F, v9;
	v12 =	vand.u32 $0xFFFFFC00, v12  }
0xc9: {  	s30 =	simm.s32 $0x200;
	s31 =	simm.s32 $0x800;
	v13 =	vld [tilespmem:s22+$0x0];
	v9 =	vor.u32 v9, v12  }
0xca: {  	s23 =	sand.u32 $0xF000, s31;
	s0 =	sand.u32 $0x380, s30;
	v12 =	vld [tilespmem:s24+$0x7010];
	v9 =	vadd.s32 v2, v9  }
0xcb: {  	s23 =	sor.u32 s0, s23;
	v16 =	vshll.u32 v11, $0x3  }
0xcc: {  	v15 =	vld [tilespmem:s23+$0x0];
	v11 =	vand.u32 $0x7F, v11;
	v16 =	vand.u32 $0xFFFFFC00, v16;
	v14 =	vshll.u32 v10, $0x3  }
0xcd: {  	v17 =	vld [tilespmem:s21+$0x7000];
	v11 =	vor.u32 v11, v16;
	v10 =	vand.u32 $0x7F, v10;
	v14 =	vand.u32 $0xFFFFFC00, v14  }
0xce: {  	v18 =	vshll.u32 v13, $0x3;
	v11 =	vadd.s32 v1, v11;
	v10 =	vor.u32 v10, v14;
	v14 =	vld [tilespmem:s20+$0x7000]  }
0xcf: {  	v13 =	vand.u32 $0x7F, v13;
	v36 =	vand.u32 $0xFFFFFC00, v18;
	v10 =	vadd.s32 v1, v10;
	[tilespmem:v9+s15+$0x0] =	vst.idx.add.f32.msk $0xffff, v12  }
0xd0: {  	v9 =	vor.u32 v13, v36;
	v12 =	vld [tilespmem:s24+$0x20]  }
0xd1: {  	v37 =	vshll.u32 v15, $0x3;
	v13 =	vld [tilespmem:s22+$0x7000];
	v9 =	vadd.s32 v1, v9  }
0xd2: {  	v38 =	vld [tilespmem:s23+$0x7000];
	v15 =	vand.u32 $0x7F, v15;
	v16 =	vand.u32 $0xFFFFFC00, v37  }
0xd3: {  	v15 =	vor.u32 v15, v16;
	[tilespmem:v11+s15+$0x0] =	vst.idx.add.f32.msk $0xffff, v14  }
0xd4: {  	[tilespmem:v10+s15+$0x0] =	vst.idx.add.f32.msk $0xffff, v17;
	v10 =	vadd.s32 v1, v15  }
0xd5: {  	v11 =	vld [tilespmem:s21+$0x10];
	v14 =	vshll.u32 v12, $0x3  }
0xd6: {  	[tilespmem:v9+s15+$0x0] =	vst.idx.add.f32.msk $0xffff, v13;
	v9 =	vand.u32 $0x7F, v12;
	v12 =	vand.u32 $0xFFFFFC00, v14  }
0xd7: {  	v13 =	vld [tilespmem:s20+$0x10];
	v9 =	vor.u32 v9, v12  }
0xd8: {  	v12 =	vld [tilespmem:s24+$0x7020];
	v9 =	vadd.s32 v3, v9  }
0xd9: {  	[tilespmem:v10+s15+$0x0] =	vst.idx.add.f32.msk $0xffff, v38  }
0xda: {  	v10 =	vld [tilespmem:s22+$0x10];
	v14 =	vshll.u32 v11, $0x3  }
0xdb: {  	v39 =	vld [tilespmem:s21+$0x7010];
	v11 =	vand.u32 $0x7F, v11;
	v14 =	vand.u32 $0xFFFFFC00, v14  }
0xdc: {  	v15 =	vld [tilespmem:s23+$0x10];
	v11 =	vor.u32 v11, v14  }
0xdd: {  	v11 =	vadd.s32 v2, v11;
	v14 =	vshll.u32 v13, $0x3;
	[tilespmem:v9+s15+$0x0] =	vst.idx.add.f32.msk $0xffff, v12  }
0xde: {  	v9 =	vand.u32 $0x7F, v13;
	v12 =	vand.u32 $0xFFFFFC00, v14;
	v13 =	vld [tilespmem:s24+$0x30]  }
0xdf: {  	v18 =	vld [tilespmem:s23+$0x7010];
	v9 =	vor.u32 v9, v12;
	v12 =	vshll.u32 v10, $0x3  }
0xe0: {  	v14 =	vld [tilespmem:s20+$0x7010];
	v10 =	vand.u32 $0x7F, v10;
	v12 =	vand.u32 $0xFFFFFC00, v12;
	v9 =	vadd.s32 v2, v9  }
0xe1: {  	v40 =	vld [tilespmem:s22+$0x7010];
	v10 =	vor.u32 v10, v12  }
0xe2: {  	[tilespmem:v11+s15+$0x0] =	vst.idx.add.f32.msk $0xffff, v39;
	v12 =	vshll.u32 v15, $0x3;
	v10 =	vadd.s32 v2, v10  }
0xe3: {  	v11 =	vand.u32 $0xFFFFFC00, v12;
	v12 =	vand.u32 $0x7F, v15;
	v15 =	vld [tilespmem:s21+$0x20];
	v41 =	vshll.u32 v13, $0x3  }
0xe4: {  	v11 =	vor.u32 v12, v11;
	v12 =	vld [tilespmem:s21+$0x7020];
	v13 =	vand.u32 $0x7F, v13;
	v16 =	vand.u32 $0xFFFFFC00, v41  }
0xe5: {  	v11 =	vadd.s32 v2, v11;
	[tilespmem:v9+s15+$0x0] =	vst.idx.add.f32.msk $0xffff, v14;
	v9 =	vor.u32 v13, v16  }
0xe6: {  	v13 =	vld [tilespmem:s24+$0x7030];
	v9 =	vadd.s32 v4, v9  }
0xe7: {  	[tilespmem:v10+s15+$0x0] =	vst.idx.add.f32.msk $0xffff, v40  }
0xe8: {  	v10 =	vld [tilespmem:s20+$0x20]  }
0xe9: {  	v14 =	vshll.u32 v15, $0x3;
	v42 =	vld [tilespmem:s22+$0x20]  }
0xea: {  	v15 =	vand.u32 $0x7F, v15;
	v14 =	vand.u32 $0xFFFFFC00, v14;
	[tilespmem:v11+s15+$0x0] =	vst.idx.add.f32.msk $0xffff, v18  }
0xeb: {  	v11 =	vor.u32 v15, v14;
	[tilespmem:v9+s15+$0x0] =	vst.idx.add.f32.msk $0xffff, v13  }
0xec: {  	v9 =	vadd.s32 v3, v11;
	v11 =	vld [tilespmem:s24+$0x40]  }
0xed: {  	v44 =	vld [tilespmem:s22+$0x7020];
	v14 =	vshll.u32 v10, $0x3  }
0xee: {  	v13 =	vld [tilespmem:s23+$0x20];
	v10 =	vand.u32 $0x7F, v10;
	v14 =	vand.u32 $0xFFFFFC00, v14;
	v43 =	vshll.u32 v42, $0x3  }
0xef: {  	v15 =	vld [tilespmem:s20+$0x7020];
	v16 =	vand.u32 $0x7F, v42;
	v17 =	vand.u32 $0xFFFFFC00, v43;
	v10 =	vor.u32 v10, v14  }
0xf0: {  	v47 =	vld [tilespmem:s24+$0x7040];
	v16 =	vor.u32 v16, v17;
	v10 =	vadd.s32 v3, v10  }
0xf1: {  	[tilespmem:v9+s15+$0x0] =	vst.idx.add.f32.msk $0xffff, v12;
	v9 =	vadd.s32 v3, v16;
	v12 =	vshll.u32 v11, $0x3  }
0xf2: {  	v14 =	vld [tilespmem:s23+$0x7020];
	v11 =	vand.u32 $0x7F, v11;
	v12 =	vand.u32 $0xFFFFFC00, v12  }
0xf3: {  	v46 =	vshll.u32 v13, $0x3;
	v45 =	vld [tilespmem:s21+$0x30];
	v11 =	vor.u32 v11, v12  }
0xf4: {  	v19 =	vld [tilespmem:s21+$0x7030];
	v12 =	vand.u32 $0x7F, v13;
	v13 =	vand.u32 $0xFFFFFC00, v46;
	v11 =	vadd.s32 v5, v11  }
0xf5: {  	[tilespmem:v10+s15+$0x0] =	vst.idx.add.f32.msk $0xffff, v15;
	v12 =	vor.u32 v12, v13  }
0xf6: {  	v10 =	vadd.s32 v3, v12;
	[tilespmem:v9+s15+$0x0] =	vst.idx.add.f32.msk $0xffff, v44  }
0xf7: {  	v9 =	vld [tilespmem:s20+$0x30]  }
0xf8: {  	v12 =	vshll.u32 v45, $0x3;
	v13 =	vld [tilespmem:s22+$0x30]  }
0xf9: {  	v15 =	vand.u32 $0x7F, v45;
	v12 =	vand.u32 $0xFFFFFC00, v12;
	[tilespmem:v11+s15+$0x0] =	vst.idx.add.f32.msk $0xffff, v47  }
0xfa: {  	v11 =	vor.u32 v15, v12;
	v12 =	vld [tilespmem:s24+$0x50]  }
0xfb: {  	v11 =	vadd.s32 v4, v11;
	[tilespmem:v10+s15+$0x0] =	vst.idx.add.f32.msk $0xffff, v14  }
0xfc: {  	v14 =	vshll.u32 v9, $0x3;
	v10 =	vld [tilespmem:s23+$0x30]  }
0xfd: {  	v48 =	vld [tilespmem:s22+$0x7030];
	v9 =	vand.u32 $0x7F, v9;
	v14 =	vand.u32 $0xFFFFFC00, v14  }
0xfe: {  	v15 =	vld [tilespmem:s20+$0x7030];
	v9 =	vor.u32 v9, v14;
	v14 =	vand.u32 $0x7F, v13;
	v13 =	vshll.u32 v13, $0x3  }
0xff: {  	v49 =	vld [tilespmem:s23+$0x7030];
	v13 =	vand.u32 $0xFFFFFC00, v13;
	v9 =	vadd.s32 v4, v9;
	v50 =	vshll.u32 v12, $0x3  }
0x100: {  	[tilespmem:v11+s15+$0x0] =	vst.idx.add.f32.msk $0xffff, v19;
	v11 =	vor.u32 v14, v13;
	v12 =	vand.u32 $0x7F, v12;
	v13 =	vand.u32 $0xFFFFFC00, v50  }
0x101: {  	v14 =	vshll.u32 v10, $0x3;
	v51 =	vld [tilespmem:s21+$0x40];
	v11 =	vadd.s32 v4, v11;
	v12 =	vor.u32 v12, v13  }
0x102: {  	v10 =	vand.u32 $0x7F, v10;
	v13 =	vand.u32 $0xFFFFFC00, v14;
	v14 =	vld [tilespmem:s24+$0x7050];
	v12 =	vadd.s32 v6, v12  }
0x103: {  	v10 =	vor.u32 v10, v13;
	v13 =	vld [tilespmem:s21+$0x7040]  }
0x104: {  	[tilespmem:v9+s15+$0x0] =	vst.idx.add.f32.msk $0xffff, v15;
	v10 =	vadd.s32 v4, v10  }
0x105: {  	v9 =	vld [tilespmem:s20+$0x40]  }
0x106: {  	v15 =	vshll.u32 v51, $0x3;
	[tilespmem:v11+s15+$0x0] =	vst.idx.add.f32.msk $0xffff, v48  }
0x107: {  	v11 =	vand.u32 $0x7F, v51;
	v15 =	vand.u32 $0xFFFFFC00, v15;
	[tilespmem:v12+s15+$0x0] =	vst.idx.add.f32.msk $0xffff, v14  }
0x108: {  	v11 =	vor.u32 v11, v15;
	v12 =	vld [tilespmem:s24+$0x60]  }
0x109: {  	[tilespmem:v10+s15+$0x0] =	vst.idx.add.f32.msk $0xffff, v49;
	v10 =	vadd.s32 v5, v11  }
0x10a: {  	v11 =	vld [tilespmem:s22+$0x40]  }
0x10b: {  	v14 =	vshll.u32 v9, $0x3  }
0x10c: {  	v9 =	vand.u32 $0x7F, v9;
	v15 =	vld [tilespmem:s23+$0x40];
	v14 =	vand.u32 $0xFFFFFC00, v14  }
0x10d: {  	v52 =	vld [tilespmem:s20+$0x7040];
	v9 =	vor.u32 v9, v14  }
0x10e: {  	v9 =	vadd.s32 v5, v9;
	v53 =	vshll.u32 v12, $0x3;
	[tilespmem:v10+s15+$0x0] =	vst.idx.add.f32.msk $0xffff, v13;
	v10 =	vand.u32 $0x7F, v12  }
0x10f: {  	v55 =	vld [tilespmem:s24+$0x7060];
	v13 =	vand.u32 $0x7F, v11;
	v11 =	vshll.u32 v11, $0x3;
	v12 =	vand.u32 $0xFFFFFC00, v53  }
0x110: {  	v56 =	vld [tilespmem:s23+$0x7040];
	v11 =	vand.u32 $0xFFFFFC00, v11;
	v10 =	vor.u32 v10, v12  }
0x111: {  	v14 =	vld [tilespmem:s22+$0x7040];
	v12 =	vshll.u32 v15, $0x3;
	v11 =	vor.u32 v13, v11;
	v10 =	vadd.s32 v7, v10  }
0x112: {  	v54 =	vld [tilespmem:s21+$0x50];
	v13 =	vand.u32 $0x7F, v15;
	v12 =	vand.u32 $0xFFFFFC00, v12;
	v11 =	vadd.s32 v5, v11  }
0x113: {  	[tilespmem:v9+s15+$0x0] =	vst.idx.add.f32.msk $0xffff, v52;
	v12 =	vor.u32 v13, v12  }
0x114: {  	v9 =	vadd.s32 v5, v12;
	v12 =	vld [tilespmem:s20+$0x50]  }
0x115: {  	v13 =	vld [tilespmem:s21+$0x7050]  }
0x116: {  	[tilespmem:v10+s15+$0x0] =	vst.idx.add.f32.msk $0xffff, v55  }
0x117: {  	v15 =	vshll.u32 v54, $0x3;
	[tilespmem:v11+s15+$0x0] =	vst.idx.add.f32.msk $0xffff, v14  }
0x118: {  	v15 =	vand.u32 $0xFFFFFC00, v15;
	v10 =	vand.u32 $0x7F, v54;
	v57 =	vld [tilespmem:s24+$0x70]  }
0x119: {  	v10 =	vor.u32 v10, v15;
	v11 =	vshll.u32 v12, $0x3;
	[tilespmem:v9+s15+$0x0] =	vst.idx.add.f32.msk $0xffff, v56  }
0x11a: {  	v10 =	vadd.s32 v6, v10;
	v9 =	vand.u32 $0x7F, v12;
	v12 =	vld [tilespmem:s22+$0x50];
	v11 =	vand.u32 $0xFFFFFC00, v11  }
0x11b: {  	v9 =	vor.u32 v9, v11;
	v11 =	vld [tilespmem:s23+$0x50]  }
0x11c: {  	v14 =	vld [tilespmem:s20+$0x7050];
	v9 =	vadd.s32 v6, v9  }
0x11d: {  	v15 =	vld [tilespmem:s22+$0x7050];
	v58 =	vshll.u32 v57, $0x3  }
0x11e: {  	v59 =	vld [tilespmem:s24+$0x7070];
	v16 =	vand.u32 $0x7F, v57;
	v17 =	vand.u32 $0xFFFFFC00, v58  }
0x11f: {  	[tilespmem:v10+s15+$0x0] =	vst.idx.add.f32.msk $0xffff, v13;
	v13 =	vand.u32 $0x7F, v12;
	v12 =	vshll.u32 v12, $0x3;
	v10 =	vor.u32 v16, v17  }
0x120: {  	v60 =	vld [tilespmem:s21+$0x60];
	v17 =	vadd.s32 v8, v10;
	v10 =	vand.u32 $0xFFFFFC00, v12;
	v12 =	vshll.u32 v11, $0x3  }
0x121: {  	v11 =	vand.u32 $0x7F, v11;
	[tilespmem:v9+s15+$0x0] =	vst.idx.add.f32.msk $0xffff, v14;
	v9 =	vor.u32 v13, v10;
	v10 =	vand.u32 $0xFFFFFC00, v12  }
0x122: {  	v12 =	vld [tilespmem:s20+$0x60];
	v9 =	vadd.s32 v6, v9;
	v10 =	vor.u32 v11, v10  }
0x123: {  	v13 =	vld [tilespmem:s23+$0x7050];
	v14 =	vadd.s32 v6, v10  }
0x124: {  	v11 =	vld [tilespmem:s20+$0x7060]  }
0x125: {  	v10 =	vld [tilespmem:s21+$0x7060]  }
0x126: {  	v61 =	vshll.u32 v60, $0x3;
	[tilespmem:v17+s15+$0x0] =	vst.idx.add.f32.msk $0xffff, v59  }
0x127: {  	v62 =	vand.u32 $0x7F, v60;
	v16 =	vand.u32 $0xFFFFFC00, v61;
	v63 =	vshll.u32 v12, $0x3;
	[tilespmem:v9+s15+$0x0] =	vst.idx.add.f32.msk $0xffff, v15  }
0x128: {  	v9 =	vor.u32 v62, v16;
	v12 =	vand.u32 $0x7F, v12;
	v15 =	vand.u32 $0xFFFFFC00, v63;
	[tilespmem:v14+s15+$0x0] =	vst.idx.add.f32.msk $0xffff, v13  }
0x129: {  	s25 =	simm.s32 $0x480;
	s26 =	simm.s32 $0x1200;
	s24 =	simm.s32 $0x0;
	v9 =	vadd.s32 v7, v9;
	v13 =	vor.u32 v12, v15;
	v12 =	vld [tilespmem:s22+$0x60]  }
.LBB2_6:
0x12a: {  	s0 =	sadd.s32 $0xFFFFFE00, s26;
	s28 =	sadd.s32 $0xFFFFFF80, s25;
	s24 =	sadd.s32 $0x5, s24;
	v13 =	vadd.s32 v7, v13;
	v14 =	vld [tilespmem:s23+$0x60]  }
0x12b: {  	s0 =	sand.u32 $0xF000, s0;
	s28 =	sand.u32 $0x380, s28;
	p0 =	slt.u32 s24, $0x2D;
	v15 =	vld [tilespmem:s22+$0x7060]  }
0x12c: {  	s29 =	sadd.s32 $0xFFFFFE00, s25;
	s30 =	sadd.s32 $0xFFFFFA00, s26;
	s28 =	sor.u32 s28, s0;
	v16 =	vld [tilespmem:s23+$0x7060]  }
0x12d: {  	s31 =	sadd.s32 $0xFFFFFC00, s26;
	s1 =	sadd.s32 $0xFFFFFF00, s25;
	s0 =	sadd.s32 $0xFFFFFE80, s25;
	v17 =	vld [tilespmem:s28+$0x0]  }
0x12e: {  	s12 =	sadd.s32 $0xFFFFF800, s26;
	s29 =	sand.u32 $0x380, s29;
	s30 =	sand.u32 $0xF000, s30;
	[tilespmem:v9+s15+$0x0] =	vst.idx.add.f32.msk $0xffff, v10;
	v9 =	vand.u32 $0x7F, v12;
	v10 =	vshll.u32 v12, $0x3  }
0x12f: {  	s12 =	sand.u32 $0x7000, s12;
	s11 =	sand.u32 $0xF000, s31;
	s10 =	sand.u32 $0x380, s0;
	[tilespmem:v13+s15+$0x0] =	vst.idx.add.f32.msk $0xffff, v11;
	v10 =	vand.u32 $0xFFFFFC00, v10;
	v11 =	vand.u32 $0x7F, v14;
	v12 =	vshll.u32 v14, $0x3  }
0x130: {  	s3 =	sand.u32 $0xF000, s26;
	s5 =	sand.u32 $0x380, s25;
	s1 =	sand.u32 $0x380, s1;
	v13 =	vld [tilespmem:s21+$0x70];
	v9 =	vor.u32 v9, v10;
	v10 =	vand.u32 $0xFFFFFC00, v12  }
0x131: {  	s0 =	sor.u32 s29, s12;
	s29 =	sor.u32 s1, s11;
	s31 =	sor.u32 s10, s30;
	v12 =	vld [tilespmem:s20+$0x70];
	v9 =	vadd.s32 v7, v9;
	v10 =	vor.u32 v11, v10  }
0x132: {  	s30 =	sor.u32 s5, s3;
	v11 =	vld [tilespmem:s0+$0x0];
	v14 =	vshll.u32 v17, $0x3;
	v10 =	vadd.s32 v7, v10  }
0x133: {  	v17 =	vand.u32 $0x7F, v17;
	v18 =	vld [tilespmem:s31+$0x0];
	v14 =	vand.u32 $0xFFFFFC00, v14  }
0x134: {  	v19 =	vld [tilespmem:s29+$0x0];
	v14 =	vor.u32 v17, v14  }
0x135: {  	v17 =	vld [tilespmem:s28+$0x7000];
	v14 =	vadd.s32 v1, v14;
	v20 =	vand.u32 $0x7F, v13;
	v13 =	vshll.u32 v13, $0x3  }
0x136: {  	v21 =	vld [tilespmem:s30+$0x0];
	v13 =	vand.u32 $0xFFFFFC00, v13;
	v22 =	vand.u32 $0x7F, v12;
	v12 =	vshll.u32 v12, $0x3  }
0x137: {  	v23 =	vld [tilespmem:s0+$0x7000];
	v24 =	vand.u32 $0x7F, v11;
	v11 =	vshll.u32 v11, $0x3;
	v12 =	vand.u32 $0xFFFFFC00, v12  }
0x138: {  	v11 =	vand.u32 $0xFFFFFC00, v11;
	v25 =	vld [tilespmem:s31+$0x7000];
	v26 =	vand.u32 $0x7F, v18;
	v18 =	vshll.u32 v18, $0x3  }
0x139: {  	v18 =	vand.u32 $0xFFFFFC00, v18;
	v27 =	vld [tilespmem:s29+$0x7000];
	v28 =	vand.u32 $0x7F, v19;
	v19 =	vshll.u32 v19, $0x3  }
0x13a: {  	v11 =	vor.u32 v24, v11;
	v18 =	vor.u32 v26, v18;
	v19 =	vand.u32 $0xFFFFFC00, v19;
	[tilespmem:v14+s15+$0x0] =	vst.idx.add.f32.msk $0xffff, v17  }
0x13b: {  	v14 =	vor.u32 v28, v19;
	v17 =	vld [tilespmem:s28+$0x10];
	v19 =	vand.u32 $0x7F, v21;
	v21 =	vshll.u32 v21, $0x3  }
0x13c: {  	v24 =	vadd.s32 v1, v11;
	v18 =	vadd.s32 v1, v18;
	v26 =	vld [tilespmem:s30+$0x7000];
	v11 =	vand.u32 $0xFFFFFC00, v21  }
0x13d: {  	v14 =	vadd.s32 v1, v14;
	v11 =	vor.u32 v19, v11;
	[tilespmem:v9+s15+$0x0] =	vst.idx.add.f32.msk $0xffff, v15  }
0x13e: {  	v9 =	vadd.s32 v1, v11;
	v11 =	vor.u32 v20, v13;
	[tilespmem:v10+s15+$0x0] =	vst.idx.add.f32.msk $0xffff, v16  }
0x13f: {  	v10 =	vor.u32 v22, v12;
	v11 =	vadd.s32 v8, v11;
	v13 =	vld [tilespmem:s22+$0x70]  }
0x140: {  	v12 =	vadd.s32 v8, v10;
	v15 =	vshll.u32 v17, $0x3;
	v10 =	vld [tilespmem:s23+$0x70]  }
0x141: {  	v16 =	vand.u32 $0x7F, v17;
	[tilespmem:v24+s15+$0x0] =	vst.idx.add.f32.msk $0xffff, v23;
	v15 =	vand.u32 $0xFFFFFC00, v15  }
0x142: {  	[tilespmem:v18+s15+$0x0] =	vst.idx.add.f32.msk $0xffff, v25;
	v15 =	vor.u32 v16, v15  }
0x143: {  	v16 =	vld [tilespmem:s28+$0x7010];
	v15 =	vadd.s32 v2, v15  }
0x144: {  	[tilespmem:v14+s15+$0x0] =	vst.idx.add.f32.msk $0xffff, v27;
	v14 =	vand.u32 $0x7F, v13;
	v13 =	vshll.u32 v13, $0x3  }
0x145: {  	[tilespmem:v9+s15+$0x0] =	vst.idx.add.f32.msk $0xffff, v26;
	v9 =	vand.u32 $0xFFFFFC00, v13;
	v13 =	vand.u32 $0x7F, v10;
	v10 =	vshll.u32 v10, $0x3  }
0x146: {  	v17 =	vld [tilespmem:s0+$0x10];
	v9 =	vor.u32 v14, v9;
	v14 =	vand.u32 $0xFFFFFC00, v10  }
0x147: {  	v18 =	vld [tilespmem:s31+$0x10];
	v10 =	vadd.s32 v8, v9;
	v9 =	vor.u32 v13, v14  }
0x148: {  	[tilespmem:v15+s15+$0x0] =	vst.idx.add.f32.msk $0xffff, v16;
	v9 =	vadd.s32 v8, v9  }
0x149: {  	v13 =	vld [tilespmem:s28+$0x20]  }
0x14a: {  	v15 =	vld [tilespmem:s29+$0x10]  }
0x14b: {  	v14 =	vand.u32 $0x7F, v17;
	v16 =	vshll.u32 v17, $0x3;
	v17 =	vld [tilespmem:s30+$0x10]  }
0x14c: {  	v19 =	vld [tilespmem:s0+$0x7010];
	v16 =	vand.u32 $0xFFFFFC00, v16;
	v20 =	vand.u32 $0x7F, v18;
	v18 =	vshll.u32 v18, $0x3  }
0x14d: {  	v14 =	vor.u32 v14, v16;
	v16 =	vld [tilespmem:s31+$0x7010];
	v18 =	vand.u32 $0xFFFFFC00, v18  }
0x14e: {  	v21 =	vadd.s32 v2, v14;
	v18 =	vor.u32 v20, v18;
	v20 =	vld [tilespmem:s29+$0x7010];
	v14 =	vshll.u32 v13, $0x3  }
0x14f: {  	v13 =	vand.u32 $0x7F, v13;
	v22 =	vshll.u32 v15, $0x3;
	v14 =	vand.u32 $0xFFFFFC00, v14;
	v23 =	vld [tilespmem:s30+$0x7010]  }
0x150: {  	v22 =	vand.u32 $0xFFFFFC00, v22;
	v13 =	vor.u32 v13, v14;
	v24 =	vshll.u32 v17, $0x3;
	v14 =	vld [tilespmem:s21+$0x7070];
	s21 =	smov.u32 s0  }
0x151: {  	v15 =	vand.u32 $0x7F, v15;
	v25 =	vld [tilespmem:s28+$0x7020];
	v13 =	vadd.s32 v3, v13;
	v24 =	vand.u32 $0xFFFFFC00, v24  }
0x152: {  	v18 =	vadd.s32 v2, v18;
	v17 =	vand.u32 $0x7F, v17;
	v22 =	vor.u32 v15, v22;
	v15 =	vld [tilespmem:s20+$0x7070];
	s20 =	smov.u32 s31  }
0x153: {  	v17 =	vor.u32 v17, v24;
	[tilespmem:v21+s15+$0x0] =	vst.idx.add.f32.msk $0xffff, v19;
	v19 =	vadd.s32 v2, v22  }
0x154: {  	v17 =	vadd.s32 v2, v17;
	v21 =	vld [tilespmem:s21+$0x20]  }
0x155: {  	v22 =	vld [tilespmem:s21+$0x7020]  }
0x156: {  	[tilespmem:v13+s15+$0x0] =	vst.idx.add.f32.msk $0xffff, v25  }
0x157: {  	v13 =	vld [tilespmem:s28+$0x30]  }
0x158: {  	[tilespmem:v18+s15+$0x0] =	vst.idx.add.f32.msk $0xffff, v16  }
0x159: {  	v16 =	vand.u32 $0x7F, v21;
	v18 =	vshll.u32 v21, $0x3;
	[tilespmem:v19+s15+$0x0] =	vst.idx.add.f32.msk $0xffff, v20  }
0x15a: {  	v18 =	vand.u32 $0xFFFFFC00, v18;
	[tilespmem:v17+s15+$0x0] =	vst.idx.add.f32.msk $0xffff, v23  }
0x15b: {  	v16 =	vor.u32 v16, v18;
	v17 =	vld [tilespmem:s20+$0x20]  }
0x15c: {  	v16 =	vadd.s32 v3, v16;
	v18 =	vld [tilespmem:s29+$0x20];
	v19 =	vshll.u32 v13, $0x3  }
0x15d: {  	v13 =	vand.u32 $0x7F, v13;
	v19 =	vand.u32 $0xFFFFFC00, v19;
	v20 =	vld [tilespmem:s30+$0x20]  }
0x15e: {  	v21 =	vld [tilespmem:s20+$0x7020];
	v13 =	vor.u32 v13, v19  }
0x15f: {  	v19 =	vld [tilespmem:s28+$0x7030];
	v13 =	vadd.s32 v4, v13  }
0x160: {  	v23 =	vand.u32 $0x7F, v17;
	v17 =	vshll.u32 v17, $0x3;
	v24 =	vld [tilespmem:s29+$0x7020]  }
0x161: {  	v17 =	vand.u32 $0xFFFFFC00, v17;
	v25 =	vand.u32 $0x7F, v18;
	v18 =	vshll.u32 v18, $0x3;
	v26 =	vld [tilespmem:s30+$0x7020]  }
0x162: {  	[tilespmem:v16+s15+$0x0] =	vst.idx.add.f32.msk $0xffff, v22;
	v16 =	vand.u32 $0xFFFFFC00, v18;
	v18 =	vand.u32 $0x7F, v20;
	v20 =	vshll.u32 v20, $0x3  }
0x163: {  	v17 =	vor.u32 v23, v17;
	v22 =	vld [tilespmem:s21+$0x30];
	v16 =	vor.u32 v25, v16;
	v20 =	vand.u32 $0xFFFFFC00, v20  }
0x164: {  	v17 =	vadd.s32 v3, v17;
	[tilespmem:v13+s15+$0x0] =	vst.idx.add.f32.msk $0xffff, v19;
	v13 =	vor.u32 v18, v20  }
0x165: {  	v16 =	vadd.s32 v3, v16;
	v18 =	vld [tilespmem:s28+$0x40];
	v19 =	vadd.s32 v3, v13  }
0x166: {  	v20 =	vld [tilespmem:s21+$0x7030]  }
0x167: {  	v23 =	vld [tilespmem:s22+$0x7070];
	s22 =	smov.u32 s29  }
0x168: {  	v25 =	vand.u32 $0x7F, v22;
	v22 =	vshll.u32 v22, $0x3;
	v13 =	vld [tilespmem:s23+$0x7070];
	s23 =	smov.u32 s30  }
0x169: {  	v22 =	vand.u32 $0xFFFFFC00, v22;
	[tilespmem:v17+s15+$0x0] =	vst.idx.add.f32.msk $0xffff, v21  }
0x16a: {  	v17 =	vor.u32 v25, v22;
	[tilespmem:v16+s15+$0x0] =	vst.idx.add.f32.msk $0xffff, v24;
	v16 =	vshll.u32 v18, $0x3  }
0x16b: {  	v18 =	vand.u32 $0x7F, v18;
	v17 =	vadd.s32 v4, v17;
	v16 =	vand.u32 $0xFFFFFC00, v16;
	[tilespmem:v19+s15+$0x0] =	vst.idx.add.f32.msk $0xffff, v26  }
0x16c: {  	v19 =	vld [tilespmem:s20+$0x30];
	v16 =	vor.u32 v18, v16  }
0x16d: {  	v18 =	vld [tilespmem:s28+$0x7040];
	v16 =	vadd.s32 v5, v16  }
0x16e: {  	v21 =	vld [tilespmem:s22+$0x30]  }
0x16f: {  	v22 =	vld [tilespmem:s23+$0x30]  }
0x170: {  	v24 =	vld [tilespmem:s20+$0x7030]  }
0x171: {  	v25 =	vand.u32 $0x7F, v19;
	v19 =	vshll.u32 v19, $0x3;
	v26 =	vld [tilespmem:s22+$0x7030]  }
0x172: {  	v19 =	vand.u32 $0xFFFFFC00, v19;
	[tilespmem:v16+s15+$0x0] =	vst.idx.add.f32.msk $0xffff, v18  }
0x173: {  	v16 =	vor.u32 v25, v19;
	v18 =	vand.u32 $0x7F, v21;
	v19 =	vshll.u32 v21, $0x3;
	v21 =	vld [tilespmem:s28+$0x50]  }
0x174: {  	v19 =	vand.u32 $0xFFFFFC00, v19;
	v25 =	vld [tilespmem:s23+$0x7030];
	v27 =	vand.u32 $0x7F, v22;
	v22 =	vshll.u32 v22, $0x3  }
0x175: {  	v16 =	vadd.s32 v4, v16;
	[tilespmem:v17+s15+$0x0] =	vst.idx.add.f32.msk $0xffff, v20;
	v17 =	vor.u32 v18, v19;
	v18 =	vand.u32 $0xFFFFFC00, v22  }
0x176: {  	v19 =	vld [tilespmem:s21+$0x40];
	v17 =	vadd.s32 v4, v17;
	v18 =	vor.u32 v27, v18  }
0x177: {  	v20 =	vld [tilespmem:s21+$0x7040];
	v18 =	vadd.s32 v4, v18  }
0x178: {  	v22 =	vshll.u32 v21, $0x3;
	[tilespmem:v11+s15+$0x0] =	vst.idx.add.f32.msk $0xffff, v14  }
0x179: {  	v11 =	vand.u32 $0x7F, v21;
	v14 =	vand.u32 $0xFFFFFC00, v22;
	[tilespmem:v12+s15+$0x0] =	vst.idx.add.f32.msk $0xffff, v15  }
0x17a: {  	[tilespmem:v16+s15+$0x0] =	vst.idx.add.f32.msk $0xffff, v24;
	v11 =	vor.u32 v11, v14  }
0x17b: {  	v12 =	vand.u32 $0x7F, v19;
	v14 =	vshll.u32 v19, $0x3;
	v15 =	vld [tilespmem:s28+$0x7050];
	v11 =	vadd.s32 v6, v11  }
0x17c: {  	v14 =	vand.u32 $0xFFFFFC00, v14;
	[tilespmem:v17+s15+$0x0] =	vst.idx.add.f32.msk $0xffff, v26  }
0x17d: {  	v12 =	vor.u32 v12, v14;
	[tilespmem:v18+s15+$0x0] =	vst.idx.add.f32.msk $0xffff, v25  }
0x17e: {  	v12 =	vadd.s32 v5, v12;
	v14 =	vld [tilespmem:s20+$0x40]  }
0x17f: {  	v16 =	vld [tilespmem:s22+$0x40]  }
0x180: {  	[tilespmem:v11+s15+$0x0] =	vst.idx.add.f32.msk $0xffff, v15  }
0x181: {  	v11 =	vld [tilespmem:s28+$0x60]  }
0x182: {  	v15 =	vld [tilespmem:s23+$0x40]  }
0x183: {  	v17 =	vld [tilespmem:s20+$0x7040];
	v18 =	vand.u32 $0x7F, v14;
	v14 =	vshll.u32 v14, $0x3  }
0x184: {  	v14 =	vand.u32 $0xFFFFFC00, v14;
	v19 =	vld [tilespmem:s22+$0x7040];
	v21 =	vand.u32 $0x7F, v16;
	v16 =	vshll.u32 v16, $0x3  }
0x185: {  	v14 =	vor.u32 v18, v14;
	v16 =	vand.u32 $0xFFFFFC00, v16;
	v18 =	vld [tilespmem:s23+$0x7040]  }
0x186: {  	[tilespmem:v12+s15+$0x0] =	vst.idx.add.f32.msk $0xffff, v20;
	v12 =	vadd.s32 v5, v14;
	v14 =	vor.u32 v21, v16;
	v16 =	vshll.u32 v11, $0x3  }
0x187: {  	v11 =	vand.u32 $0x7F, v11;
	v20 =	vld [tilespmem:s21+$0x50];
	v16 =	vand.u32 $0xFFFFFC00, v16;
	v21 =	vshll.u32 v15, $0x3  }
0x188: {  	v15 =	vand.u32 $0x7F, v15;
	v22 =	vld [tilespmem:s21+$0x7050];
	v11 =	vor.u32 v11, v16;
	v16 =	vand.u32 $0xFFFFFC00, v21  }
0x189: {  	v14 =	vadd.s32 v5, v14;
	v21 =	vld [tilespmem:s28+$0x7060];
	v11 =	vadd.s32 v7, v11;
	v15 =	vor.u32 v15, v16  }
0x18a: {  	v15 =	vadd.s32 v5, v15;
	[tilespmem:v10+s15+$0x0] =	vst.idx.add.f32.msk $0xffff, v23  }
0x18b: {  	[tilespmem:v12+s15+$0x0] =	vst.idx.add.f32.msk $0xffff, v17  }
0x18c: {  	v10 =	vand.u32 $0x7F, v20;
	v12 =	vshll.u32 v20, $0x3;
	v16 =	vld [tilespmem:s20+$0x50]  }
0x18d: {  	v12 =	vand.u32 $0xFFFFFC00, v12;
	v17 =	vld [tilespmem:s20+$0x7050]  }
0x18e: {  	v10 =	vor.u32 v10, v12;
	[tilespmem:v11+s15+$0x0] =	vst.idx.add.f32.msk $0xffff, v21  }
0x18f: {  	v10 =	vadd.s32 v6, v10;
	v11 =	vld [tilespmem:s28+$0x70]  }
0x190: {  	[tilespmem:v14+s15+$0x0] =	vst.idx.add.f32.msk $0xffff, v19  }
0x191: {  	v12 =	vand.u32 $0x7F, v16;
	v14 =	vshll.u32 v16, $0x3;
	[tilespmem:v15+s15+$0x0] =	vst.idx.add.f32.msk $0xffff, v18  }
0x192: {  	v14 =	vand.u32 $0xFFFFFC00, v14;
	v15 =	vld [tilespmem:s22+$0x50]  }
0x193: {  	v12 =	vor.u32 v12, v14;
	v14 =	vld [tilespmem:s23+$0x50]  }
0x194: {  	v12 =	vadd.s32 v6, v12;
	v16 =	vld [tilespmem:s22+$0x7050];
	v18 =	vshll.u32 v11, $0x3  }
0x195: {  	v11 =	vand.u32 $0x7F, v11;
	v18 =	vand.u32 $0xFFFFFC00, v18;
	v19 =	vld [tilespmem:s23+$0x7050]  }
0x196: {  	[tilespmem:v10+s15+$0x0] =	vst.idx.add.f32.msk $0xffff, v22;
	v10 =	vor.u32 v11, v18  }
0x197: {  	v11 =	vand.u32 $0x7F, v15;
	v15 =	vshll.u32 v15, $0x3;
	v18 =	vld [tilespmem:s28+$0x7070];
	v20 =	vadd.s32 v8, v10  }
0x198: {  	v21 =	vld [tilespmem:s21+$0x60];
	v10 =	vand.u32 $0xFFFFFC00, v15;
	v15 =	vand.u32 $0x7F, v14;
	v14 =	vshll.u32 v14, $0x3  }
0x199: {  	[tilespmem:v12+s15+$0x0] =	vst.idx.add.f32.msk $0xffff, v17;
	v10 =	vor.u32 v11, v10;
	v11 =	vand.u32 $0xFFFFFC00, v14  }
0x19a: {  	v12 =	vld [tilespmem:s20+$0x60];
	v14 =	vadd.s32 v6, v10;
	v11 =	vor.u32 v15, v11  }
0x19b: {  	v10 =	vld [tilespmem:s21+$0x7060];
	v15 =	vadd.s32 v6, v11  }
0x19c: {  	[tilespmem:v20+s15+$0x0] =	vst.idx.add.f32.msk $0xffff, v18  }
.Ltmp2:
0x19d: {  	v17 =	vand.u32 $0x7F, v21;
	v18 =	vshll.u32 v21, $0x3;
	v11 =	vld [tilespmem:s20+$0x7060];
	(pc) =	sbr.rel @p0 .LBB2_6-.Ltmp2, $4  }
0x19e: {  	v18 =	vand.u32 $0xFFFFFC00, v18;
	[tilespmem:v9+s15+$0x0] =	vst.idx.add.f32.msk $0xffff, v13  }
0x19f: {  	v9 =	vor.u32 v17, v18;
	v13 =	vand.u32 $0x7F, v12;
	v12 =	vshll.u32 v12, $0x3;
	[tilespmem:v14+s15+$0x0] =	vst.idx.add.f32.msk $0xffff, v16  }
0x1a0: {  	v9 =	vadd.s32 v7, v9;
	v12 =	vand.u32 $0xFFFFFC00, v12;
	[tilespmem:v15+s15+$0x0] =	vst.idx.add.f32.msk $0xffff, v19  }
0x1a1: {  	s26 =	sadd.s32 $0xA00, s26;
	s25 =	sadd.s32 $0x280, s25;
	v13 =	vor.u32 v13, v12;
	v12 =	vld [tilespmem:s22+$0x60]  }
0x1a2: {  	v14 =	vld [tilespmem:s23+$0x60];
	_ =	sdelay $0x3  }
0x1a3: {  	v13 =	vadd.s32 v7, v13;
	v15 =	vshll.u32 v12, $0x3  }
0x1a4: {  	v12 =	vand.u32 $0x7F, v12;
	v15 =	vand.u32 $0xFFFFFC00, v15;
	v16 =	vshll.u32 v14, $0x3  }
0x1a5: {  	v17 =	vld [tilespmem:s22+$0x7060];
	v14 =	vand.u32 $0x7F, v14;
	v12 =	vor.u32 v12, v15;
	v15 =	vand.u32 $0xFFFFFC00, v16  }
0x1a6: {  	v34 =	vld [tilespmem:s23+$0x7060];
	v12 =	vadd.s32 v7, v12;
	v14 =	vor.u32 v14, v15  }
0x1a7: {  	[tilespmem:v9+s15+$0x0] =	vst.idx.add.f32.msk $0xffff, v10;
	v9 =	vadd.s32 v7, v14  }
0x1a8: {  	v10 =	vld [tilespmem:s21+$0x70]  }
0x1a9: {  	[tilespmem:v13+s15+$0x0] =	vst.idx.add.f32.msk $0xffff, v11  }
0x1aa: {  	v11 =	vld [tilespmem:s20+$0x70]  }
0x1ab: {  	[tilespmem:v12+s15+$0x0] =	vst.idx.add.f32.msk $0xffff, v17  }
0x1ac: {  	[tilespmem:v9+s15+$0x0] =	vst.idx.add.f32.msk $0xffff, v34  }
0x1ad: {  	v9 =	vld [tilespmem:s22+$0x70]  }
0x1ae: {  	v12 =	vld [tilespmem:s23+$0x70]  }
0x1af: {  	v13 =	vand.u32 $0x7F, v10;
	v10 =	vshll.u32 v10, $0x3;
	v14 =	vshll.u32 v11, $0x3  }
0x1b0: {  	v10 =	vand.u32 $0xFFFFFC00, v10;
	v11 =	vand.u32 $0x7F, v11;
	v14 =	vand.u32 $0xFFFFFC00, v14  }
0x1b1: {  	v10 =	vor.u32 v13, v10;
	v11 =	vor.u32 v11, v14  }
0x1b2: {  	v10 =	vadd.s32 v8, v10;
	v11 =	vadd.s32 v8, v11;
	v13 =	vshll.u32 v9, $0x3  }
0x1b3: {  	v15 =	vld [tilespmem:s21+$0x7070];
	v9 =	vand.u32 $0x7F, v9;
	v13 =	vand.u32 $0xFFFFFC00, v13;
	v14 =	vshll.u32 v12, $0x3  }
0x1b4: {  	v12 =	vand.u32 $0x7F, v12;
	v9 =	vor.u32 v9, v13;
	v13 =	vand.u32 $0xFFFFFC00, v14;
	v14 =	vld [tilespmem:s20+$0x7070]  }
0x1b5: {  	v9 =	vadd.s32 v8, v9;
	v12 =	vor.u32 v12, v13;
	v13 =	vld [tilespmem:s22+$0x7070]  }
0x1b6: {  	v16 =	vld [tilespmem:s23+$0x7070];
	v12 =	vadd.s32 v8, v12;
	_ =	sdelay $0x1  }
0x1b7: {  	[tilespmem:v10+s15+$0x0] =	vst.idx.add.f32.msk $0xffff, v15  }
0x1b8: {  	s0 =	simm.s32 $0x600;
	s1 =	simm.s32 $0x180;
	[tilespmem:v11+s15+$0x0] =	vst.idx.add.f32.msk $0xffff, v14  }
0x1b9: {  	s0 =	sand.u32 $0xF000, s0;
	s1 =	sand.u32 $0x380, s1;
	[tilespmem:v9+s15+$0x0] =	vst.idx.add.f32.msk $0xffff, v13  }
0x1ba: {  	s24 =	sor.u32 s1, s0;
	[tilespmem:v12+s15+$0x0] =	vst.idx.add.f32.msk $0xffff, v16  }
0x1bb: {  	[hbm4b:s4+s2] =	stream.linear.scatter [tilespmem:s15], [sflag:$0x1], $0x8000, $0x38;
	[tilespmem:$0x1E000] =	vst v63  }
0x1bc: {  	v9 =	vld [tilespmem:s24+$0x400];
	_ =	sdelay $0x4  }
0x1bd: {  	v10 =	vshll.u32 v9, $0x3  }
0x1be: {  	v9 =	vand.u32 $0x7F, v9;
	v10 =	vand.u32 $0xFFFFFC00, v10  }
0x1bf: {  	v9 =	vor.u32 v9, v10  }
0x1c0: {  	v10 =	vld [tilespmem:s24+$0x7400];
	v9 =	vadd.s32 v1, v9;
	_ =	sdelay $0x4  }
0x1c1: {  	[tilespmem:v9+s16+$0x0] =	vst.idx.add.f32.msk $0xffff, v10  }
0x1c2: {  	v9 =	vld [tilespmem:s24+$0x410]  }
0x1c3: {  	s25 =	simm.s32 $0x200;
	s3 =	simm.s32 $0x0;
	s5 =	simm.s32 $0x80  }
0x1c4: {  	s5 =	sand.u32 $0x380, s5;
	s1 =	sand.u32 $0xF000, s25;
	s23 =	simm.s32 $0x0  }
0x1c5: {  	s3 =	sand.u32 $0x7000, s3;
	s0 =	sand.u32 $0x380, s23;
	s20 =	sor.u32 s5, s1  }
0x1c6: {  	s26 =	simm.s32 $0x400;
	s28 =	simm.s32 $0x100;
	s21 =	sor.u32 s0, s3;
	v11 =	vld [tilespmem:s20+$0x400]  }
0x1c7: {  	s29 =	sand.u32 $0x380, s28;
	s0 =	sand.u32 $0xF000, s26;
	v10 =	vld [tilespmem:s21+$0x400];
	v12 =	vshll.u32 v9, $0x3  }
0x1c8: {  	s22 =	sor.u32 s29, s0;
	v9 =	vand.u32 $0x7F, v9;
	v12 =	vand.u32 $0xFFFFFC00, v12  }
0x1c9: {  	s30 =	simm.s32 $0x200;
	s31 =	simm.s32 $0x800;
	v13 =	vld [tilespmem:s22+$0x400];
	v9 =	vor.u32 v9, v12  }
0x1ca: {  	s1 =	sand.u32 $0xF000, s31;
	s0 =	sand.u32 $0x380, s30;
	v12 =	vld [tilespmem:s24+$0x7410];
	v9 =	vadd.s32 v2, v9  }
0x1cb: {  	s23 =	sor.u32 s0, s1;
	v35 =	vshll.u32 v11, $0x3  }
0x1cc: {  	v15 =	vld [tilespmem:s23+$0x400];
	v11 =	vand.u32 $0x7F, v11;
	v16 =	vand.u32 $0xFFFFFC00, v35;
	v14 =	vshll.u32 v10, $0x3  }
0x1cd: {  	v17 =	vld [tilespmem:s21+$0x7400];
	v11 =	vor.u32 v11, v16;
	v10 =	vand.u32 $0x7F, v10;
	v14 =	vand.u32 $0xFFFFFC00, v14  }
0x1ce: {  	v18 =	vshll.u32 v13, $0x3;
	v11 =	vadd.s32 v1, v11;
	v10 =	vor.u32 v10, v14;
	v14 =	vld [tilespmem:s20+$0x7400]  }
0x1cf: {  	v13 =	vand.u32 $0x7F, v13;
	v36 =	vand.u32 $0xFFFFFC00, v18;
	v10 =	vadd.s32 v1, v10;
	[tilespmem:v9+s16+$0x0] =	vst.idx.add.f32.msk $0xffff, v12  }
0x1d0: {  	v9 =	vor.u32 v13, v36;
	v12 =	vld [tilespmem:s24+$0x420]  }
0x1d1: {  	v37 =	vshll.u32 v15, $0x3;
	v13 =	vld [tilespmem:s22+$0x7400];
	v9 =	vadd.s32 v1, v9  }
0x1d2: {  	v38 =	vld [tilespmem:s23+$0x7400];
	v15 =	vand.u32 $0x7F, v15;
	v16 =	vand.u32 $0xFFFFFC00, v37  }
0x1d3: {  	v15 =	vor.u32 v15, v16;
	[tilespmem:v11+s16+$0x0] =	vst.idx.add.f32.msk $0xffff, v14  }
0x1d4: {  	[tilespmem:v10+s16+$0x0] =	vst.idx.add.f32.msk $0xffff, v17;
	v10 =	vadd.s32 v1, v15  }
0x1d5: {  	v11 =	vld [tilespmem:s21+$0x410];
	v14 =	vshll.u32 v12, $0x3  }
0x1d6: {  	[tilespmem:v9+s16+$0x0] =	vst.idx.add.f32.msk $0xffff, v13;
	v9 =	vand.u32 $0x7F, v12;
	v12 =	vand.u32 $0xFFFFFC00, v14  }
0x1d7: {  	v13 =	vld [tilespmem:s20+$0x410];
	v9 =	vor.u32 v9, v12  }
0x1d8: {  	v12 =	vld [tilespmem:s24+$0x7420];
	v9 =	vadd.s32 v3, v9  }
0x1d9: {  	[tilespmem:v10+s16+$0x0] =	vst.idx.add.f32.msk $0xffff, v38  }
0x1da: {  	v10 =	vld [tilespmem:s22+$0x410];
	v14 =	vshll.u32 v11, $0x3  }
0x1db: {  	v39 =	vld [tilespmem:s21+$0x7410];
	v11 =	vand.u32 $0x7F, v11;
	v14 =	vand.u32 $0xFFFFFC00, v14  }
0x1dc: {  	v15 =	vld [tilespmem:s23+$0x410];
	v11 =	vor.u32 v11, v14  }
0x1dd: {  	v11 =	vadd.s32 v2, v11;
	v14 =	vshll.u32 v13, $0x3;
	[tilespmem:v9+s16+$0x0] =	vst.idx.add.f32.msk $0xffff, v12  }
0x1de: {  	v9 =	vand.u32 $0x7F, v13;
	v12 =	vand.u32 $0xFFFFFC00, v14;
	v13 =	vld [tilespmem:s24+$0x430]  }
0x1df: {  	v18 =	vld [tilespmem:s23+$0x7410];
	v9 =	vor.u32 v9, v12;
	v12 =	vshll.u32 v10, $0x3  }
0x1e0: {  	v14 =	vld [tilespmem:s20+$0x7410];
	v10 =	vand.u32 $0x7F, v10;
	v12 =	vand.u32 $0xFFFFFC00, v12;
	v9 =	vadd.s32 v2, v9  }
0x1e1: {  	v40 =	vld [tilespmem:s22+$0x7410];
	v10 =	vor.u32 v10, v12  }
0x1e2: {  	[tilespmem:v11+s16+$0x0] =	vst.idx.add.f32.msk $0xffff, v39;
	v12 =	vshll.u32 v15, $0x3;
	v10 =	vadd.s32 v2, v10  }
0x1e3: {  	v11 =	vand.u32 $0xFFFFFC00, v12;
	v12 =	vand.u32 $0x7F, v15;
	v15 =	vld [tilespmem:s21+$0x420];
	v41 =	vshll.u32 v13, $0x3  }
0x1e4: {  	v11 =	vor.u32 v12, v11;
	v12 =	vld [tilespmem:s21+$0x7420];
	v13 =	vand.u32 $0x7F, v13;
	v16 =	vand.u32 $0xFFFFFC00, v41  }
0x1e5: {  	v11 =	vadd.s32 v2, v11;
	[tilespmem:v9+s16+$0x0] =	vst.idx.add.f32.msk $0xffff, v14;
	v9 =	vor.u32 v13, v16  }
0x1e6: {  	v13 =	vld [tilespmem:s24+$0x7430];
	v9 =	vadd.s32 v4, v9  }
0x1e7: {  	[tilespmem:v10+s16+$0x0] =	vst.idx.add.f32.msk $0xffff, v40  }
0x1e8: {  	v10 =	vld [tilespmem:s20+$0x420]  }
0x1e9: {  	v14 =	vshll.u32 v15, $0x3;
	v42 =	vld [tilespmem:s22+$0x420]  }
0x1ea: {  	v15 =	vand.u32 $0x7F, v15;
	v14 =	vand.u32 $0xFFFFFC00, v14;
	[tilespmem:v11+s16+$0x0] =	vst.idx.add.f32.msk $0xffff, v18  }
0x1eb: {  	v11 =	vor.u32 v15, v14;
	[tilespmem:v9+s16+$0x0] =	vst.idx.add.f32.msk $0xffff, v13  }
0x1ec: {  	v9 =	vadd.s32 v3, v11;
	v11 =	vld [tilespmem:s24+$0x440]  }
0x1ed: {  	v44 =	vld [tilespmem:s22+$0x7420];
	v14 =	vshll.u32 v10, $0x3  }
0x1ee: {  	v13 =	vld [tilespmem:s23+$0x420];
	v10 =	vand.u32 $0x7F, v10;
	v14 =	vand.u32 $0xFFFFFC00, v14;
	v43 =	vshll.u32 v42, $0x3  }
0x1ef: {  	v15 =	vld [tilespmem:s20+$0x7420];
	v16 =	vand.u32 $0x7F, v42;
	v17 =	vand.u32 $0xFFFFFC00, v43;
	v10 =	vor.u32 v10, v14  }
0x1f0: {  	v47 =	vld [tilespmem:s24+$0x7440];
	v16 =	vor.u32 v16, v17;
	v10 =	vadd.s32 v3, v10  }
0x1f1: {  	[tilespmem:v9+s16+$0x0] =	vst.idx.add.f32.msk $0xffff, v12;
	v9 =	vadd.s32 v3, v16;
	v12 =	vshll.u32 v11, $0x3  }
0x1f2: {  	v14 =	vld [tilespmem:s23+$0x7420];
	v11 =	vand.u32 $0x7F, v11;
	v12 =	vand.u32 $0xFFFFFC00, v12  }
0x1f3: {  	v46 =	vshll.u32 v13, $0x3;
	v45 =	vld [tilespmem:s21+$0x430];
	v11 =	vor.u32 v11, v12  }
0x1f4: {  	v19 =	vld [tilespmem:s21+$0x7430];
	v12 =	vand.u32 $0x7F, v13;
	v13 =	vand.u32 $0xFFFFFC00, v46;
	v11 =	vadd.s32 v5, v11  }
0x1f5: {  	[tilespmem:v10+s16+$0x0] =	vst.idx.add.f32.msk $0xffff, v15;
	v12 =	vor.u32 v12, v13  }
0x1f6: {  	v10 =	vadd.s32 v3, v12;
	[tilespmem:v9+s16+$0x0] =	vst.idx.add.f32.msk $0xffff, v44  }
0x1f7: {  	v9 =	vld [tilespmem:s20+$0x430]  }
0x1f8: {  	v12 =	vshll.u32 v45, $0x3;
	v13 =	vld [tilespmem:s22+$0x430]  }
0x1f9: {  	v15 =	vand.u32 $0x7F, v45;
	v12 =	vand.u32 $0xFFFFFC00, v12;
	[tilespmem:v11+s16+$0x0] =	vst.idx.add.f32.msk $0xffff, v47  }
0x1fa: {  	v11 =	vor.u32 v15, v12;
	v12 =	vld [tilespmem:s24+$0x450]  }
0x1fb: {  	v11 =	vadd.s32 v4, v11;
	[tilespmem:v10+s16+$0x0] =	vst.idx.add.f32.msk $0xffff, v14  }
0x1fc: {  	v14 =	vshll.u32 v9, $0x3;
	v10 =	vld [tilespmem:s23+$0x430]  }
0x1fd: {  	v48 =	vld [tilespmem:s22+$0x7430];
	v9 =	vand.u32 $0x7F, v9;
	v14 =	vand.u32 $0xFFFFFC00, v14  }
0x1fe: {  	v15 =	vld [tilespmem:s20+$0x7430];
	v9 =	vor.u32 v9, v14;
	v14 =	vand.u32 $0x7F, v13;
	v13 =	vshll.u32 v13, $0x3  }
0x1ff: {  	v49 =	vld [tilespmem:s23+$0x7430];
	v13 =	vand.u32 $0xFFFFFC00, v13;
	v9 =	vadd.s32 v4, v9;
	v50 =	vshll.u32 v12, $0x3  }
0x200: {  	[tilespmem:v11+s16+$0x0] =	vst.idx.add.f32.msk $0xffff, v19;
	v11 =	vor.u32 v14, v13;
	v12 =	vand.u32 $0x7F, v12;
	v13 =	vand.u32 $0xFFFFFC00, v50  }
0x201: {  	v14 =	vshll.u32 v10, $0x3;
	v51 =	vld [tilespmem:s21+$0x440];
	v11 =	vadd.s32 v4, v11;
	v12 =	vor.u32 v12, v13  }
0x202: {  	v10 =	vand.u32 $0x7F, v10;
	v13 =	vand.u32 $0xFFFFFC00, v14;
	v14 =	vld [tilespmem:s24+$0x7450];
	v12 =	vadd.s32 v6, v12  }
0x203: {  	v10 =	vor.u32 v10, v13;
	v13 =	vld [tilespmem:s21+$0x7440]  }
0x204: {  	[tilespmem:v9+s16+$0x0] =	vst.idx.add.f32.msk $0xffff, v15;
	v10 =	vadd.s32 v4, v10  }
0x205: {  	v9 =	vld [tilespmem:s20+$0x440]  }
0x206: {  	v15 =	vshll.u32 v51, $0x3;
	[tilespmem:v11+s16+$0x0] =	vst.idx.add.f32.msk $0xffff, v48  }
0x207: {  	v11 =	vand.u32 $0x7F, v51;
	v15 =	vand.u32 $0xFFFFFC00, v15;
	[tilespmem:v12+s16+$0x0] =	vst.idx.add.f32.msk $0xffff, v14  }
0x208: {  	v11 =	vor.u32 v11, v15;
	v12 =	vld [tilespmem:s24+$0x460]  }
0x209: {  	[tilespmem:v10+s16+$0x0] =	vst.idx.add.f32.msk $0xffff, v49;
	v10 =	vadd.s32 v5, v11  }
0x20a: {  	v11 =	vld [tilespmem:s22+$0x440]  }
0x20b: {  	v14 =	vshll.u32 v9, $0x3  }
0x20c: {  	v9 =	vand.u32 $0x7F, v9;
	v15 =	vld [tilespmem:s23+$0x440];
	v14 =	vand.u32 $0xFFFFFC00, v14  }
0x20d: {  	v52 =	vld [tilespmem:s20+$0x7440];
	v9 =	vor.u32 v9, v14  }
0x20e: {  	v9 =	vadd.s32 v5, v9;
	v53 =	vshll.u32 v12, $0x3;
	[tilespmem:v10+s16+$0x0] =	vst.idx.add.f32.msk $0xffff, v13;
	v10 =	vand.u32 $0x7F, v12  }
0x20f: {  	v55 =	vld [tilespmem:s24+$0x7460];
	v13 =	vand.u32 $0x7F, v11;
	v11 =	vshll.u32 v11, $0x3;
	v12 =	vand.u32 $0xFFFFFC00, v53  }
0x210: {  	v56 =	vld [tilespmem:s23+$0x7440];
	v11 =	vand.u32 $0xFFFFFC00, v11;
	v10 =	vor.u32 v10, v12  }
0x211: {  	v14 =	vld [tilespmem:s22+$0x7440];
	v12 =	vshll.u32 v15, $0x3;
	v11 =	vor.u32 v13, v11;
	v10 =	vadd.s32 v7, v10  }
0x212: {  	v54 =	vld [tilespmem:s21+$0x450];
	v13 =	vand.u32 $0x7F, v15;
	v12 =	vand.u32 $0xFFFFFC00, v12;
	v11 =	vadd.s32 v5, v11  }
0x213: {  	[tilespmem:v9+s16+$0x0] =	vst.idx.add.f32.msk $0xffff, v52;
	v12 =	vor.u32 v13, v12  }
0x214: {  	v9 =	vadd.s32 v5, v12;
	v12 =	vld [tilespmem:s20+$0x450]  }
0x215: {  	v13 =	vld [tilespmem:s21+$0x7450]  }
0x216: {  	[tilespmem:v10+s16+$0x0] =	vst.idx.add.f32.msk $0xffff, v55  }
0x217: {  	v15 =	vshll.u32 v54, $0x3;
	[tilespmem:v11+s16+$0x0] =	vst.idx.add.f32.msk $0xffff, v14  }
0x218: {  	v15 =	vand.u32 $0xFFFFFC00, v15;
	v10 =	vand.u32 $0x7F, v54;
	v57 =	vld [tilespmem:s24+$0x470]  }
0x219: {  	v10 =	vor.u32 v10, v15;
	v11 =	vshll.u32 v12, $0x3;
	[tilespmem:v9+s16+$0x0] =	vst.idx.add.f32.msk $0xffff, v56  }
0x21a: {  	v10 =	vadd.s32 v6, v10;
	v9 =	vand.u32 $0x7F, v12;
	v12 =	vld [tilespmem:s22+$0x450];
	v11 =	vand.u32 $0xFFFFFC00, v11  }
0x21b: {  	v9 =	vor.u32 v9, v11;
	v11 =	vld [tilespmem:s23+$0x450]  }
0x21c: {  	v14 =	vld [tilespmem:s20+$0x7450];
	v9 =	vadd.s32 v6, v9  }
0x21d: {  	v15 =	vld [tilespmem:s22+$0x7450];
	v58 =	vshll.u32 v57, $0x3  }
0x21e: {  	v59 =	vld [tilespmem:s24+$0x7470];
	v16 =	vand.u32 $0x7F, v57;
	v17 =	vand.u32 $0xFFFFFC00, v58  }
0x21f: {  	[tilespmem:v10+s16+$0x0] =	vst.idx.add.f32.msk $0xffff, v13;
	v13 =	vand.u32 $0x7F, v12;
	v12 =	vshll.u32 v12, $0x3;
	v10 =	vor.u32 v16, v17  }
0x220: {  	v60 =	vld [tilespmem:s21+$0x460];
	v17 =	vadd.s32 v8, v10;
	v10 =	vand.u32 $0xFFFFFC00, v12;
	v12 =	vshll.u32 v11, $0x3  }
0x221: {  	v11 =	vand.u32 $0x7F, v11;
	[tilespmem:v9+s16+$0x0] =	vst.idx.add.f32.msk $0xffff, v14;
	v9 =	vor.u32 v13, v10;
	v10 =	vand.u32 $0xFFFFFC00, v12  }
0x222: {  	v12 =	vld [tilespmem:s20+$0x460];
	v9 =	vadd.s32 v6, v9;
	v10 =	vor.u32 v11, v10  }
0x223: {  	v13 =	vld [tilespmem:s23+$0x7450];
	v14 =	vadd.s32 v6, v10  }
0x224: {  	v11 =	vld [tilespmem:s20+$0x7460]  }
0x225: {  	v10 =	vld [tilespmem:s21+$0x7460]  }
0x226: {  	v61 =	vshll.u32 v60, $0x3;
	[tilespmem:v17+s16+$0x0] =	vst.idx.add.f32.msk $0xffff, v59  }
0x227: {  	v62 =	vand.u32 $0x7F, v60;
	v16 =	vand.u32 $0xFFFFFC00, v61;
	v63 =	vshll.u32 v12, $0x3;
	[tilespmem:v9+s16+$0x0] =	vst.idx.add.f32.msk $0xffff, v15  }
0x228: {  	v9 =	vor.u32 v62, v16;
	v12 =	vand.u32 $0x7F, v12;
	v15 =	vand.u32 $0xFFFFFC00, v63;
	[tilespmem:v14+s16+$0x0] =	vst.idx.add.f32.msk $0xffff, v13  }
0x229: {  	s25 =	simm.s32 $0x480;
	s26 =	simm.s32 $0x1200;
	s24 =	simm.s32 $0x0;
	v9 =	vadd.s32 v7, v9;
	v13 =	vor.u32 v12, v15;
	v12 =	vld [tilespmem:s22+$0x460]  }
.LBB2_8:
0x22a: {  	s0 =	sadd.s32 $0xFFFFFE00, s26;
	s1 =	sadd.s32 $0xFFFFFF80, s25;
	s24 =	sadd.s32 $0x5, s24;
	v13 =	vadd.s32 v7, v13;
	v14 =	vld [tilespmem:s23+$0x460]  }
0x22b: {  	s0 =	sand.u32 $0xF000, s0;
	s1 =	sand.u32 $0x380, s1;
	p0 =	slt.u32 s24, $0x2D;
	v15 =	vld [tilespmem:s22+$0x7460]  }
0x22c: {  	s3 =	sadd.s32 $0xFFFFFE00, s25;
	s5 =	sadd.s32 $0xFFFFFA00, s26;
	s28 =	sor.u32 s1, s0;
	v16 =	vld [tilespmem:s23+$0x7460]  }
0x22d: {  	s10 =	sadd.s32 $0xFFFFFF00, s25;
	s0 =	sadd.s32 $0xFFFFFE80, s25;
	s1 =	sadd.s32 $0xFFFFFC00, s26;
	v17 =	vld [tilespmem:s28+$0x400]  }
0x22e: {  	s11 =	sadd.s32 $0xFFFFF800, s26;
	s3 =	sand.u32 $0x380, s3;
	s5 =	sand.u32 $0xF000, s5;
	[tilespmem:v9+s16+$0x0] =	vst.idx.add.f32.msk $0xffff, v10;
	v9 =	vand.u32 $0x7F, v12;
	v10 =	vshll.u32 v12, $0x3  }
0x22f: {  	s11 =	sand.u32 $0x7000, s11;
	s12 =	sand.u32 $0x380, s0;
	s1 =	sand.u32 $0xF000, s1;
	[tilespmem:v13+s16+$0x0] =	vst.idx.add.f32.msk $0xffff, v11;
	v10 =	vand.u32 $0xFFFFFC00, v10;
	v11 =	vand.u32 $0x7F, v14;
	v12 =	vshll.u32 v14, $0x3  }
0x230: {  	s30 =	sand.u32 $0xF000, s26;
	s6 =	sand.u32 $0x380, s25;
	s10 =	sand.u32 $0x380, s10;
	v13 =	vld [tilespmem:s21+$0x470];
	v9 =	vor.u32 v9, v10;
	v10 =	vand.u32 $0xFFFFFC00, v12  }
0x231: {  	s0 =	sor.u32 s3, s11;
	s31 =	sor.u32 s12, s5;
	s29 =	sor.u32 s10, s1;
	v12 =	vld [tilespmem:s20+$0x470];
	v9 =	vadd.s32 v7, v9;
	v10 =	vor.u32 v11, v10  }
0x232: {  	s30 =	sor.u32 s6, s30;
	v11 =	vld [tilespmem:s0+$0x400];
	v14 =	vshll.u32 v17, $0x3;
	v10 =	vadd.s32 v7, v10  }
0x233: {  	v17 =	vand.u32 $0x7F, v17;
	v18 =	vld [tilespmem:s31+$0x400];
	v14 =	vand.u32 $0xFFFFFC00, v14  }
0x234: {  	v19 =	vld [tilespmem:s29+$0x400];
	v14 =	vor.u32 v17, v14  }
0x235: {  	v17 =	vld [tilespmem:s28+$0x7400];
	v14 =	vadd.s32 v1, v14;
	v20 =	vand.u32 $0x7F, v13;
	v13 =	vshll.u32 v13, $0x3  }
0x236: {  	v21 =	vld [tilespmem:s30+$0x400];
	v13 =	vand.u32 $0xFFFFFC00, v13;
	v22 =	vand.u32 $0x7F, v12;
	v12 =	vshll.u32 v12, $0x3  }
0x237: {  	v23 =	vld [tilespmem:s0+$0x7400];
	v24 =	vand.u32 $0x7F, v11;
	v11 =	vshll.u32 v11, $0x3;
	v12 =	vand.u32 $0xFFFFFC00, v12  }
0x238: {  	v11 =	vand.u32 $0xFFFFFC00, v11;
	v25 =	vld [tilespmem:s31+$0x7400];
	v26 =	vand.u32 $0x7F, v18;
	v18 =	vshll.u32 v18, $0x3  }
0x239: {  	v18 =	vand.u32 $0xFFFFFC00, v18;
	v27 =	vld [tilespmem:s29+$0x7400];
	v28 =	vand.u32 $0x7F, v19;
	v19 =	vshll.u32 v19, $0x3  }
0x23a: {  	v11 =	vor.u32 v24, v11;
	v18 =	vor.u32 v26, v18;
	v19 =	vand.u32 $0xFFFFFC00, v19;
	[tilespmem:v14+s16+$0x0] =	vst.idx.add.f32.msk $0xffff, v17  }
0x23b: {  	v14 =	vor.u32 v28, v19;
	v17 =	vld [tilespmem:s28+$0x410];
	v19 =	vand.u32 $0x7F, v21;
	v21 =	vshll.u32 v21, $0x3  }
0x23c: {  	v24 =	vadd.s32 v1, v11;
	v18 =	vadd.s32 v1, v18;
	v26 =	vld [tilespmem:s30+$0x7400];
	v11 =	vand.u32 $0xFFFFFC00, v21  }
0x23d: {  	v14 =	vadd.s32 v1, v14;
	v11 =	vor.u32 v19, v11;
	[tilespmem:v9+s16+$0x0] =	vst.idx.add.f32.msk $0xffff, v15  }
0x23e: {  	v9 =	vadd.s32 v1, v11;
	v11 =	vor.u32 v20, v13;
	[tilespmem:v10+s16+$0x0] =	vst.idx.add.f32.msk $0xffff, v16  }
0x23f: {  	v10 =	vor.u32 v22, v12;
	v11 =	vadd.s32 v8, v11;
	v13 =	vld [tilespmem:s22+$0x470]  }
0x240: {  	v12 =	vadd.s32 v8, v10;
	v15 =	vshll.u32 v17, $0x3;
	v10 =	vld [tilespmem:s23+$0x470]  }
0x241: {  	v16 =	vand.u32 $0x7F, v17;
	[tilespmem:v24+s16+$0x0] =	vst.idx.add.f32.msk $0xffff, v23;
	v15 =	vand.u32 $0xFFFFFC00, v15  }
0x242: {  	[tilespmem:v18+s16+$0x0] =	vst.idx.add.f32.msk $0xffff, v25;
	v15 =	vor.u32 v16, v15  }
0x243: {  	v16 =	vld [tilespmem:s28+$0x7410];
	v15 =	vadd.s32 v2, v15  }
0x244: {  	[tilespmem:v14+s16+$0x0] =	vst.idx.add.f32.msk $0xffff, v27;
	v14 =	vand.u32 $0x7F, v13;
	v13 =	vshll.u32 v13, $0x3  }
0x245: {  	[tilespmem:v9+s16+$0x0] =	vst.idx.add.f32.msk $0xffff, v26;
	v9 =	vand.u32 $0xFFFFFC00, v13;
	v13 =	vand.u32 $0x7F, v10;
	v10 =	vshll.u32 v10, $0x3  }
0x246: {  	v17 =	vld [tilespmem:s0+$0x410];
	v9 =	vor.u32 v14, v9;
	v14 =	vand.u32 $0xFFFFFC00, v10  }
0x247: {  	v18 =	vld [tilespmem:s31+$0x410];
	v10 =	vadd.s32 v8, v9;
	v9 =	vor.u32 v13, v14  }
0x248: {  	[tilespmem:v15+s16+$0x0] =	vst.idx.add.f32.msk $0xffff, v16;
	v9 =	vadd.s32 v8, v9  }
0x249: {  	v13 =	vld [tilespmem:s28+$0x420]  }
0x24a: {  	v15 =	vld [tilespmem:s29+$0x410]  }
0x24b: {  	v14 =	vand.u32 $0x7F, v17;
	v16 =	vshll.u32 v17, $0x3;
	v17 =	vld [tilespmem:s30+$0x410]  }
0x24c: {  	v19 =	vld [tilespmem:s0+$0x7410];
	v16 =	vand.u32 $0xFFFFFC00, v16;
	v20 =	vand.u32 $0x7F, v18;
	v18 =	vshll.u32 v18, $0x3  }
0x24d: {  	v14 =	vor.u32 v14, v16;
	v16 =	vld [tilespmem:s31+$0x7410];
	v18 =	vand.u32 $0xFFFFFC00, v18  }
0x24e: {  	v21 =	vadd.s32 v2, v14;
	v18 =	vor.u32 v20, v18;
	v20 =	vld [tilespmem:s29+$0x7410];
	v14 =	vshll.u32 v13, $0x3  }
0x24f: {  	v13 =	vand.u32 $0x7F, v13;
	v22 =	vshll.u32 v15, $0x3;
	v14 =	vand.u32 $0xFFFFFC00, v14;
	v23 =	vld [tilespmem:s30+$0x7410]  }
0x250: {  	v22 =	vand.u32 $0xFFFFFC00, v22;
	v13 =	vor.u32 v13, v14;
	v24 =	vshll.u32 v17, $0x3;
	v14 =	vld [tilespmem:s21+$0x7470];
	s21 =	smov.u32 s0  }
0x251: {  	v15 =	vand.u32 $0x7F, v15;
	v25 =	vld [tilespmem:s28+$0x7420];
	v13 =	vadd.s32 v3, v13;
	v24 =	vand.u32 $0xFFFFFC00, v24  }
0x252: {  	v18 =	vadd.s32 v2, v18;
	v17 =	vand.u32 $0x7F, v17;
	v22 =	vor.u32 v15, v22;
	v15 =	vld [tilespmem:s20+$0x7470];
	s20 =	smov.u32 s31  }
0x253: {  	v17 =	vor.u32 v17, v24;
	[tilespmem:v21+s16+$0x0] =	vst.idx.add.f32.msk $0xffff, v19;
	v19 =	vadd.s32 v2, v22  }
0x254: {  	v17 =	vadd.s32 v2, v17;
	v21 =	vld [tilespmem:s21+$0x420]  }
0x255: {  	v22 =	vld [tilespmem:s21+$0x7420]  }
0x256: {  	[tilespmem:v13+s16+$0x0] =	vst.idx.add.f32.msk $0xffff, v25  }
0x257: {  	v13 =	vld [tilespmem:s28+$0x430]  }
0x258: {  	[tilespmem:v18+s16+$0x0] =	vst.idx.add.f32.msk $0xffff, v16  }
0x259: {  	v16 =	vand.u32 $0x7F, v21;
	v18 =	vshll.u32 v21, $0x3;
	[tilespmem:v19+s16+$0x0] =	vst.idx.add.f32.msk $0xffff, v20  }
0x25a: {  	v18 =	vand.u32 $0xFFFFFC00, v18;
	[tilespmem:v17+s16+$0x0] =	vst.idx.add.f32.msk $0xffff, v23  }
0x25b: {  	v16 =	vor.u32 v16, v18;
	v17 =	vld [tilespmem:s20+$0x420]  }
0x25c: {  	v16 =	vadd.s32 v3, v16;
	v18 =	vld [tilespmem:s29+$0x420];
	v19 =	vshll.u32 v13, $0x3  }
0x25d: {  	v13 =	vand.u32 $0x7F, v13;
	v19 =	vand.u32 $0xFFFFFC00, v19;
	v20 =	vld [tilespmem:s30+$0x420]  }
0x25e: {  	v21 =	vld [tilespmem:s20+$0x7420];
	v13 =	vor.u32 v13, v19  }
0x25f: {  	v19 =	vld [tilespmem:s28+$0x7430];
	v13 =	vadd.s32 v4, v13  }
0x260: {  	v23 =	vand.u32 $0x7F, v17;
	v17 =	vshll.u32 v17, $0x3;
	v24 =	vld [tilespmem:s29+$0x7420]  }
0x261: {  	v17 =	vand.u32 $0xFFFFFC00, v17;
	v25 =	vand.u32 $0x7F, v18;
	v18 =	vshll.u32 v18, $0x3;
	v26 =	vld [tilespmem:s30+$0x7420]  }
0x262: {  	[tilespmem:v16+s16+$0x0] =	vst.idx.add.f32.msk $0xffff, v22;
	v16 =	vand.u32 $0xFFFFFC00, v18;
	v18 =	vand.u32 $0x7F, v20;
	v20 =	vshll.u32 v20, $0x3  }
0x263: {  	v17 =	vor.u32 v23, v17;
	v22 =	vld [tilespmem:s21+$0x430];
	v16 =	vor.u32 v25, v16;
	v20 =	vand.u32 $0xFFFFFC00, v20  }
0x264: {  	v17 =	vadd.s32 v3, v17;
	[tilespmem:v13+s16+$0x0] =	vst.idx.add.f32.msk $0xffff, v19;
	v13 =	vor.u32 v18, v20  }
0x265: {  	v16 =	vadd.s32 v3, v16;
	v18 =	vld [tilespmem:s28+$0x440];
	v19 =	vadd.s32 v3, v13  }
0x266: {  	v20 =	vld [tilespmem:s21+$0x7430]  }
0x267: {  	v23 =	vld [tilespmem:s22+$0x7470];
	s22 =	smov.u32 s29  }
0x268: {  	v25 =	vand.u32 $0x7F, v22;
	v22 =	vshll.u32 v22, $0x3;
	v13 =	vld [tilespmem:s23+$0x7470];
	s23 =	smov.u32 s30  }
0x269: {  	v22 =	vand.u32 $0xFFFFFC00, v22;
	[tilespmem:v17+s16+$0x0] =	vst.idx.add.f32.msk $0xffff, v21  }
0x26a: {  	v17 =	vor.u32 v25, v22;
	[tilespmem:v16+s16+$0x0] =	vst.idx.add.f32.msk $0xffff, v24;
	v16 =	vshll.u32 v18, $0x3  }
0x26b: {  	v18 =	vand.u32 $0x7F, v18;
	v17 =	vadd.s32 v4, v17;
	v16 =	vand.u32 $0xFFFFFC00, v16;
	[tilespmem:v19+s16+$0x0] =	vst.idx.add.f32.msk $0xffff, v26  }
0x26c: {  	v19 =	vld [tilespmem:s20+$0x430];
	v16 =	vor.u32 v18, v16  }
0x26d: {  	v18 =	vld [tilespmem:s28+$0x7440];
	v16 =	vadd.s32 v5, v16  }
0x26e: {  	v21 =	vld [tilespmem:s22+$0x430]  }
0x26f: {  	v22 =	vld [tilespmem:s23+$0x430]  }
0x270: {  	v24 =	vld [tilespmem:s20+$0x7430]  }
0x271: {  	v25 =	vand.u32 $0x7F, v19;
	v19 =	vshll.u32 v19, $0x3;
	v26 =	vld [tilespmem:s22+$0x7430]  }
0x272: {  	v19 =	vand.u32 $0xFFFFFC00, v19;
	[tilespmem:v16+s16+$0x0] =	vst.idx.add.f32.msk $0xffff, v18  }
0x273: {  	v16 =	vor.u32 v25, v19;
	v18 =	vand.u32 $0x7F, v21;
	v19 =	vshll.u32 v21, $0x3;
	v21 =	vld [tilespmem:s28+$0x450]  }
0x274: {  	v19 =	vand.u32 $0xFFFFFC00, v19;
	v25 =	vld [tilespmem:s23+$0x7430];
	v27 =	vand.u32 $0x7F, v22;
	v22 =	vshll.u32 v22, $0x3  }
0x275: {  	v16 =	vadd.s32 v4, v16;
	[tilespmem:v17+s16+$0x0] =	vst.idx.add.f32.msk $0xffff, v20;
	v17 =	vor.u32 v18, v19;
	v18 =	vand.u32 $0xFFFFFC00, v22  }
0x276: {  	v19 =	vld [tilespmem:s21+$0x440];
	v17 =	vadd.s32 v4, v17;
	v18 =	vor.u32 v27, v18  }
0x277: {  	v20 =	vld [tilespmem:s21+$0x7440];
	v18 =	vadd.s32 v4, v18  }
0x278: {  	v22 =	vshll.u32 v21, $0x3;
	[tilespmem:v11+s16+$0x0] =	vst.idx.add.f32.msk $0xffff, v14  }
0x279: {  	v11 =	vand.u32 $0x7F, v21;
	v14 =	vand.u32 $0xFFFFFC00, v22;
	[tilespmem:v12+s16+$0x0] =	vst.idx.add.f32.msk $0xffff, v15  }
0x27a: {  	[tilespmem:v16+s16+$0x0] =	vst.idx.add.f32.msk $0xffff, v24;
	v11 =	vor.u32 v11, v14  }
0x27b: {  	v12 =	vand.u32 $0x7F, v19;
	v14 =	vshll.u32 v19, $0x3;
	v15 =	vld [tilespmem:s28+$0x7450];
	v11 =	vadd.s32 v6, v11  }
0x27c: {  	v14 =	vand.u32 $0xFFFFFC00, v14;
	[tilespmem:v17+s16+$0x0] =	vst.idx.add.f32.msk $0xffff, v26  }
0x27d: {  	v12 =	vor.u32 v12, v14;
	[tilespmem:v18+s16+$0x0] =	vst.idx.add.f32.msk $0xffff, v25  }
0x27e: {  	v12 =	vadd.s32 v5, v12;
	v14 =	vld [tilespmem:s20+$0x440]  }
0x27f: {  	v16 =	vld [tilespmem:s22+$0x440]  }
0x280: {  	[tilespmem:v11+s16+$0x0] =	vst.idx.add.f32.msk $0xffff, v15  }
0x281: {  	v11 =	vld [tilespmem:s28+$0x460]  }
0x282: {  	v15 =	vld [tilespmem:s23+$0x440]  }
0x283: {  	v17 =	vld [tilespmem:s20+$0x7440];
	v18 =	vand.u32 $0x7F, v14;
	v14 =	vshll.u32 v14, $0x3  }
0x284: {  	v14 =	vand.u32 $0xFFFFFC00, v14;
	v19 =	vld [tilespmem:s22+$0x7440];
	v21 =	vand.u32 $0x7F, v16;
	v16 =	vshll.u32 v16, $0x3  }
0x285: {  	v14 =	vor.u32 v18, v14;
	v16 =	vand.u32 $0xFFFFFC00, v16;
	v18 =	vld [tilespmem:s23+$0x7440]  }
0x286: {  	[tilespmem:v12+s16+$0x0] =	vst.idx.add.f32.msk $0xffff, v20;
	v12 =	vadd.s32 v5, v14;
	v14 =	vor.u32 v21, v16;
	v16 =	vshll.u32 v11, $0x3  }
0x287: {  	v11 =	vand.u32 $0x7F, v11;
	v20 =	vld [tilespmem:s21+$0x450];
	v16 =	vand.u32 $0xFFFFFC00, v16;
	v21 =	vshll.u32 v15, $0x3  }
0x288: {  	v15 =	vand.u32 $0x7F, v15;
	v22 =	vld [tilespmem:s21+$0x7450];
	v11 =	vor.u32 v11, v16;
	v16 =	vand.u32 $0xFFFFFC00, v21  }
0x289: {  	v14 =	vadd.s32 v5, v14;
	v21 =	vld [tilespmem:s28+$0x7460];
	v11 =	vadd.s32 v7, v11;
	v15 =	vor.u32 v15, v16  }
0x28a: {  	v15 =	vadd.s32 v5, v15;
	[tilespmem:v10+s16+$0x0] =	vst.idx.add.f32.msk $0xffff, v23  }
0x28b: {  	[tilespmem:v12+s16+$0x0] =	vst.idx.add.f32.msk $0xffff, v17  }
0x28c: {  	v10 =	vand.u32 $0x7F, v20;
	v12 =	vshll.u32 v20, $0x3;
	v16 =	vld [tilespmem:s20+$0x450]  }
0x28d: {  	v12 =	vand.u32 $0xFFFFFC00, v12;
	v17 =	vld [tilespmem:s20+$0x7450]  }
0x28e: {  	v10 =	vor.u32 v10, v12;
	[tilespmem:v11+s16+$0x0] =	vst.idx.add.f32.msk $0xffff, v21  }
0x28f: {  	v10 =	vadd.s32 v6, v10;
	v11 =	vld [tilespmem:s28+$0x470]  }
0x290: {  	[tilespmem:v14+s16+$0x0] =	vst.idx.add.f32.msk $0xffff, v19  }
0x291: {  	v12 =	vand.u32 $0x7F, v16;
	v14 =	vshll.u32 v16, $0x3;
	[tilespmem:v15+s16+$0x0] =	vst.idx.add.f32.msk $0xffff, v18  }
0x292: {  	v14 =	vand.u32 $0xFFFFFC00, v14;
	v15 =	vld [tilespmem:s22+$0x450]  }
0x293: {  	v12 =	vor.u32 v12, v14;
	v14 =	vld [tilespmem:s23+$0x450]  }
0x294: {  	v12 =	vadd.s32 v6, v12;
	v16 =	vld [tilespmem:s22+$0x7450];
	v18 =	vshll.u32 v11, $0x3  }
0x295: {  	v11 =	vand.u32 $0x7F, v11;
	v18 =	vand.u32 $0xFFFFFC00, v18;
	v19 =	vld [tilespmem:s23+$0x7450]  }
0x296: {  	[tilespmem:v10+s16+$0x0] =	vst.idx.add.f32.msk $0xffff, v22;
	v10 =	vor.u32 v11, v18  }
0x297: {  	v11 =	vand.u32 $0x7F, v15;
	v15 =	vshll.u32 v15, $0x3;
	v18 =	vld [tilespmem:s28+$0x7470];
	v20 =	vadd.s32 v8, v10  }
0x298: {  	v21 =	vld [tilespmem:s21+$0x460];
	v10 =	vand.u32 $0xFFFFFC00, v15;
	v15 =	vand.u32 $0x7F, v14;
	v14 =	vshll.u32 v14, $0x3  }
0x299: {  	[tilespmem:v12+s16+$0x0] =	vst.idx.add.f32.msk $0xffff, v17;
	v10 =	vor.u32 v11, v10;
	v11 =	vand.u32 $0xFFFFFC00, v14  }
0x29a: {  	v12 =	vld [tilespmem:s20+$0x460];
	v14 =	vadd.s32 v6, v10;
	v11 =	vor.u32 v15, v11  }
0x29b: {  	v10 =	vld [tilespmem:s21+$0x7460];
	v15 =	vadd.s32 v6, v11  }
0x29c: {  	[tilespmem:v20+s16+$0x0] =	vst.idx.add.f32.msk $0xffff, v18  }
.Ltmp3:
0x29d: {  	v17 =	vand.u32 $0x7F, v21;
	v18 =	vshll.u32 v21, $0x3;
	v11 =	vld [tilespmem:s20+$0x7460];
	(pc) =	sbr.rel @p0 .LBB2_8-.Ltmp3, $4  }
0x29e: {  	v18 =	vand.u32 $0xFFFFFC00, v18;
	[tilespmem:v9+s16+$0x0] =	vst.idx.add.f32.msk $0xffff, v13  }
0x29f: {  	v9 =	vor.u32 v17, v18;
	v13 =	vand.u32 $0x7F, v12;
	v12 =	vshll.u32 v12, $0x3;
	[tilespmem:v14+s16+$0x0] =	vst.idx.add.f32.msk $0xffff, v16  }
0x2a0: {  	v9 =	vadd.s32 v7, v9;
	v12 =	vand.u32 $0xFFFFFC00, v12;
	[tilespmem:v15+s16+$0x0] =	vst.idx.add.f32.msk $0xffff, v19  }
0x2a1: {  	s25 =	sadd.s32 $0x280, s25;
	s26 =	sadd.s32 $0xA00, s26;
	v13 =	vor.u32 v13, v12;
	v12 =	vld [tilespmem:s22+$0x460]  }
0x2a2: {  	v14 =	vld [tilespmem:s23+$0x460];
	_ =	sdelay $0x3  }
0x2a3: {  	v13 =	vadd.s32 v7, v13;
	v15 =	vshll.u32 v12, $0x3  }
0x2a4: {  	v52 =	vand.u32 $0x7F, v12;
	v15 =	vand.u32 $0xFFFFFC00, v15;
	v16 =	vshll.u32 v14, $0x3  }
0x2a5: {  	v53 =	vld [tilespmem:s22+$0x7460];
	v14 =	vand.u32 $0x7F, v14;
	v12 =	vor.u32 v52, v15;
	v16 =	vand.u32 $0xFFFFFC00, v16  }
0x2a6: {  	v54 =	vld [tilespmem:s23+$0x7460];
	v14 =	vor.u32 v14, v16;
	v12 =	vadd.s32 v7, v12  }
0x2a7: {  	[tilespmem:v9+s16+$0x0] =	vst.idx.add.f32.msk $0xffff, v10;
	v9 =	vadd.s32 v7, v14  }
0x2a8: {  	v10 =	vld [tilespmem:s21+$0x470]  }
0x2a9: {  	[tilespmem:v13+s16+$0x0] =	vst.idx.add.f32.msk $0xffff, v11  }
0x2aa: {  	v11 =	vld [tilespmem:s20+$0x470]  }
0x2ab: {  	[tilespmem:v12+s16+$0x0] =	vst.idx.add.f32.msk $0xffff, v53  }
0x2ac: {  	[tilespmem:v9+s16+$0x0] =	vst.idx.add.f32.msk $0xffff, v54  }
0x2ad: {  	v9 =	vld [tilespmem:s22+$0x470]  }
0x2ae: {  	v55 =	vld [tilespmem:s23+$0x470]  }
0x2af: {  	v56 =	vand.u32 $0x7F, v10;
	v10 =	vshll.u32 v10, $0x3;
	v57 =	vshll.u32 v11, $0x3  }
0x2b0: {  	v10 =	vand.u32 $0xFFFFFC00, v10;
	v11 =	vand.u32 $0x7F, v11;
	v14 =	vand.u32 $0xFFFFFC00, v57  }
0x2b1: {  	v10 =	vor.u32 v56, v10;
	v11 =	vor.u32 v11, v14  }
0x2b2: {  	v10 =	vadd.s32 v8, v10;
	v11 =	vadd.s32 v8, v11;
	v58 =	vshll.u32 v9, $0x3  }
0x2b3: {  	v60 =	vld [tilespmem:s21+$0x7470];
	v9 =	vand.u32 $0x7F, v9;
	v13 =	vand.u32 $0xFFFFFC00, v58;
	v59 =	vshll.u32 v55, $0x3  }
0x2b4: {  	v62 =	vld [tilespmem:s20+$0x7470];
	v12 =	vand.u32 $0x7F, v55;
	v9 =	vor.u32 v9, v13;
	v61 =	vand.u32 $0xFFFFFC00, v59  }
0x2b5: {  	v63 =	vld [tilespmem:s22+$0x7470];
	v9 =	vadd.s32 v8, v9;
	v12 =	vor.u32 v12, v61  }
0x2b6: {  	v16 =	vld [tilespmem:s23+$0x7470];
	v12 =	vadd.s32 v8, v12;
	_ =	sdelay $0x1  }
0x2b7: {  	[tilespmem:v10+s16+$0x0] =	vst.idx.add.f32.msk $0xffff, v60  }
0x2b8: {  	[tilespmem:v11+s16+$0x0] =	vst.idx.add.f32.msk $0xffff, v62  }
0x2b9: {  	[tilespmem:v9+s16+$0x0] =	vst.idx.add.f32.msk $0xffff, v63  }
0x2ba: {  	[tilespmem:v12+s16+$0x0] =	vst.idx.add.f32.msk $0xffff, v16  }
0x2bb: {  	s0 =	simm.s32 $0x0;
	s1 =	rddreg [dreg:$0x6]  }
0x2bc: {  	[hbm4b:s1+s0] =	stream.linear.scatter [tilespmem:s16], [sflag:$0x2], $0x8000, $0x38;
	[tilespmem:$0x1E000] =	vst v63  }
0x2bd: {  	_ =	swait.ge [sflag:s17], $0x8000  }
0x2be: {  	s31 =	sand.u32 $0x7800, s0;
	s0 =	sand.u32 $0x300, s0;
	[sflag:s17] =	ssyncset.done $0x0  }
0x2bf: {  	s0 =	sor.u32 s0, s31;
	[sflag:s17] =	ssyncadd.s32 $0xFFFF8000  }
0x2c0: {  	[tilespmem:s0+$0xE4F0] =	vst v0  }
0x2c1: {  	[tilespmem:s0+$0xE000] =	vst v0  }
0x2c2: {  	[tilespmem:s0+$0xE010] =	vst v0  }
0x2c3: {  	[tilespmem:s0+$0xE020] =	vst v0  }
0x2c4: {  	[tilespmem:s0+$0xE030] =	vst v0  }
0x2c5: {  	[tilespmem:s0+$0xE040] =	vst v0  }
0x2c6: {  	[tilespmem:s0+$0xE050] =	vst v0  }
0x2c7: {  	[tilespmem:s0+$0xE060] =	vst v0  }
0x2c8: {  	[tilespmem:s0+$0xE070] =	vst v0  }
0x2c9: {  	[tilespmem:s0+$0xE400] =	vst v0  }
0x2ca: {  	[tilespmem:s0+$0xE410] =	vst v0  }
0x2cb: {  	[tilespmem:s0+$0xE420] =	vst v0  }
0x2cc: {  	[tilespmem:s0+$0xE430] =	vst v0  }
0x2cd: {  	[tilespmem:s0+$0xE440] =	vst v0  }
0x2ce: {  	[tilespmem:s0+$0xE450] =	vst v0  }
0x2cf: {  	[tilespmem:s0+$0xE460] =	vst v0  }
0x2d0: {  	[tilespmem:s0+$0xE470] =	vst v0  }
0x2d1: {  	[tilespmem:s0+$0xE080] =	vst v0  }
0x2d2: {  	[tilespmem:s0+$0xE090] =	vst v0  }
0x2d3: {  	[tilespmem:s0+$0xE0A0] =	vst v0  }
0x2d4: {  	[tilespmem:s0+$0xE0B0] =	vst v0  }
0x2d5: {  	[tilespmem:s0+$0xE0C0] =	vst v0  }
0x2d6: {  	[tilespmem:s0+$0xE0D0] =	vst v0  }
0x2d7: {  	[tilespmem:s0+$0xE0E0] =	vst v0  }
0x2d8: {  	[tilespmem:s0+$0xE0F0] =	vst v0  }
0x2d9: {  	[tilespmem:s0+$0xE480] =	vst v0  }
0x2da: {  	[tilespmem:s0+$0xE490] =	vst v0  }
0x2db: {  	[tilespmem:s0+$0xE4A0] =	vst v0  }
0x2dc: {  	[tilespmem:s0+$0xE4B0] =	vst v0  }
0x2dd: {  	s21 =	simm.s32 $0x100;
	s20 =	simm.s32 $0x0;
	s22 =	simm.s32 $0x200;
	[tilespmem:s0+$0xE4C0] =	vst v0  }
.LBB2_10:
0x2de: {  	s1 =	sand.u32 $0x7800, s22;
	s3 =	sand.u32 $0x300, s21;
	s20 =	sadd.s32 $0x2, s20;
	[tilespmem:s0+$0xE4D0] =	vst v0  }
0x2df: {  	p0 =	slt.u32 s20, $0x7E;
	[tilespmem:s0+$0xE4E0] =	vst v0;
	s0 =	sor.u32 s3, s1  }
0x2e0: {  	s23 =	simm.s32 $0x200;
	s25 =	simm.s32 $0x800;
	[tilespmem:s0+$0xE4F0] =	vst v0  }
0x2e1: {  	[tilespmem:s0+$0xE000] =	vst v0  }
0x2e2: {  	[tilespmem:s0+$0xE010] =	vst v0  }
0x2e3: {  	[tilespmem:s0+$0xE020] =	vst v0  }
0x2e4: {  	[tilespmem:s0+$0xE030] =	vst v0  }
0x2e5: {  	[tilespmem:s0+$0xE040] =	vst v0  }
0x2e6: {  	[tilespmem:s0+$0xE050] =	vst v0  }
0x2e7: {  	[tilespmem:s0+$0xE060] =	vst v0  }
0x2e8: {  	[tilespmem:s0+$0xE070] =	vst v0  }
0x2e9: {  	[tilespmem:s0+$0xE400] =	vst v0  }
0x2ea: {  	[tilespmem:s0+$0xE410] =	vst v0  }
0x2eb: {  	[tilespmem:s0+$0xE420] =	vst v0  }
0x2ec: {  	[tilespmem:s0+$0xE430] =	vst v0  }
0x2ed: {  	[tilespmem:s0+$0xE440] =	vst v0  }
0x2ee: {  	[tilespmem:s0+$0xE450] =	vst v0  }
0x2ef: {  	[tilespmem:s0+$0xE460] =	vst v0  }
0x2f0: {  	[tilespmem:s0+$0xE470] =	vst v0  }
0x2f1: {  	[tilespmem:s0+$0xE080] =	vst v0  }
0x2f2: {  	[tilespmem:s0+$0xE090] =	vst v0  }
0x2f3: {  	[tilespmem:s0+$0xE0A0] =	vst v0  }
0x2f4: {  	[tilespmem:s0+$0xE0B0] =	vst v0  }
0x2f5: {  	[tilespmem:s0+$0xE0C0] =	vst v0  }
0x2f6: {  	[tilespmem:s0+$0xE0D0] =	vst v0  }
0x2f7: {  	[tilespmem:s0+$0xE0E0] =	vst v0  }
0x2f8: {  	[tilespmem:s0+$0xE0F0] =	vst v0  }
.Ltmp4:
0x2f9: {  	[tilespmem:s0+$0xE480] =	vst v0;
	(pc) =	sbr.rel @p0 .LBB2_10-.Ltmp4, $4  }
0x2fa: {  	[tilespmem:s0+$0xE490] =	vst v0  }
0x2fb: {  	[tilespmem:s0+$0xE4A0] =	vst v0  }
0x2fc: {  	[tilespmem:s0+$0xE4B0] =	vst v0  }
0x2fd: {  	s21 =	sadd.s32 $0x100, s21;
	s22 =	sadd.s32 $0x200, s22;
	[tilespmem:s0+$0xE4C0] =	vst v0  }
0x2fe: {  	s1 =	simm.s32 $0x600;
	s3 =	simm.s32 $0x180  }
0x2ff: {  	[tilespmem:s0+$0xE4D0] =	vst v0;
	s1 =	sand.u32 $0xF000, s1;
	s3 =	sand.u32 $0x380, s3  }
0x300: {  	[tilespmem:s0+$0xE4E0] =	vst v0;
	s24 =	sor.u32 s3, s1  }
0x301: {  	v9 =	vld [tilespmem:s24+$0x800];
	_ =	sdelay $0x4  }
0x302: {  	v10 =	vshll.u32 v9, $0x3  }
0x303: {  	v9 =	vand.u32 $0x7F, v9;
	v10 =	vand.u32 $0xFFFFFC00, v10  }
0x304: {  	v9 =	vor.u32 v9, v10  }
0x305: {  	v10 =	vld [tilespmem:s24+$0x7800];
	v9 =	vadd.s32 v1, v9;
	_ =	sdelay $0x4  }
0x306: {  	[tilespmem:v9+s15+$0x0] =	vst.idx.add.f32.msk $0xffff, v10  }
0x307: {  	v9 =	vld [tilespmem:s24+$0x810]  }
0x308: {  	s20 =	simm.s32 $0x0;
	s21 =	simm.s32 $0x200;
	s5 =	simm.s32 $0x80  }
0x309: {  	s22 =	simm.s32 $0x0;
	s5 =	sand.u32 $0x380, s5;
	s1 =	sand.u32 $0xF000, s21  }
0x30a: {  	s0 =	sand.u32 $0x380, s20;
	s3 =	sand.u32 $0x7000, s22;
	s20 =	sor.u32 s5, s1  }
0x30b: {  	s26 =	simm.s32 $0x400;
	s28 =	simm.s32 $0x100;
	s21 =	sor.u32 s0, s3;
	v11 =	vld [tilespmem:s20+$0x800]  }
0x30c: {  	s29 =	sand.u32 $0x380, s28;
	s0 =	sand.u32 $0xF000, s26;
	v10 =	vld [tilespmem:s21+$0x800];
	v12 =	vshll.u32 v9, $0x3  }
0x30d: {  	s22 =	sor.u32 s29, s0;
	v9 =	vand.u32 $0x7F, v9;
	v12 =	vand.u32 $0xFFFFFC00, v12  }
0x30e: {  	v13 =	vld [tilespmem:s22+$0x800];
	v9 =	vor.u32 v9, v12  }
0x30f: {  	s30 =	sand.u32 $0xF000, s25;
	s31 =	sand.u32 $0x380, s23;
	v12 =	vld [tilespmem:s24+$0x7810];
	v9 =	vadd.s32 v2, v9  }
0x310: {  	s23 =	sor.u32 s31, s30;
	v16 =	vshll.u32 v11, $0x3  }
0x311: {  	v15 =	vld [tilespmem:s23+$0x800];
	v11 =	vand.u32 $0x7F, v11;
	v16 =	vand.u32 $0xFFFFFC00, v16;
	v14 =	vshll.u32 v10, $0x3  }
0x312: {  	v17 =	vld [tilespmem:s21+$0x7800];
	v11 =	vor.u32 v11, v16;
	v10 =	vand.u32 $0x7F, v10;
	v14 =	vand.u32 $0xFFFFFC00, v14  }
0x313: {  	v18 =	vshll.u32 v13, $0x3;
	v11 =	vadd.s32 v1, v11;
	v10 =	vor.u32 v10, v14;
	v14 =	vld [tilespmem:s20+$0x7800]  }
0x314: {  	v13 =	vand.u32 $0x7F, v13;
	v36 =	vand.u32 $0xFFFFFC00, v18;
	v10 =	vadd.s32 v1, v10;
	[tilespmem:v9+s15+$0x0] =	vst.idx.add.f32.msk $0xffff, v12  }
0x315: {  	v9 =	vor.u32 v13, v36;
	v12 =	vld [tilespmem:s24+$0x820]  }
0x316: {  	v37 =	vshll.u32 v15, $0x3;
	v13 =	vld [tilespmem:s22+$0x7800];
	v9 =	vadd.s32 v1, v9  }
0x317: {  	v38 =	vld [tilespmem:s23+$0x7800];
	v15 =	vand.u32 $0x7F, v15;
	v16 =	vand.u32 $0xFFFFFC00, v37  }
0x318: {  	v15 =	vor.u32 v15, v16;
	[tilespmem:v11+s15+$0x0] =	vst.idx.add.f32.msk $0xffff, v14  }
0x319: {  	[tilespmem:v10+s15+$0x0] =	vst.idx.add.f32.msk $0xffff, v17;
	v10 =	vadd.s32 v1, v15  }
0x31a: {  	v11 =	vld [tilespmem:s21+$0x810];
	v14 =	vshll.u32 v12, $0x3  }
0x31b: {  	[tilespmem:v9+s15+$0x0] =	vst.idx.add.f32.msk $0xffff, v13;
	v9 =	vand.u32 $0x7F, v12;
	v12 =	vand.u32 $0xFFFFFC00, v14  }
0x31c: {  	v13 =	vld [tilespmem:s20+$0x810];
	v9 =	vor.u32 v9, v12  }
0x31d: {  	v12 =	vld [tilespmem:s24+$0x7820];
	v9 =	vadd.s32 v3, v9  }
0x31e: {  	[tilespmem:v10+s15+$0x0] =	vst.idx.add.f32.msk $0xffff, v38  }
0x31f: {  	v10 =	vld [tilespmem:s22+$0x810];
	v14 =	vshll.u32 v11, $0x3  }
0x320: {  	v39 =	vld [tilespmem:s21+$0x7810];
	v11 =	vand.u32 $0x7F, v11;
	v14 =	vand.u32 $0xFFFFFC00, v14  }
0x321: {  	v15 =	vld [tilespmem:s23+$0x810];
	v11 =	vor.u32 v11, v14  }
0x322: {  	v11 =	vadd.s32 v2, v11;
	v14 =	vshll.u32 v13, $0x3;
	[tilespmem:v9+s15+$0x0] =	vst.idx.add.f32.msk $0xffff, v12  }
0x323: {  	v9 =	vand.u32 $0x7F, v13;
	v12 =	vand.u32 $0xFFFFFC00, v14;
	v13 =	vld [tilespmem:s24+$0x830]  }
0x324: {  	v18 =	vld [tilespmem:s23+$0x7810];
	v9 =	vor.u32 v9, v12;
	v12 =	vshll.u32 v10, $0x3  }
0x325: {  	v14 =	vld [tilespmem:s20+$0x7810];
	v10 =	vand.u32 $0x7F, v10;
	v12 =	vand.u32 $0xFFFFFC00, v12;
	v9 =	vadd.s32 v2, v9  }
0x326: {  	v40 =	vld [tilespmem:s22+$0x7810];
	v10 =	vor.u32 v10, v12  }
0x327: {  	[tilespmem:v11+s15+$0x0] =	vst.idx.add.f32.msk $0xffff, v39;
	v12 =	vshll.u32 v15, $0x3;
	v10 =	vadd.s32 v2, v10  }
0x328: {  	v11 =	vand.u32 $0xFFFFFC00, v12;
	v12 =	vand.u32 $0x7F, v15;
	v15 =	vld [tilespmem:s21+$0x820];
	v41 =	vshll.u32 v13, $0x3  }
0x329: {  	v11 =	vor.u32 v12, v11;
	v12 =	vld [tilespmem:s21+$0x7820];
	v13 =	vand.u32 $0x7F, v13;
	v16 =	vand.u32 $0xFFFFFC00, v41  }
0x32a: {  	v11 =	vadd.s32 v2, v11;
	[tilespmem:v9+s15+$0x0] =	vst.idx.add.f32.msk $0xffff, v14;
	v9 =	vor.u32 v13, v16  }
0x32b: {  	v13 =	vld [tilespmem:s24+$0x7830];
	v9 =	vadd.s32 v4, v9  }
0x32c: {  	[tilespmem:v10+s15+$0x0] =	vst.idx.add.f32.msk $0xffff, v40  }
0x32d: {  	v10 =	vld [tilespmem:s20+$0x820]  }
0x32e: {  	v14 =	vshll.u32 v15, $0x3;
	v42 =	vld [tilespmem:s22+$0x820]  }
0x32f: {  	v15 =	vand.u32 $0x7F, v15;
	v14 =	vand.u32 $0xFFFFFC00, v14;
	[tilespmem:v11+s15+$0x0] =	vst.idx.add.f32.msk $0xffff, v18  }
0x330: {  	v11 =	vor.u32 v15, v14;
	[tilespmem:v9+s15+$0x0] =	vst.idx.add.f32.msk $0xffff, v13  }
0x331: {  	v9 =	vadd.s32 v3, v11;
	v11 =	vld [tilespmem:s24+$0x840]  }
0x332: {  	v44 =	vld [tilespmem:s22+$0x7820];
	v14 =	vshll.u32 v10, $0x3  }
0x333: {  	v13 =	vld [tilespmem:s23+$0x820];
	v10 =	vand.u32 $0x7F, v10;
	v14 =	vand.u32 $0xFFFFFC00, v14;
	v43 =	vshll.u32 v42, $0x3  }
0x334: {  	v15 =	vld [tilespmem:s20+$0x7820];
	v16 =	vand.u32 $0x7F, v42;
	v17 =	vand.u32 $0xFFFFFC00, v43;
	v10 =	vor.u32 v10, v14  }
0x335: {  	v47 =	vld [tilespmem:s24+$0x7840];
	v16 =	vor.u32 v16, v17;
	v10 =	vadd.s32 v3, v10  }
0x336: {  	[tilespmem:v9+s15+$0x0] =	vst.idx.add.f32.msk $0xffff, v12;
	v9 =	vadd.s32 v3, v16;
	v12 =	vshll.u32 v11, $0x3  }
0x337: {  	v14 =	vld [tilespmem:s23+$0x7820];
	v11 =	vand.u32 $0x7F, v11;
	v12 =	vand.u32 $0xFFFFFC00, v12  }
0x338: {  	v46 =	vshll.u32 v13, $0x3;
	v45 =	vld [tilespmem:s21+$0x830];
	v11 =	vor.u32 v11, v12  }
0x339: {  	v19 =	vld [tilespmem:s21+$0x7830];
	v12 =	vand.u32 $0x7F, v13;
	v13 =	vand.u32 $0xFFFFFC00, v46;
	v11 =	vadd.s32 v5, v11  }
0x33a: {  	[tilespmem:v10+s15+$0x0] =	vst.idx.add.f32.msk $0xffff, v15;
	v12 =	vor.u32 v12, v13  }
0x33b: {  	v10 =	vadd.s32 v3, v12;
	[tilespmem:v9+s15+$0x0] =	vst.idx.add.f32.msk $0xffff, v44  }
0x33c: {  	v9 =	vld [tilespmem:s20+$0x830]  }
0x33d: {  	v12 =	vshll.u32 v45, $0x3;
	v13 =	vld [tilespmem:s22+$0x830]  }
0x33e: {  	v15 =	vand.u32 $0x7F, v45;
	v12 =	vand.u32 $0xFFFFFC00, v12;
	[tilespmem:v11+s15+$0x0] =	vst.idx.add.f32.msk $0xffff, v47  }
0x33f: {  	v11 =	vor.u32 v15, v12;
	v12 =	vld [tilespmem:s24+$0x850]  }
0x340: {  	v11 =	vadd.s32 v4, v11;
	[tilespmem:v10+s15+$0x0] =	vst.idx.add.f32.msk $0xffff, v14  }
0x341: {  	v14 =	vshll.u32 v9, $0x3;
	v10 =	vld [tilespmem:s23+$0x830]  }
0x342: {  	v48 =	vld [tilespmem:s22+$0x7830];
	v9 =	vand.u32 $0x7F, v9;
	v14 =	vand.u32 $0xFFFFFC00, v14  }
0x343: {  	v15 =	vld [tilespmem:s20+$0x7830];
	v9 =	vor.u32 v9, v14;
	v14 =	vand.u32 $0x7F, v13;
	v13 =	vshll.u32 v13, $0x3  }
0x344: {  	v49 =	vld [tilespmem:s23+$0x7830];
	v13 =	vand.u32 $0xFFFFFC00, v13;
	v9 =	vadd.s32 v4, v9;
	v50 =	vshll.u32 v12, $0x3  }
0x345: {  	[tilespmem:v11+s15+$0x0] =	vst.idx.add.f32.msk $0xffff, v19;
	v11 =	vor.u32 v14, v13;
	v12 =	vand.u32 $0x7F, v12;
	v13 =	vand.u32 $0xFFFFFC00, v50  }
0x346: {  	v14 =	vshll.u32 v10, $0x3;
	v51 =	vld [tilespmem:s21+$0x840];
	v11 =	vadd.s32 v4, v11;
	v12 =	vor.u32 v12, v13  }
0x347: {  	v10 =	vand.u32 $0x7F, v10;
	v13 =	vand.u32 $0xFFFFFC00, v14;
	v14 =	vld [tilespmem:s24+$0x7850];
	v12 =	vadd.s32 v6, v12  }
0x348: {  	v10 =	vor.u32 v10, v13;
	v13 =	vld [tilespmem:s21+$0x7840]  }
0x349: {  	[tilespmem:v9+s15+$0x0] =	vst.idx.add.f32.msk $0xffff, v15;
	v10 =	vadd.s32 v4, v10  }
0x34a: {  	v9 =	vld [tilespmem:s20+$0x840]  }
0x34b: {  	v15 =	vshll.u32 v51, $0x3;
	[tilespmem:v11+s15+$0x0] =	vst.idx.add.f32.msk $0xffff, v48  }
0x34c: {  	v11 =	vand.u32 $0x7F, v51;
	v15 =	vand.u32 $0xFFFFFC00, v15;
	[tilespmem:v12+s15+$0x0] =	vst.idx.add.f32.msk $0xffff, v14  }
0x34d: {  	v11 =	vor.u32 v11, v15;
	v12 =	vld [tilespmem:s24+$0x860]  }
0x34e: {  	[tilespmem:v10+s15+$0x0] =	vst.idx.add.f32.msk $0xffff, v49;
	v10 =	vadd.s32 v5, v11  }
0x34f: {  	v11 =	vld [tilespmem:s22+$0x840]  }
0x350: {  	v14 =	vshll.u32 v9, $0x3  }
0x351: {  	v9 =	vand.u32 $0x7F, v9;
	v15 =	vld [tilespmem:s23+$0x840];
	v14 =	vand.u32 $0xFFFFFC00, v14  }
0x352: {  	v52 =	vld [tilespmem:s20+$0x7840];
	v9 =	vor.u32 v9, v14  }
0x353: {  	v9 =	vadd.s32 v5, v9;
	v53 =	vshll.u32 v12, $0x3;
	[tilespmem:v10+s15+$0x0] =	vst.idx.add.f32.msk $0xffff, v13;
	v10 =	vand.u32 $0x7F, v12  }
0x354: {  	v55 =	vld [tilespmem:s24+$0x7860];
	v13 =	vand.u32 $0x7F, v11;
	v11 =	vshll.u32 v11, $0x3;
	v12 =	vand.u32 $0xFFFFFC00, v53  }
0x355: {  	v56 =	vld [tilespmem:s23+$0x7840];
	v11 =	vand.u32 $0xFFFFFC00, v11;
	v10 =	vor.u32 v10, v12  }
0x356: {  	v14 =	vld [tilespmem:s22+$0x7840];
	v12 =	vshll.u32 v15, $0x3;
	v11 =	vor.u32 v13, v11;
	v10 =	vadd.s32 v7, v10  }
0x357: {  	v54 =	vld [tilespmem:s21+$0x850];
	v13 =	vand.u32 $0x7F, v15;
	v12 =	vand.u32 $0xFFFFFC00, v12;
	v11 =	vadd.s32 v5, v11  }
0x358: {  	[tilespmem:v9+s15+$0x0] =	vst.idx.add.f32.msk $0xffff, v52;
	v12 =	vor.u32 v13, v12  }
0x359: {  	v9 =	vadd.s32 v5, v12;
	v12 =	vld [tilespmem:s20+$0x850]  }
0x35a: {  	v13 =	vld [tilespmem:s21+$0x7850]  }
0x35b: {  	[tilespmem:v10+s15+$0x0] =	vst.idx.add.f32.msk $0xffff, v55  }
0x35c: {  	v15 =	vshll.u32 v54, $0x3;
	[tilespmem:v11+s15+$0x0] =	vst.idx.add.f32.msk $0xffff, v14  }
0x35d: {  	v15 =	vand.u32 $0xFFFFFC00, v15;
	v10 =	vand.u32 $0x7F, v54;
	v57 =	vld [tilespmem:s24+$0x870]  }
0x35e: {  	v10 =	vor.u32 v10, v15;
	v11 =	vshll.u32 v12, $0x3;
	[tilespmem:v9+s15+$0x0] =	vst.idx.add.f32.msk $0xffff, v56  }
0x35f: {  	v10 =	vadd.s32 v6, v10;
	v9 =	vand.u32 $0x7F, v12;
	v12 =	vld [tilespmem:s22+$0x850];
	v11 =	vand.u32 $0xFFFFFC00, v11  }
0x360: {  	v9 =	vor.u32 v9, v11;
	v11 =	vld [tilespmem:s23+$0x850]  }
0x361: {  	v14 =	vld [tilespmem:s20+$0x7850];
	v9 =	vadd.s32 v6, v9  }
0x362: {  	v15 =	vld [tilespmem:s22+$0x7850];
	v58 =	vshll.u32 v57, $0x3  }
0x363: {  	v59 =	vld [tilespmem:s24+$0x7870];
	v16 =	vand.u32 $0x7F, v57;
	v17 =	vand.u32 $0xFFFFFC00, v58  }
0x364: {  	[tilespmem:v10+s15+$0x0] =	vst.idx.add.f32.msk $0xffff, v13;
	v13 =	vand.u32 $0x7F, v12;
	v12 =	vshll.u32 v12, $0x3;
	v10 =	vor.u32 v16, v17  }
0x365: {  	v60 =	vld [tilespmem:s21+$0x860];
	v17 =	vadd.s32 v8, v10;
	v10 =	vand.u32 $0xFFFFFC00, v12;
	v12 =	vshll.u32 v11, $0x3  }
0x366: {  	v11 =	vand.u32 $0x7F, v11;
	[tilespmem:v9+s15+$0x0] =	vst.idx.add.f32.msk $0xffff, v14;
	v9 =	vor.u32 v13, v10;
	v10 =	vand.u32 $0xFFFFFC00, v12  }
0x367: {  	v12 =	vld [tilespmem:s20+$0x860];
	v9 =	vadd.s32 v6, v9;
	v10 =	vor.u32 v11, v10  }
0x368: {  	v13 =	vld [tilespmem:s23+$0x7850];
	v14 =	vadd.s32 v6, v10  }
0x369: {  	v11 =	vld [tilespmem:s20+$0x7860]  }
0x36a: {  	v10 =	vld [tilespmem:s21+$0x7860]  }
0x36b: {  	v61 =	vshll.u32 v60, $0x3;
	[tilespmem:v17+s15+$0x0] =	vst.idx.add.f32.msk $0xffff, v59  }
0x36c: {  	v62 =	vand.u32 $0x7F, v60;
	v16 =	vand.u32 $0xFFFFFC00, v61;
	v63 =	vshll.u32 v12, $0x3;
	[tilespmem:v9+s15+$0x0] =	vst.idx.add.f32.msk $0xffff, v15  }
0x36d: {  	v9 =	vor.u32 v62, v16;
	v12 =	vand.u32 $0x7F, v12;
	v15 =	vand.u32 $0xFFFFFC00, v63;
	[tilespmem:v14+s15+$0x0] =	vst.idx.add.f32.msk $0xffff, v13  }
0x36e: {  	s25 =	simm.s32 $0x480;
	s26 =	simm.s32 $0x1200;
	s24 =	simm.s32 $0x0;
	v9 =	vadd.s32 v7, v9;
	v13 =	vor.u32 v12, v15;
	v12 =	vld [tilespmem:s22+$0x860]  }
.LBB2_12:
0x36f: {  	s0 =	sadd.s32 $0xFFFFFE00, s26;
	s1 =	sadd.s32 $0xFFFFFF80, s25;
	s24 =	sadd.s32 $0x5, s24;
	v13 =	vadd.s32 v7, v13;
	v14 =	vld [tilespmem:s23+$0x860]  }
0x370: {  	s0 =	sand.u32 $0xF000, s0;
	s1 =	sand.u32 $0x380, s1;
	p0 =	slt.u32 s24, $0x2D;
	v15 =	vld [tilespmem:s22+$0x7860]  }
0x371: {  	s3 =	sadd.s32 $0xFFFFFE00, s25;
	s5 =	sadd.s32 $0xFFFFFA00, s26;
	s28 =	sor.u32 s1, s0;
	v16 =	vld [tilespmem:s23+$0x7860]  }
0x372: {  	s6 =	sadd.s32 $0xFFFFFF00, s25;
	s0 =	sadd.s32 $0xFFFFFE80, s25;
	s1 =	sadd.s32 $0xFFFFFC00, s26;
	v17 =	vld [tilespmem:s28+$0x800]  }
0x373: {  	s10 =	sadd.s32 $0xFFFFF800, s26;
	s3 =	sand.u32 $0x380, s3;
	s5 =	sand.u32 $0xF000, s5;
	[tilespmem:v9+s15+$0x0] =	vst.idx.add.f32.msk $0xffff, v10;
	v9 =	vand.u32 $0x7F, v12;
	v10 =	vshll.u32 v12, $0x3  }
0x374: {  	s10 =	sand.u32 $0x7000, s10;
	s11 =	sand.u32 $0x380, s0;
	s1 =	sand.u32 $0xF000, s1;
	[tilespmem:v13+s15+$0x0] =	vst.idx.add.f32.msk $0xffff, v11;
	v10 =	vand.u32 $0xFFFFFC00, v10;
	v11 =	vand.u32 $0x7F, v14;
	v12 =	vshll.u32 v14, $0x3  }
0x375: {  	s12 =	sand.u32 $0xF000, s26;
	s30 =	sand.u32 $0x380, s25;
	s6 =	sand.u32 $0x380, s6;
	v13 =	vld [tilespmem:s21+$0x870];
	v9 =	vor.u32 v9, v10;
	v10 =	vand.u32 $0xFFFFFC00, v12  }
0x376: {  	s0 =	sor.u32 s3, s10;
	s31 =	sor.u32 s11, s5;
	s29 =	sor.u32 s6, s1;
	v12 =	vld [tilespmem:s20+$0x870];
	v9 =	vadd.s32 v7, v9;
	v10 =	vor.u32 v11, v10  }
0x377: {  	s30 =	sor.u32 s30, s12;
	v11 =	vld [tilespmem:s0+$0x800];
	v14 =	vshll.u32 v17, $0x3;
	v10 =	vadd.s32 v7, v10  }
0x378: {  	v17 =	vand.u32 $0x7F, v17;
	v18 =	vld [tilespmem:s31+$0x800];
	v14 =	vand.u32 $0xFFFFFC00, v14  }
0x379: {  	v19 =	vld [tilespmem:s29+$0x800];
	v14 =	vor.u32 v17, v14  }
0x37a: {  	v17 =	vld [tilespmem:s28+$0x7800];
	v14 =	vadd.s32 v1, v14;
	v20 =	vand.u32 $0x7F, v13;
	v13 =	vshll.u32 v13, $0x3  }
0x37b: {  	v21 =	vld [tilespmem:s30+$0x800];
	v13 =	vand.u32 $0xFFFFFC00, v13;
	v22 =	vand.u32 $0x7F, v12;
	v12 =	vshll.u32 v12, $0x3  }
0x37c: {  	v23 =	vld [tilespmem:s0+$0x7800];
	v24 =	vand.u32 $0x7F, v11;
	v11 =	vshll.u32 v11, $0x3;
	v12 =	vand.u32 $0xFFFFFC00, v12  }
0x37d: {  	v11 =	vand.u32 $0xFFFFFC00, v11;
	v25 =	vld [tilespmem:s31+$0x7800];
	v26 =	vand.u32 $0x7F, v18;
	v18 =	vshll.u32 v18, $0x3  }
0x37e: {  	v18 =	vand.u32 $0xFFFFFC00, v18;
	v27 =	vld [tilespmem:s29+$0x7800];
	v28 =	vand.u32 $0x7F, v19;
	v19 =	vshll.u32 v19, $0x3  }
0x37f: {  	v11 =	vor.u32 v24, v11;
	v18 =	vor.u32 v26, v18;
	v19 =	vand.u32 $0xFFFFFC00, v19;
	[tilespmem:v14+s15+$0x0] =	vst.idx.add.f32.msk $0xffff, v17  }
0x380: {  	v14 =	vor.u32 v28, v19;
	v17 =	vld [tilespmem:s28+$0x810];
	v19 =	vand.u32 $0x7F, v21;
	v21 =	vshll.u32 v21, $0x3  }
0x381: {  	v24 =	vadd.s32 v1, v11;
	v18 =	vadd.s32 v1, v18;
	v26 =	vld [tilespmem:s30+$0x7800];
	v11 =	vand.u32 $0xFFFFFC00, v21  }
0x382: {  	v14 =	vadd.s32 v1, v14;
	v11 =	vor.u32 v19, v11;
	[tilespmem:v9+s15+$0x0] =	vst.idx.add.f32.msk $0xffff, v15  }
0x383: {  	v9 =	vadd.s32 v1, v11;
	v11 =	vor.u32 v20, v13;
	[tilespmem:v10+s15+$0x0] =	vst.idx.add.f32.msk $0xffff, v16  }
0x384: {  	v10 =	vor.u32 v22, v12;
	v11 =	vadd.s32 v8, v11;
	v13 =	vld [tilespmem:s22+$0x870]  }
0x385: {  	v12 =	vadd.s32 v8, v10;
	v15 =	vshll.u32 v17, $0x3;
	v10 =	vld [tilespmem:s23+$0x870]  }
0x386: {  	v16 =	vand.u32 $0x7F, v17;
	[tilespmem:v24+s15+$0x0] =	vst.idx.add.f32.msk $0xffff, v23;
	v15 =	vand.u32 $0xFFFFFC00, v15  }
0x387: {  	[tilespmem:v18+s15+$0x0] =	vst.idx.add.f32.msk $0xffff, v25;
	v15 =	vor.u32 v16, v15  }
0x388: {  	v16 =	vld [tilespmem:s28+$0x7810];
	v15 =	vadd.s32 v2, v15  }
0x389: {  	[tilespmem:v14+s15+$0x0] =	vst.idx.add.f32.msk $0xffff, v27;
	v14 =	vand.u32 $0x7F, v13;
	v13 =	vshll.u32 v13, $0x3  }
0x38a: {  	[tilespmem:v9+s15+$0x0] =	vst.idx.add.f32.msk $0xffff, v26;
	v9 =	vand.u32 $0xFFFFFC00, v13;
	v13 =	vand.u32 $0x7F, v10;
	v10 =	vshll.u32 v10, $0x3  }
0x38b: {  	v17 =	vld [tilespmem:s0+$0x810];
	v9 =	vor.u32 v14, v9;
	v14 =	vand.u32 $0xFFFFFC00, v10  }
0x38c: {  	v18 =	vld [tilespmem:s31+$0x810];
	v10 =	vadd.s32 v8, v9;
	v9 =	vor.u32 v13, v14  }
0x38d: {  	[tilespmem:v15+s15+$0x0] =	vst.idx.add.f32.msk $0xffff, v16;
	v9 =	vadd.s32 v8, v9  }
0x38e: {  	v13 =	vld [tilespmem:s28+$0x820]  }
0x38f: {  	v15 =	vld [tilespmem:s29+$0x810]  }
0x390: {  	v14 =	vand.u32 $0x7F, v17;
	v16 =	vshll.u32 v17, $0x3;
	v17 =	vld [tilespmem:s30+$0x810]  }
0x391: {  	v19 =	vld [tilespmem:s0+$0x7810];
	v16 =	vand.u32 $0xFFFFFC00, v16;
	v20 =	vand.u32 $0x7F, v18;
	v18 =	vshll.u32 v18, $0x3  }
0x392: {  	v14 =	vor.u32 v14, v16;
	v16 =	vld [tilespmem:s31+$0x7810];
	v18 =	vand.u32 $0xFFFFFC00, v18  }
0x393: {  	v21 =	vadd.s32 v2, v14;
	v18 =	vor.u32 v20, v18;
	v20 =	vld [tilespmem:s29+$0x7810];
	v14 =	vshll.u32 v13, $0x3  }
0x394: {  	v13 =	vand.u32 $0x7F, v13;
	v22 =	vshll.u32 v15, $0x3;
	v14 =	vand.u32 $0xFFFFFC00, v14;
	v23 =	vld [tilespmem:s30+$0x7810]  }
0x395: {  	v22 =	vand.u32 $0xFFFFFC00, v22;
	v13 =	vor.u32 v13, v14;
	v24 =	vshll.u32 v17, $0x3;
	v14 =	vld [tilespmem:s21+$0x7870];
	s21 =	smov.u32 s0  }
0x396: {  	v15 =	vand.u32 $0x7F, v15;
	v25 =	vld [tilespmem:s28+$0x7820];
	v13 =	vadd.s32 v3, v13;
	v24 =	vand.u32 $0xFFFFFC00, v24  }
0x397: {  	v18 =	vadd.s32 v2, v18;
	v17 =	vand.u32 $0x7F, v17;
	v22 =	vor.u32 v15, v22;
	v15 =	vld [tilespmem:s20+$0x7870];
	s20 =	smov.u32 s31  }
0x398: {  	v17 =	vor.u32 v17, v24;
	[tilespmem:v21+s15+$0x0] =	vst.idx.add.f32.msk $0xffff, v19;
	v19 =	vadd.s32 v2, v22  }
0x399: {  	v17 =	vadd.s32 v2, v17;
	v21 =	vld [tilespmem:s21+$0x820]  }
0x39a: {  	v22 =	vld [tilespmem:s21+$0x7820]  }
0x39b: {  	[tilespmem:v13+s15+$0x0] =	vst.idx.add.f32.msk $0xffff, v25  }
0x39c: {  	v13 =	vld [tilespmem:s28+$0x830]  }
0x39d: {  	[tilespmem:v18+s15+$0x0] =	vst.idx.add.f32.msk $0xffff, v16  }
0x39e: {  	v16 =	vand.u32 $0x7F, v21;
	v18 =	vshll.u32 v21, $0x3;
	[tilespmem:v19+s15+$0x0] =	vst.idx.add.f32.msk $0xffff, v20  }
0x39f: {  	v18 =	vand.u32 $0xFFFFFC00, v18;
	[tilespmem:v17+s15+$0x0] =	vst.idx.add.f32.msk $0xffff, v23  }
0x3a0: {  	v16 =	vor.u32 v16, v18;
	v17 =	vld [tilespmem:s20+$0x820]  }
0x3a1: {  	v16 =	vadd.s32 v3, v16;
	v18 =	vld [tilespmem:s29+$0x820];
	v19 =	vshll.u32 v13, $0x3  }
0x3a2: {  	v13 =	vand.u32 $0x7F, v13;
	v19 =	vand.u32 $0xFFFFFC00, v19;
	v20 =	vld [tilespmem:s30+$0x820]  }
0x3a3: {  	v21 =	vld [tilespmem:s20+$0x7820];
	v13 =	vor.u32 v13, v19  }
0x3a4: {  	v19 =	vld [tilespmem:s28+$0x7830];
	v13 =	vadd.s32 v4, v13  }
0x3a5: {  	v23 =	vand.u32 $0x7F, v17;
	v17 =	vshll.u32 v17, $0x3;
	v24 =	vld [tilespmem:s29+$0x7820]  }
0x3a6: {  	v17 =	vand.u32 $0xFFFFFC00, v17;
	v25 =	vand.u32 $0x7F, v18;
	v18 =	vshll.u32 v18, $0x3;
	v26 =	vld [tilespmem:s30+$0x7820]  }
0x3a7: {  	[tilespmem:v16+s15+$0x0] =	vst.idx.add.f32.msk $0xffff, v22;
	v16 =	vand.u32 $0xFFFFFC00, v18;
	v18 =	vand.u32 $0x7F, v20;
	v20 =	vshll.u32 v20, $0x3  }
0x3a8: {  	v17 =	vor.u32 v23, v17;
	v22 =	vld [tilespmem:s21+$0x830];
	v16 =	vor.u32 v25, v16;
	v20 =	vand.u32 $0xFFFFFC00, v20  }
0x3a9: {  	v17 =	vadd.s32 v3, v17;
	[tilespmem:v13+s15+$0x0] =	vst.idx.add.f32.msk $0xffff, v19;
	v13 =	vor.u32 v18, v20  }
0x3aa: {  	v16 =	vadd.s32 v3, v16;
	v18 =	vld [tilespmem:s28+$0x840];
	v19 =	vadd.s32 v3, v13  }
0x3ab: {  	v20 =	vld [tilespmem:s21+$0x7830]  }
0x3ac: {  	v23 =	vld [tilespmem:s22+$0x7870];
	s22 =	smov.u32 s29  }
0x3ad: {  	v25 =	vand.u32 $0x7F, v22;
	v22 =	vshll.u32 v22, $0x3;
	v13 =	vld [tilespmem:s23+$0x7870];
	s23 =	smov.u32 s30  }
0x3ae: {  	v22 =	vand.u32 $0xFFFFFC00, v22;
	[tilespmem:v17+s15+$0x0] =	vst.idx.add.f32.msk $0xffff, v21  }
0x3af: {  	v17 =	vor.u32 v25, v22;
	[tilespmem:v16+s15+$0x0] =	vst.idx.add.f32.msk $0xffff, v24;
	v16 =	vshll.u32 v18, $0x3  }
0x3b0: {  	v18 =	vand.u32 $0x7F, v18;
	v17 =	vadd.s32 v4, v17;
	v16 =	vand.u32 $0xFFFFFC00, v16;
	[tilespmem:v19+s15+$0x0] =	vst.idx.add.f32.msk $0xffff, v26  }
0x3b1: {  	v19 =	vld [tilespmem:s20+$0x830];
	v16 =	vor.u32 v18, v16  }
0x3b2: {  	v18 =	vld [tilespmem:s28+$0x7840];
	v16 =	vadd.s32 v5, v16  }
0x3b3: {  	v21 =	vld [tilespmem:s22+$0x830]  }
0x3b4: {  	v22 =	vld [tilespmem:s23+$0x830]  }
0x3b5: {  	v24 =	vld [tilespmem:s20+$0x7830]  }
0x3b6: {  	v25 =	vand.u32 $0x7F, v19;
	v19 =	vshll.u32 v19, $0x3;
	v26 =	vld [tilespmem:s22+$0x7830]  }
0x3b7: {  	v19 =	vand.u32 $0xFFFFFC00, v19;
	[tilespmem:v16+s15+$0x0] =	vst.idx.add.f32.msk $0xffff, v18  }
0x3b8: {  	v16 =	vor.u32 v25, v19;
	v18 =	vand.u32 $0x7F, v21;
	v19 =	vshll.u32 v21, $0x3;
	v21 =	vld [tilespmem:s28+$0x850]  }
0x3b9: {  	v19 =	vand.u32 $0xFFFFFC00, v19;
	v25 =	vld [tilespmem:s23+$0x7830];
	v27 =	vand.u32 $0x7F, v22;
	v22 =	vshll.u32 v22, $0x3  }
0x3ba: {  	v16 =	vadd.s32 v4, v16;
	[tilespmem:v17+s15+$0x0] =	vst.idx.add.f32.msk $0xffff, v20;
	v17 =	vor.u32 v18, v19;
	v18 =	vand.u32 $0xFFFFFC00, v22  }
0x3bb: {  	v19 =	vld [tilespmem:s21+$0x840];
	v17 =	vadd.s32 v4, v17;
	v18 =	vor.u32 v27, v18  }
0x3bc: {  	v20 =	vld [tilespmem:s21+$0x7840];
	v18 =	vadd.s32 v4, v18  }
0x3bd: {  	v22 =	vshll.u32 v21, $0x3;
	[tilespmem:v11+s15+$0x0] =	vst.idx.add.f32.msk $0xffff, v14  }
0x3be: {  	v11 =	vand.u32 $0x7F, v21;
	v14 =	vand.u32 $0xFFFFFC00, v22;
	[tilespmem:v12+s15+$0x0] =	vst.idx.add.f32.msk $0xffff, v15  }
0x3bf: {  	[tilespmem:v16+s15+$0x0] =	vst.idx.add.f32.msk $0xffff, v24;
	v11 =	vor.u32 v11, v14  }
0x3c0: {  	v12 =	vand.u32 $0x7F, v19;
	v14 =	vshll.u32 v19, $0x3;
	v15 =	vld [tilespmem:s28+$0x7850];
	v11 =	vadd.s32 v6, v11  }
0x3c1: {  	v14 =	vand.u32 $0xFFFFFC00, v14;
	[tilespmem:v17+s15+$0x0] =	vst.idx.add.f32.msk $0xffff, v26  }
0x3c2: {  	v12 =	vor.u32 v12, v14;
	[tilespmem:v18+s15+$0x0] =	vst.idx.add.f32.msk $0xffff, v25  }
0x3c3: {  	v12 =	vadd.s32 v5, v12;
	v14 =	vld [tilespmem:s20+$0x840]  }
0x3c4: {  	v16 =	vld [tilespmem:s22+$0x840]  }
0x3c5: {  	[tilespmem:v11+s15+$0x0] =	vst.idx.add.f32.msk $0xffff, v15  }
0x3c6: {  	v11 =	vld [tilespmem:s28+$0x860]  }
0x3c7: {  	v15 =	vld [tilespmem:s23+$0x840]  }
0x3c8: {  	v17 =	vld [tilespmem:s20+$0x7840];
	v18 =	vand.u32 $0x7F, v14;
	v14 =	vshll.u32 v14, $0x3  }
0x3c9: {  	v14 =	vand.u32 $0xFFFFFC00, v14;
	v19 =	vld [tilespmem:s22+$0x7840];
	v21 =	vand.u32 $0x7F, v16;
	v16 =	vshll.u32 v16, $0x3  }
0x3ca: {  	v14 =	vor.u32 v18, v14;
	v16 =	vand.u32 $0xFFFFFC00, v16;
	v18 =	vld [tilespmem:s23+$0x7840]  }
0x3cb: {  	[tilespmem:v12+s15+$0x0] =	vst.idx.add.f32.msk $0xffff, v20;
	v12 =	vadd.s32 v5, v14;
	v14 =	vor.u32 v21, v16;
	v16 =	vshll.u32 v11, $0x3  }
0x3cc: {  	v11 =	vand.u32 $0x7F, v11;
	v20 =	vld [tilespmem:s21+$0x850];
	v16 =	vand.u32 $0xFFFFFC00, v16;
	v21 =	vshll.u32 v15, $0x3  }
0x3cd: {  	v15 =	vand.u32 $0x7F, v15;
	v22 =	vld [tilespmem:s21+$0x7850];
	v11 =	vor.u32 v11, v16;
	v16 =	vand.u32 $0xFFFFFC00, v21  }
0x3ce: {  	v14 =	vadd.s32 v5, v14;
	v21 =	vld [tilespmem:s28+$0x7860];
	v11 =	vadd.s32 v7, v11;
	v15 =	vor.u32 v15, v16  }
0x3cf: {  	v15 =	vadd.s32 v5, v15;
	[tilespmem:v10+s15+$0x0] =	vst.idx.add.f32.msk $0xffff, v23  }
0x3d0: {  	[tilespmem:v12+s15+$0x0] =	vst.idx.add.f32.msk $0xffff, v17  }
0x3d1: {  	v10 =	vand.u32 $0x7F, v20;
	v12 =	vshll.u32 v20, $0x3;
	v16 =	vld [tilespmem:s20+$0x850]  }
0x3d2: {  	v12 =	vand.u32 $0xFFFFFC00, v12;
	v17 =	vld [tilespmem:s20+$0x7850]  }
0x3d3: {  	v10 =	vor.u32 v10, v12;
	[tilespmem:v11+s15+$0x0] =	vst.idx.add.f32.msk $0xffff, v21  }
0x3d4: {  	v10 =	vadd.s32 v6, v10;
	v11 =	vld [tilespmem:s28+$0x870]  }
0x3d5: {  	[tilespmem:v14+s15+$0x0] =	vst.idx.add.f32.msk $0xffff, v19  }
0x3d6: {  	v12 =	vand.u32 $0x7F, v16;
	v14 =	vshll.u32 v16, $0x3;
	[tilespmem:v15+s15+$0x0] =	vst.idx.add.f32.msk $0xffff, v18  }
0x3d7: {  	v14 =	vand.u32 $0xFFFFFC00, v14;
	v15 =	vld [tilespmem:s22+$0x850]  }
0x3d8: {  	v12 =	vor.u32 v12, v14;
	v14 =	vld [tilespmem:s23+$0x850]  }
0x3d9: {  	v12 =	vadd.s32 v6, v12;
	v16 =	vld [tilespmem:s22+$0x7850];
	v18 =	vshll.u32 v11, $0x3  }
0x3da: {  	v11 =	vand.u32 $0x7F, v11;
	v18 =	vand.u32 $0xFFFFFC00, v18;
	v19 =	vld [tilespmem:s23+$0x7850]  }
0x3db: {  	[tilespmem:v10+s15+$0x0] =	vst.idx.add.f32.msk $0xffff, v22;
	v10 =	vor.u32 v11, v18  }
0x3dc: {  	v11 =	vand.u32 $0x7F, v15;
	v15 =	vshll.u32 v15, $0x3;
	v18 =	vld [tilespmem:s28+$0x7870];
	v20 =	vadd.s32 v8, v10  }
0x3dd: {  	v21 =	vld [tilespmem:s21+$0x860];
	v10 =	vand.u32 $0xFFFFFC00, v15;
	v15 =	vand.u32 $0x7F, v14;
	v14 =	vshll.u32 v14, $0x3  }
0x3de: {  	[tilespmem:v12+s15+$0x0] =	vst.idx.add.f32.msk $0xffff, v17;
	v10 =	vor.u32 v11, v10;
	v11 =	vand.u32 $0xFFFFFC00, v14  }
0x3df: {  	v12 =	vld [tilespmem:s20+$0x860];
	v14 =	vadd.s32 v6, v10;
	v11 =	vor.u32 v15, v11  }
0x3e0: {  	v10 =	vld [tilespmem:s21+$0x7860];
	v15 =	vadd.s32 v6, v11  }
0x3e1: {  	[tilespmem:v20+s15+$0x0] =	vst.idx.add.f32.msk $0xffff, v18  }
.Ltmp5:
0x3e2: {  	v17 =	vand.u32 $0x7F, v21;
	v18 =	vshll.u32 v21, $0x3;
	v11 =	vld [tilespmem:s20+$0x7860];
	(pc) =	sbr.rel @p0 .LBB2_12-.Ltmp5, $4  }
0x3e3: {  	v18 =	vand.u32 $0xFFFFFC00, v18;
	[tilespmem:v9+s15+$0x0] =	vst.idx.add.f32.msk $0xffff, v13  }
0x3e4: {  	v9 =	vor.u32 v17, v18;
	v13 =	vand.u32 $0x7F, v12;
	v12 =	vshll.u32 v12, $0x3;
	[tilespmem:v14+s15+$0x0] =	vst.idx.add.f32.msk $0xffff, v16  }
0x3e5: {  	v9 =	vadd.s32 v7, v9;
	v12 =	vand.u32 $0xFFFFFC00, v12;
	[tilespmem:v15+s15+$0x0] =	vst.idx.add.f32.msk $0xffff, v19  }
0x3e6: {  	s25 =	sadd.s32 $0x280, s25;
	s26 =	sadd.s32 $0xA00, s26;
	v13 =	vor.u32 v13, v12;
	v12 =	vld [tilespmem:s22+$0x860]  }
0x3e7: {  	v14 =	vld [tilespmem:s23+$0x860];
	_ =	sdelay $0x3  }
0x3e8: {  	v13 =	vadd.s32 v7, v13;
	v15 =	vshll.u32 v12, $0x3  }
0x3e9: {  	v52 =	vand.u32 $0x7F, v12;
	v15 =	vand.u32 $0xFFFFFC00, v15;
	v16 =	vshll.u32 v14, $0x3  }
0x3ea: {  	v53 =	vld [tilespmem:s22+$0x7860];
	v14 =	vand.u32 $0x7F, v14;
	v12 =	vor.u32 v52, v15;
	v16 =	vand.u32 $0xFFFFFC00, v16  }
0x3eb: {  	v54 =	vld [tilespmem:s23+$0x7860];
	v14 =	vor.u32 v14, v16;
	v12 =	vadd.s32 v7, v12  }
0x3ec: {  	[tilespmem:v9+s15+$0x0] =	vst.idx.add.f32.msk $0xffff, v10;
	v9 =	vadd.s32 v7, v14  }
0x3ed: {  	v10 =	vld [tilespmem:s21+$0x870]  }
0x3ee: {  	[tilespmem:v13+s15+$0x0] =	vst.idx.add.f32.msk $0xffff, v11  }
0x3ef: {  	v11 =	vld [tilespmem:s20+$0x870]  }
0x3f0: {  	[tilespmem:v12+s15+$0x0] =	vst.idx.add.f32.msk $0xffff, v53  }
0x3f1: {  	[tilespmem:v9+s15+$0x0] =	vst.idx.add.f32.msk $0xffff, v54  }
0x3f2: {  	v9 =	vld [tilespmem:s22+$0x870]  }
0x3f3: {  	v55 =	vld [tilespmem:s23+$0x870]  }
0x3f4: {  	v56 =	vand.u32 $0x7F, v10;
	v10 =	vshll.u32 v10, $0x3;
	v57 =	vshll.u32 v11, $0x3  }
0x3f5: {  	v10 =	vand.u32 $0xFFFFFC00, v10;
	v11 =	vand.u32 $0x7F, v11;
	v14 =	vand.u32 $0xFFFFFC00, v57  }
0x3f6: {  	v10 =	vor.u32 v56, v10;
	v11 =	vor.u32 v11, v14  }
0x3f7: {  	v10 =	vadd.s32 v8, v10;
	v11 =	vadd.s32 v8, v11;
	v58 =	vshll.u32 v9, $0x3  }
0x3f8: {  	v60 =	vld [tilespmem:s21+$0x7870];
	v9 =	vand.u32 $0x7F, v9;
	v13 =	vand.u32 $0xFFFFFC00, v58;
	v59 =	vshll.u32 v55, $0x3  }
0x3f9: {  	v62 =	vld [tilespmem:s20+$0x7870];
	v12 =	vand.u32 $0x7F, v55;
	v9 =	vor.u32 v9, v13;
	v61 =	vand.u32 $0xFFFFFC00, v59  }
0x3fa: {  	v63 =	vld [tilespmem:s22+$0x7870];
	v9 =	vadd.s32 v8, v9;
	v12 =	vor.u32 v12, v61  }
0x3fb: {  	v16 =	vld [tilespmem:s23+$0x7870];
	v12 =	vadd.s32 v8, v12;
	_ =	sdelay $0x1  }
0x3fc: {  	[tilespmem:v10+s15+$0x0] =	vst.idx.add.f32.msk $0xffff, v60  }
0x3fd: {  	[tilespmem:v11+s15+$0x0] =	vst.idx.add.f32.msk $0xffff, v62  }
0x3fe: {  	[tilespmem:v9+s15+$0x0] =	vst.idx.add.f32.msk $0xffff, v63  }
0x3ff: {  	s0 =	simm.s32 $0x0;
	[tilespmem:v12+s15+$0x0] =	vst.idx.add.f32.msk $0xffff, v16  }
0x400: {  	[hbm4b:s7+s0] =	stream.linear.scatter [tilespmem:s15], [sflag:$0x1], $0x8000, $0x38;
	[tilespmem:$0x1E000] =	vst v63  }
0x401: {  	_ =	swait.ge [sflag:s18], $0x8000  }
0x402: {  	s1 =	sand.u32 $0x7800, s0;
	s0 =	sand.u32 $0x300, s0;
	[sflag:s18] =	ssyncset.done $0x0  }
0x403: {  	s1 =	sor.u32 s0, s1;
	[sflag:s18] =	ssyncadd.s32 $0xFFFF8000  }
0x404: {  	s0 =	sadd.s32 $0x16000, s1;
	[tilespmem:s1+$0x16000] =	vst v0  }
0x405: {  	[tilespmem:s0+$0x4F0] =	vst v0  }
0x406: {  	[tilespmem:s0+$0x10] =	vst v0  }
0x407: {  	[tilespmem:s0+$0x20] =	vst v0  }
0x408: {  	[tilespmem:s0+$0x30] =	vst v0  }
0x409: {  	[tilespmem:s0+$0x40] =	vst v0  }
0x40a: {  	[tilespmem:s0+$0x50] =	vst v0  }
0x40b: {  	[tilespmem:s0+$0x60] =	vst v0  }
0x40c: {  	[tilespmem:s0+$0x70] =	vst v0  }
0x40d: {  	[tilespmem:s0+$0x400] =	vst v0  }
0x40e: {  	[tilespmem:s0+$0x410] =	vst v0  }
0x40f: {  	[tilespmem:s0+$0x420] =	vst v0  }
0x410: {  	[tilespmem:s0+$0x430] =	vst v0  }
0x411: {  	[tilespmem:s0+$0x440] =	vst v0  }
0x412: {  	[tilespmem:s0+$0x450] =	vst v0  }
0x413: {  	[tilespmem:s0+$0x460] =	vst v0  }
0x414: {  	[tilespmem:s0+$0x470] =	vst v0  }
0x415: {  	[tilespmem:s0+$0x80] =	vst v0  }
0x416: {  	[tilespmem:s0+$0x90] =	vst v0  }
0x417: {  	[tilespmem:s0+$0xA0] =	vst v0  }
0x418: {  	[tilespmem:s0+$0xB0] =	vst v0  }
0x419: {  	[tilespmem:s0+$0xC0] =	vst v0  }
0x41a: {  	[tilespmem:s0+$0xD0] =	vst v0  }
0x41b: {  	[tilespmem:s0+$0xE0] =	vst v0  }
0x41c: {  	[tilespmem:s0+$0xF0] =	vst v0  }
0x41d: {  	[tilespmem:s0+$0x480] =	vst v0  }
0x41e: {  	[tilespmem:s0+$0x490] =	vst v0  }
0x41f: {  	[tilespmem:s0+$0x4A0] =	vst v0  }
0x420: {  	[tilespmem:s0+$0x4B0] =	vst v0  }
0x421: {  	s21 =	simm.s32 $0x100;
	s20 =	simm.s32 $0x0;
	s22 =	simm.s32 $0x200;
	[tilespmem:s0+$0x4C0] =	vst v0  }
.LBB2_14:
0x422: {  	s1 =	sand.u32 $0x7800, s22;
	s3 =	sand.u32 $0x300, s21;
	s20 =	sadd.s32 $0x2, s20;
	[tilespmem:s0+$0x4D0] =	vst v0  }
0x423: {  	s1 =	sor.u32 s3, s1;
	p0 =	slt.u32 s20, $0x7E;
	[tilespmem:s0+$0x4E0] =	vst v0  }
0x424: {  	s0 =	sadd.s32 $0x16000, s1;
	[tilespmem:s1+$0x16000] =	vst v0  }
0x425: {  	s23 =	simm.s32 $0x200;
	s25 =	simm.s32 $0x800;
	[tilespmem:s0+$0x4F0] =	vst v0  }
0x426: {  	[tilespmem:s0+$0x10] =	vst v0  }
0x427: {  	[tilespmem:s0+$0x20] =	vst v0  }
0x428: {  	[tilespmem:s0+$0x30] =	vst v0  }
0x429: {  	[tilespmem:s0+$0x40] =	vst v0  }
0x42a: {  	[tilespmem:s0+$0x50] =	vst v0  }
0x42b: {  	[tilespmem:s0+$0x60] =	vst v0  }
0x42c: {  	[tilespmem:s0+$0x70] =	vst v0  }
0x42d: {  	[tilespmem:s0+$0x400] =	vst v0  }
0x42e: {  	[tilespmem:s0+$0x410] =	vst v0  }
0x42f: {  	[tilespmem:s0+$0x420] =	vst v0  }
0x430: {  	[tilespmem:s0+$0x430] =	vst v0  }
0x431: {  	[tilespmem:s0+$0x440] =	vst v0  }
0x432: {  	[tilespmem:s0+$0x450] =	vst v0  }
0x433: {  	[tilespmem:s0+$0x460] =	vst v0  }
0x434: {  	[tilespmem:s0+$0x470] =	vst v0  }
0x435: {  	[tilespmem:s0+$0x80] =	vst v0  }
0x436: {  	[tilespmem:s0+$0x90] =	vst v0  }
0x437: {  	[tilespmem:s0+$0xA0] =	vst v0  }
0x438: {  	[tilespmem:s0+$0xB0] =	vst v0  }
0x439: {  	[tilespmem:s0+$0xC0] =	vst v0  }
0x43a: {  	[tilespmem:s0+$0xD0] =	vst v0  }
0x43b: {  	[tilespmem:s0+$0xE0] =	vst v0  }
0x43c: {  	[tilespmem:s0+$0xF0] =	vst v0  }
.Ltmp6:
0x43d: {  	[tilespmem:s0+$0x480] =	vst v0;
	(pc) =	sbr.rel @p0 .LBB2_14-.Ltmp6, $4  }
0x43e: {  	[tilespmem:s0+$0x490] =	vst v0  }
0x43f: {  	[tilespmem:s0+$0x4A0] =	vst v0  }
0x440: {  	[tilespmem:s0+$0x4B0] =	vst v0  }
0x441: {  	s21 =	sadd.s32 $0x100, s21;
	s22 =	sadd.s32 $0x200, s22;
	[tilespmem:s0+$0x4C0] =	vst v0  }
0x442: {  	s1 =	simm.s32 $0x600;
	s3 =	simm.s32 $0x180  }
0x443: {  	[tilespmem:s0+$0x4D0] =	vst v0;
	s1 =	sand.u32 $0xF000, s1;
	s3 =	sand.u32 $0x380, s3  }
0x444: {  	[tilespmem:s0+$0x4E0] =	vst v0;
	s24 =	sor.u32 s3, s1  }
0x445: {  	v9 =	vld [tilespmem:s24+$0xC00];
	_ =	sdelay $0x4  }
0x446: {  	v10 =	vshll.u32 v9, $0x3  }
0x447: {  	v9 =	vand.u32 $0x7F, v9;
	v10 =	vand.u32 $0xFFFFFC00, v10  }
0x448: {  	v9 =	vor.u32 v9, v10  }
0x449: {  	v10 =	vld [tilespmem:s24+$0x7C00];
	v9 =	vadd.s32 v1, v9;
	_ =	sdelay $0x4  }
0x44a: {  	[tilespmem:v9+s16+$0x0] =	vst.idx.add.f32.msk $0xffff, v10  }
0x44b: {  	v9 =	vld [tilespmem:s24+$0xC10]  }
0x44c: {  	s20 =	simm.s32 $0x0;
	s21 =	simm.s32 $0x200;
	s5 =	simm.s32 $0x80  }
0x44d: {  	s22 =	simm.s32 $0x0;
	s5 =	sand.u32 $0x380, s5;
	s1 =	sand.u32 $0xF000, s21  }
0x44e: {  	s0 =	sand.u32 $0x380, s20;
	s3 =	sand.u32 $0x7000, s22;
	s20 =	sor.u32 s5, s1  }
0x44f: {  	s26 =	simm.s32 $0x400;
	s28 =	simm.s32 $0x100;
	s21 =	sor.u32 s0, s3;
	v11 =	vld [tilespmem:s20+$0xC00]  }
0x450: {  	s29 =	sand.u32 $0x380, s28;
	s0 =	sand.u32 $0xF000, s26;
	v10 =	vld [tilespmem:s21+$0xC00];
	v12 =	vshll.u32 v9, $0x3  }
0x451: {  	s22 =	sor.u32 s29, s0;
	v9 =	vand.u32 $0x7F, v9;
	v12 =	vand.u32 $0xFFFFFC00, v12  }
0x452: {  	v13 =	vld [tilespmem:s22+$0xC00];
	v9 =	vor.u32 v9, v12  }
0x453: {  	s30 =	sand.u32 $0xF000, s25;
	s31 =	sand.u32 $0x380, s23;
	v12 =	vld [tilespmem:s24+$0x7C10];
	v9 =	vadd.s32 v2, v9  }
0x454: {  	s23 =	sor.u32 s31, s30;
	v16 =	vshll.u32 v11, $0x3  }
0x455: {  	v15 =	vld [tilespmem:s23+$0xC00];
	v11 =	vand.u32 $0x7F, v11;
	v16 =	vand.u32 $0xFFFFFC00, v16;
	v14 =	vshll.u32 v10, $0x3  }
0x456: {  	v17 =	vld [tilespmem:s21+$0x7C00];
	v11 =	vor.u32 v11, v16;
	v10 =	vand.u32 $0x7F, v10;
	v14 =	vand.u32 $0xFFFFFC00, v14  }
0x457: {  	v18 =	vshll.u32 v13, $0x3;
	v11 =	vadd.s32 v1, v11;
	v10 =	vor.u32 v10, v14;
	v14 =	vld [tilespmem:s20+$0x7C00]  }
0x458: {  	v13 =	vand.u32 $0x7F, v13;
	v36 =	vand.u32 $0xFFFFFC00, v18;
	v10 =	vadd.s32 v1, v10;
	[tilespmem:v9+s16+$0x0] =	vst.idx.add.f32.msk $0xffff, v12  }
0x459: {  	v9 =	vor.u32 v13, v36;
	v12 =	vld [tilespmem:s24+$0xC20]  }
0x45a: {  	v37 =	vshll.u32 v15, $0x3;
	v13 =	vld [tilespmem:s22+$0x7C00];
	v9 =	vadd.s32 v1, v9  }
0x45b: {  	v38 =	vld [tilespmem:s23+$0x7C00];
	v15 =	vand.u32 $0x7F, v15;
	v16 =	vand.u32 $0xFFFFFC00, v37  }
0x45c: {  	v15 =	vor.u32 v15, v16;
	[tilespmem:v11+s16+$0x0] =	vst.idx.add.f32.msk $0xffff, v14  }
0x45d: {  	[tilespmem:v10+s16+$0x0] =	vst.idx.add.f32.msk $0xffff, v17;
	v10 =	vadd.s32 v1, v15  }
0x45e: {  	v11 =	vld [tilespmem:s21+$0xC10];
	v14 =	vshll.u32 v12, $0x3  }
0x45f: {  	[tilespmem:v9+s16+$0x0] =	vst.idx.add.f32.msk $0xffff, v13;
	v9 =	vand.u32 $0x7F, v12;
	v12 =	vand.u32 $0xFFFFFC00, v14  }
0x460: {  	v13 =	vld [tilespmem:s20+$0xC10];
	v9 =	vor.u32 v9, v12  }
0x461: {  	v12 =	vld [tilespmem:s24+$0x7C20];
	v9 =	vadd.s32 v3, v9  }
0x462: {  	[tilespmem:v10+s16+$0x0] =	vst.idx.add.f32.msk $0xffff, v38  }
0x463: {  	v10 =	vld [tilespmem:s22+$0xC10];
	v14 =	vshll.u32 v11, $0x3  }
0x464: {  	v39 =	vld [tilespmem:s21+$0x7C10];
	v11 =	vand.u32 $0x7F, v11;
	v14 =	vand.u32 $0xFFFFFC00, v14  }
0x465: {  	v15 =	vld [tilespmem:s23+$0xC10];
	v11 =	vor.u32 v11, v14  }
0x466: {  	v11 =	vadd.s32 v2, v11;
	v14 =	vshll.u32 v13, $0x3;
	[tilespmem:v9+s16+$0x0] =	vst.idx.add.f32.msk $0xffff, v12  }
0x467: {  	v9 =	vand.u32 $0x7F, v13;
	v12 =	vand.u32 $0xFFFFFC00, v14;
	v13 =	vld [tilespmem:s24+$0xC30]  }
0x468: {  	v18 =	vld [tilespmem:s23+$0x7C10];
	v9 =	vor.u32 v9, v12;
	v12 =	vshll.u32 v10, $0x3  }
0x469: {  	v14 =	vld [tilespmem:s20+$0x7C10];
	v10 =	vand.u32 $0x7F, v10;
	v12 =	vand.u32 $0xFFFFFC00, v12;
	v9 =	vadd.s32 v2, v9  }
0x46a: {  	v40 =	vld [tilespmem:s22+$0x7C10];
	v10 =	vor.u32 v10, v12  }
0x46b: {  	[tilespmem:v11+s16+$0x0] =	vst.idx.add.f32.msk $0xffff, v39;
	v12 =	vshll.u32 v15, $0x3;
	v10 =	vadd.s32 v2, v10  }
0x46c: {  	v11 =	vand.u32 $0xFFFFFC00, v12;
	v12 =	vand.u32 $0x7F, v15;
	v15 =	vld [tilespmem:s21+$0xC20];
	v41 =	vshll.u32 v13, $0x3  }
0x46d: {  	v11 =	vor.u32 v12, v11;
	v12 =	vld [tilespmem:s21+$0x7C20];
	v13 =	vand.u32 $0x7F, v13;
	v16 =	vand.u32 $0xFFFFFC00, v41  }
0x46e: {  	v11 =	vadd.s32 v2, v11;
	[tilespmem:v9+s16+$0x0] =	vst.idx.add.f32.msk $0xffff, v14;
	v9 =	vor.u32 v13, v16  }
0x46f: {  	v13 =	vld [tilespmem:s24+$0x7C30];
	v9 =	vadd.s32 v4, v9  }
0x470: {  	[tilespmem:v10+s16+$0x0] =	vst.idx.add.f32.msk $0xffff, v40  }
0x471: {  	v10 =	vld [tilespmem:s20+$0xC20]  }
0x472: {  	v14 =	vshll.u32 v15, $0x3;
	v42 =	vld [tilespmem:s22+$0xC20]  }
0x473: {  	v15 =	vand.u32 $0x7F, v15;
	v14 =	vand.u32 $0xFFFFFC00, v14;
	[tilespmem:v11+s16+$0x0] =	vst.idx.add.f32.msk $0xffff, v18  }
0x474: {  	v11 =	vor.u32 v15, v14;
	[tilespmem:v9+s16+$0x0] =	vst.idx.add.f32.msk $0xffff, v13  }
0x475: {  	v9 =	vadd.s32 v3, v11;
	v11 =	vld [tilespmem:s24+$0xC40]  }
0x476: {  	v44 =	vld [tilespmem:s22+$0x7C20];
	v14 =	vshll.u32 v10, $0x3  }
0x477: {  	v13 =	vld [tilespmem:s23+$0xC20];
	v10 =	vand.u32 $0x7F, v10;
	v14 =	vand.u32 $0xFFFFFC00, v14;
	v43 =	vshll.u32 v42, $0x3  }
0x478: {  	v15 =	vld [tilespmem:s20+$0x7C20];
	v16 =	vand.u32 $0x7F, v42;
	v17 =	vand.u32 $0xFFFFFC00, v43;
	v10 =	vor.u32 v10, v14  }
0x479: {  	v47 =	vld [tilespmem:s24+$0x7C40];
	v16 =	vor.u32 v16, v17;
	v10 =	vadd.s32 v3, v10  }
0x47a: {  	[tilespmem:v9+s16+$0x0] =	vst.idx.add.f32.msk $0xffff, v12;
	v9 =	vadd.s32 v3, v16;
	v12 =	vshll.u32 v11, $0x3  }
0x47b: {  	v14 =	vld [tilespmem:s23+$0x7C20];
	v11 =	vand.u32 $0x7F, v11;
	v12 =	vand.u32 $0xFFFFFC00, v12  }
0x47c: {  	v46 =	vshll.u32 v13, $0x3;
	v45 =	vld [tilespmem:s21+$0xC30];
	v11 =	vor.u32 v11, v12  }
0x47d: {  	v19 =	vld [tilespmem:s21+$0x7C30];
	v12 =	vand.u32 $0x7F, v13;
	v13 =	vand.u32 $0xFFFFFC00, v46;
	v11 =	vadd.s32 v5, v11  }
0x47e: {  	[tilespmem:v10+s16+$0x0] =	vst.idx.add.f32.msk $0xffff, v15;
	v12 =	vor.u32 v12, v13  }
0x47f: {  	v10 =	vadd.s32 v3, v12;
	[tilespmem:v9+s16+$0x0] =	vst.idx.add.f32.msk $0xffff, v44  }
0x480: {  	v9 =	vld [tilespmem:s20+$0xC30]  }
0x481: {  	v12 =	vshll.u32 v45, $0x3;
	v13 =	vld [tilespmem:s22+$0xC30]  }
0x482: {  	v15 =	vand.u32 $0x7F, v45;
	v12 =	vand.u32 $0xFFFFFC00, v12;
	[tilespmem:v11+s16+$0x0] =	vst.idx.add.f32.msk $0xffff, v47  }
0x483: {  	v11 =	vor.u32 v15, v12;
	v12 =	vld [tilespmem:s24+$0xC50]  }
0x484: {  	v11 =	vadd.s32 v4, v11;
	[tilespmem:v10+s16+$0x0] =	vst.idx.add.f32.msk $0xffff, v14  }
0x485: {  	v14 =	vshll.u32 v9, $0x3;
	v10 =	vld [tilespmem:s23+$0xC30]  }
0x486: {  	v48 =	vld [tilespmem:s22+$0x7C30];
	v9 =	vand.u32 $0x7F, v9;
	v14 =	vand.u32 $0xFFFFFC00, v14  }
0x487: {  	v15 =	vld [tilespmem:s20+$0x7C30];
	v9 =	vor.u32 v9, v14;
	v14 =	vand.u32 $0x7F, v13;
	v13 =	vshll.u32 v13, $0x3  }
0x488: {  	v49 =	vld [tilespmem:s23+$0x7C30];
	v13 =	vand.u32 $0xFFFFFC00, v13;
	v9 =	vadd.s32 v4, v9;
	v50 =	vshll.u32 v12, $0x3  }
0x489: {  	[tilespmem:v11+s16+$0x0] =	vst.idx.add.f32.msk $0xffff, v19;
	v11 =	vor.u32 v14, v13;
	v12 =	vand.u32 $0x7F, v12;
	v13 =	vand.u32 $0xFFFFFC00, v50  }
0x48a: {  	v14 =	vshll.u32 v10, $0x3;
	v51 =	vld [tilespmem:s21+$0xC40];
	v11 =	vadd.s32 v4, v11;
	v12 =	vor.u32 v12, v13  }
0x48b: {  	v10 =	vand.u32 $0x7F, v10;
	v13 =	vand.u32 $0xFFFFFC00, v14;
	v14 =	vld [tilespmem:s24+$0x7C50];
	v12 =	vadd.s32 v6, v12  }
0x48c: {  	v10 =	vor.u32 v10, v13;
	v13 =	vld [tilespmem:s21+$0x7C40]  }
0x48d: {  	[tilespmem:v9+s16+$0x0] =	vst.idx.add.f32.msk $0xffff, v15;
	v10 =	vadd.s32 v4, v10  }
0x48e: {  	v9 =	vld [tilespmem:s20+$0xC40]  }
0x48f: {  	v15 =	vshll.u32 v51, $0x3;
	[tilespmem:v11+s16+$0x0] =	vst.idx.add.f32.msk $0xffff, v48  }
0x490: {  	v11 =	vand.u32 $0x7F, v51;
	v15 =	vand.u32 $0xFFFFFC00, v15;
	[tilespmem:v12+s16+$0x0] =	vst.idx.add.f32.msk $0xffff, v14  }
0x491: {  	v11 =	vor.u32 v11, v15;
	v12 =	vld [tilespmem:s24+$0xC60]  }
0x492: {  	[tilespmem:v10+s16+$0x0] =	vst.idx.add.f32.msk $0xffff, v49;
	v10 =	vadd.s32 v5, v11  }
0x493: {  	v11 =	vld [tilespmem:s22+$0xC40]  }
0x494: {  	v14 =	vshll.u32 v9, $0x3  }
0x495: {  	v9 =	vand.u32 $0x7F, v9;
	v15 =	vld [tilespmem:s23+$0xC40];
	v14 =	vand.u32 $0xFFFFFC00, v14  }
0x496: {  	v52 =	vld [tilespmem:s20+$0x7C40];
	v9 =	vor.u32 v9, v14  }
0x497: {  	v9 =	vadd.s32 v5, v9;
	v53 =	vshll.u32 v12, $0x3;
	[tilespmem:v10+s16+$0x0] =	vst.idx.add.f32.msk $0xffff, v13;
	v10 =	vand.u32 $0x7F, v12  }
0x498: {  	v55 =	vld [tilespmem:s24+$0x7C60];
	v13 =	vand.u32 $0x7F, v11;
	v11 =	vshll.u32 v11, $0x3;
	v12 =	vand.u32 $0xFFFFFC00, v53  }
0x499: {  	v56 =	vld [tilespmem:s23+$0x7C40];
	v11 =	vand.u32 $0xFFFFFC00, v11;
	v10 =	vor.u32 v10, v12  }
0x49a: {  	v14 =	vld [tilespmem:s22+$0x7C40];
	v12 =	vshll.u32 v15, $0x3;
	v11 =	vor.u32 v13, v11;
	v10 =	vadd.s32 v7, v10  }
0x49b: {  	v54 =	vld [tilespmem:s21+$0xC50];
	v13 =	vand.u32 $0x7F, v15;
	v12 =	vand.u32 $0xFFFFFC00, v12;
	v11 =	vadd.s32 v5, v11  }
0x49c: {  	[tilespmem:v9+s16+$0x0] =	vst.idx.add.f32.msk $0xffff, v52;
	v12 =	vor.u32 v13, v12  }
0x49d: {  	v9 =	vadd.s32 v5, v12;
	v12 =	vld [tilespmem:s20+$0xC50]  }
0x49e: {  	v13 =	vld [tilespmem:s21+$0x7C50]  }
0x49f: {  	[tilespmem:v10+s16+$0x0] =	vst.idx.add.f32.msk $0xffff, v55  }
0x4a0: {  	v15 =	vshll.u32 v54, $0x3;
	[tilespmem:v11+s16+$0x0] =	vst.idx.add.f32.msk $0xffff, v14  }
0x4a1: {  	v15 =	vand.u32 $0xFFFFFC00, v15;
	v10 =	vand.u32 $0x7F, v54;
	v57 =	vld [tilespmem:s24+$0xC70]  }
0x4a2: {  	v10 =	vor.u32 v10, v15;
	v11 =	vshll.u32 v12, $0x3;
	[tilespmem:v9+s16+$0x0] =	vst.idx.add.f32.msk $0xffff, v56  }
0x4a3: {  	v10 =	vadd.s32 v6, v10;
	v9 =	vand.u32 $0x7F, v12;
	v12 =	vld [tilespmem:s22+$0xC50];
	v11 =	vand.u32 $0xFFFFFC00, v11  }
0x4a4: {  	v9 =	vor.u32 v9, v11;
	v11 =	vld [tilespmem:s23+$0xC50]  }
0x4a5: {  	v14 =	vld [tilespmem:s20+$0x7C50];
	v9 =	vadd.s32 v6, v9  }
0x4a6: {  	v15 =	vld [tilespmem:s22+$0x7C50];
	v58 =	vshll.u32 v57, $0x3  }
0x4a7: {  	v59 =	vld [tilespmem:s24+$0x7C70];
	v16 =	vand.u32 $0x7F, v57;
	v17 =	vand.u32 $0xFFFFFC00, v58  }
0x4a8: {  	[tilespmem:v10+s16+$0x0] =	vst.idx.add.f32.msk $0xffff, v13;
	v13 =	vand.u32 $0x7F, v12;
	v12 =	vshll.u32 v12, $0x3;
	v10 =	vor.u32 v16, v17  }
0x4a9: {  	v60 =	vld [tilespmem:s21+$0xC60];
	v17 =	vadd.s32 v8, v10;
	v10 =	vand.u32 $0xFFFFFC00, v12;
	v12 =	vshll.u32 v11, $0x3  }
0x4aa: {  	v11 =	vand.u32 $0x7F, v11;
	[tilespmem:v9+s16+$0x0] =	vst.idx.add.f32.msk $0xffff, v14;
	v9 =	vor.u32 v13, v10;
	v10 =	vand.u32 $0xFFFFFC00, v12  }
0x4ab: {  	v12 =	vld [tilespmem:s20+$0xC60];
	v9 =	vadd.s32 v6, v9;
	v10 =	vor.u32 v11, v10  }
0x4ac: {  	v13 =	vld [tilespmem:s23+$0x7C50];
	v14 =	vadd.s32 v6, v10  }
0x4ad: {  	v11 =	vld [tilespmem:s20+$0x7C60]  }
0x4ae: {  	v10 =	vld [tilespmem:s21+$0x7C60]  }
0x4af: {  	v61 =	vshll.u32 v60, $0x3;
	[tilespmem:v17+s16+$0x0] =	vst.idx.add.f32.msk $0xffff, v59  }
0x4b0: {  	v62 =	vand.u32 $0x7F, v60;
	v16 =	vand.u32 $0xFFFFFC00, v61;
	v63 =	vshll.u32 v12, $0x3;
	[tilespmem:v9+s16+$0x0] =	vst.idx.add.f32.msk $0xffff, v15  }
0x4b1: {  	v9 =	vor.u32 v62, v16;
	v12 =	vand.u32 $0x7F, v12;
	v15 =	vand.u32 $0xFFFFFC00, v63;
	[tilespmem:v14+s16+$0x0] =	vst.idx.add.f32.msk $0xffff, v13  }
0x4b2: {  	s25 =	simm.s32 $0x480;
	s26 =	simm.s32 $0x1200;
	s24 =	simm.s32 $0x0;
	v9 =	vadd.s32 v7, v9;
	v13 =	vor.u32 v12, v15;
	v12 =	vld [tilespmem:s22+$0xC60]  }
.LBB2_16:
0x4b3: {  	s0 =	sadd.s32 $0xFFFFFE00, s26;
	s1 =	sadd.s32 $0xFFFFFF80, s25;
	s24 =	sadd.s32 $0x5, s24;
	v13 =	vadd.s32 v7, v13;
	v14 =	vld [tilespmem:s23+$0xC60]  }
0x4b4: {  	s0 =	sand.u32 $0xF000, s0;
	s1 =	sand.u32 $0x380, s1;
	p0 =	slt.u32 s24, $0x2D;
	v15 =	vld [tilespmem:s22+$0x7C60]  }
0x4b5: {  	s3 =	sadd.s32 $0xFFFFFE00, s25;
	s5 =	sadd.s32 $0xFFFFFA00, s26;
	s28 =	sor.u32 s1, s0;
	v16 =	vld [tilespmem:s23+$0x7C60]  }
0x4b6: {  	s6 =	sadd.s32 $0xFFFFFF00, s25;
	s0 =	sadd.s32 $0xFFFFFE80, s25;
	s1 =	sadd.s32 $0xFFFFFC00, s26;
	v17 =	vld [tilespmem:s28+$0xC00]  }
0x4b7: {  	s10 =	sadd.s32 $0xFFFFF800, s26;
	s3 =	sand.u32 $0x380, s3;
	s5 =	sand.u32 $0xF000, s5;
	[tilespmem:v9+s16+$0x0] =	vst.idx.add.f32.msk $0xffff, v10;
	v9 =	vand.u32 $0x7F, v12;
	v10 =	vshll.u32 v12, $0x3  }
0x4b8: {  	s10 =	sand.u32 $0x7000, s10;
	s11 =	sand.u32 $0x380, s0;
	s1 =	sand.u32 $0xF000, s1;
	[tilespmem:v13+s16+$0x0] =	vst.idx.add.f32.msk $0xffff, v11;
	v10 =	vand.u32 $0xFFFFFC00, v10;
	v11 =	vand.u32 $0x7F, v14;
	v12 =	vshll.u32 v14, $0x3  }
0x4b9: {  	s12 =	sand.u32 $0xF000, s26;
	s30 =	sand.u32 $0x380, s25;
	s6 =	sand.u32 $0x380, s6;
	v13 =	vld [tilespmem:s21+$0xC70];
	v9 =	vor.u32 v9, v10;
	v10 =	vand.u32 $0xFFFFFC00, v12  }
0x4ba: {  	s0 =	sor.u32 s3, s10;
	s31 =	sor.u32 s11, s5;
	s29 =	sor.u32 s6, s1;
	v12 =	vld [tilespmem:s20+$0xC70];
	v9 =	vadd.s32 v7, v9;
	v10 =	vor.u32 v11, v10  }
0x4bb: {  	s30 =	sor.u32 s30, s12;
	v11 =	vld [tilespmem:s0+$0xC00];
	v14 =	vshll.u32 v17, $0x3;
	v10 =	vadd.s32 v7, v10  }
0x4bc: {  	v17 =	vand.u32 $0x7F, v17;
	v18 =	vld [tilespmem:s31+$0xC00];
	v14 =	vand.u32 $0xFFFFFC00, v14  }
0x4bd: {  	v19 =	vld [tilespmem:s29+$0xC00];
	v14 =	vor.u32 v17, v14  }
0x4be: {  	v17 =	vld [tilespmem:s28+$0x7C00];
	v14 =	vadd.s32 v1, v14;
	v20 =	vand.u32 $0x7F, v13;
	v13 =	vshll.u32 v13, $0x3  }
0x4bf: {  	v21 =	vld [tilespmem:s30+$0xC00];
	v13 =	vand.u32 $0xFFFFFC00, v13;
	v22 =	vand.u32 $0x7F, v12;
	v12 =	vshll.u32 v12, $0x3  }
0x4c0: {  	v23 =	vld [tilespmem:s0+$0x7C00];
	v24 =	vand.u32 $0x7F, v11;
	v11 =	vshll.u32 v11, $0x3;
	v12 =	vand.u32 $0xFFFFFC00, v12  }
0x4c1: {  	v11 =	vand.u32 $0xFFFFFC00, v11;
	v25 =	vld [tilespmem:s31+$0x7C00];
	v26 =	vand.u32 $0x7F, v18;
	v18 =	vshll.u32 v18, $0x3  }
0x4c2: {  	v18 =	vand.u32 $0xFFFFFC00, v18;
	v27 =	vld [tilespmem:s29+$0x7C00];
	v28 =	vand.u32 $0x7F, v19;
	v19 =	vshll.u32 v19, $0x3  }
0x4c3: {  	v11 =	vor.u32 v24, v11;
	v18 =	vor.u32 v26, v18;
	v19 =	vand.u32 $0xFFFFFC00, v19;
	[tilespmem:v14+s16+$0x0] =	vst.idx.add.f32.msk $0xffff, v17  }
0x4c4: {  	v14 =	vor.u32 v28, v19;
	v17 =	vld [tilespmem:s28+$0xC10];
	v19 =	vand.u32 $0x7F, v21;
	v21 =	vshll.u32 v21, $0x3  }
0x4c5: {  	v24 =	vadd.s32 v1, v11;
	v18 =	vadd.s32 v1, v18;
	v26 =	vld [tilespmem:s30+$0x7C00];
	v11 =	vand.u32 $0xFFFFFC00, v21  }
0x4c6: {  	v14 =	vadd.s32 v1, v14;
	v11 =	vor.u32 v19, v11;
	[tilespmem:v9+s16+$0x0] =	vst.idx.add.f32.msk $0xffff, v15  }
0x4c7: {  	v9 =	vadd.s32 v1, v11;
	v11 =	vor.u32 v20, v13;
	[tilespmem:v10+s16+$0x0] =	vst.idx.add.f32.msk $0xffff, v16  }
0x4c8: {  	v10 =	vor.u32 v22, v12;
	v11 =	vadd.s32 v8, v11;
	v13 =	vld [tilespmem:s22+$0xC70]  }
0x4c9: {  	v12 =	vadd.s32 v8, v10;
	v15 =	vshll.u32 v17, $0x3;
	v10 =	vld [tilespmem:s23+$0xC70]  }
0x4ca: {  	v16 =	vand.u32 $0x7F, v17;
	[tilespmem:v24+s16+$0x0] =	vst.idx.add.f32.msk $0xffff, v23;
	v15 =	vand.u32 $0xFFFFFC00, v15  }
0x4cb: {  	[tilespmem:v18+s16+$0x0] =	vst.idx.add.f32.msk $0xffff, v25;
	v15 =	vor.u32 v16, v15  }
0x4cc: {  	v16 =	vld [tilespmem:s28+$0x7C10];
	v15 =	vadd.s32 v2, v15  }
0x4cd: {  	[tilespmem:v14+s16+$0x0] =	vst.idx.add.f32.msk $0xffff, v27;
	v14 =	vand.u32 $0x7F, v13;
	v13 =	vshll.u32 v13, $0x3  }
0x4ce: {  	[tilespmem:v9+s16+$0x0] =	vst.idx.add.f32.msk $0xffff, v26;
	v9 =	vand.u32 $0xFFFFFC00, v13;
	v13 =	vand.u32 $0x7F, v10;
	v10 =	vshll.u32 v10, $0x3  }
0x4cf: {  	v17 =	vld [tilespmem:s0+$0xC10];
	v9 =	vor.u32 v14, v9;
	v14 =	vand.u32 $0xFFFFFC00, v10  }
0x4d0: {  	v18 =	vld [tilespmem:s31+$0xC10];
	v10 =	vadd.s32 v8, v9;
	v9 =	vor.u32 v13, v14  }
0x4d1: {  	[tilespmem:v15+s16+$0x0] =	vst.idx.add.f32.msk $0xffff, v16;
	v9 =	vadd.s32 v8, v9  }
0x4d2: {  	v13 =	vld [tilespmem:s28+$0xC20]  }
0x4d3: {  	v15 =	vld [tilespmem:s29+$0xC10]  }
0x4d4: {  	v14 =	vand.u32 $0x7F, v17;
	v16 =	vshll.u32 v17, $0x3;
	v17 =	vld [tilespmem:s30+$0xC10]  }
0x4d5: {  	v19 =	vld [tilespmem:s0+$0x7C10];
	v16 =	vand.u32 $0xFFFFFC00, v16;
	v20 =	vand.u32 $0x7F, v18;
	v18 =	vshll.u32 v18, $0x3  }
0x4d6: {  	v14 =	vor.u32 v14, v16;
	v16 =	vld [tilespmem:s31+$0x7C10];
	v18 =	vand.u32 $0xFFFFFC00, v18  }
0x4d7: {  	v21 =	vadd.s32 v2, v14;
	v18 =	vor.u32 v20, v18;
	v20 =	vld [tilespmem:s29+$0x7C10];
	v14 =	vshll.u32 v13, $0x3  }
0x4d8: {  	v13 =	vand.u32 $0x7F, v13;
	v22 =	vshll.u32 v15, $0x3;
	v14 =	vand.u32 $0xFFFFFC00, v14;
	v23 =	vld [tilespmem:s30+$0x7C10]  }
0x4d9: {  	v22 =	vand.u32 $0xFFFFFC00, v22;
	v13 =	vor.u32 v13, v14;
	v24 =	vshll.u32 v17, $0x3;
	v14 =	vld [tilespmem:s21+$0x7C70];
	s21 =	smov.u32 s0  }
0x4da: {  	v15 =	vand.u32 $0x7F, v15;
	v25 =	vld [tilespmem:s28+$0x7C20];
	v13 =	vadd.s32 v3, v13;
	v24 =	vand.u32 $0xFFFFFC00, v24  }
0x4db: {  	v18 =	vadd.s32 v2, v18;
	v17 =	vand.u32 $0x7F, v17;
	v22 =	vor.u32 v15, v22;
	v15 =	vld [tilespmem:s20+$0x7C70];
	s20 =	smov.u32 s31  }
0x4dc: {  	v17 =	vor.u32 v17, v24;
	[tilespmem:v21+s16+$0x0] =	vst.idx.add.f32.msk $0xffff, v19;
	v19 =	vadd.s32 v2, v22  }
0x4dd: {  	v17 =	vadd.s32 v2, v17;
	v21 =	vld [tilespmem:s21+$0xC20]  }
0x4de: {  	v22 =	vld [tilespmem:s21+$0x7C20]  }
0x4df: {  	[tilespmem:v13+s16+$0x0] =	vst.idx.add.f32.msk $0xffff, v25  }
0x4e0: {  	v13 =	vld [tilespmem:s28+$0xC30]  }
0x4e1: {  	[tilespmem:v18+s16+$0x0] =	vst.idx.add.f32.msk $0xffff, v16  }
0x4e2: {  	v16 =	vand.u32 $0x7F, v21;
	v18 =	vshll.u32 v21, $0x3;
	[tilespmem:v19+s16+$0x0] =	vst.idx.add.f32.msk $0xffff, v20  }
0x4e3: {  	v18 =	vand.u32 $0xFFFFFC00, v18;
	[tilespmem:v17+s16+$0x0] =	vst.idx.add.f32.msk $0xffff, v23  }
0x4e4: {  	v16 =	vor.u32 v16, v18;
	v17 =	vld [tilespmem:s20+$0xC20]  }
0x4e5: {  	v16 =	vadd.s32 v3, v16;
	v18 =	vld [tilespmem:s29+$0xC20];
	v19 =	vshll.u32 v13, $0x3  }
0x4e6: {  	v13 =	vand.u32 $0x7F, v13;
	v19 =	vand.u32 $0xFFFFFC00, v19;
	v20 =	vld [tilespmem:s30+$0xC20]  }
0x4e7: {  	v21 =	vld [tilespmem:s20+$0x7C20];
	v13 =	vor.u32 v13, v19  }
0x4e8: {  	v19 =	vld [tilespmem:s28+$0x7C30];
	v13 =	vadd.s32 v4, v13  }
0x4e9: {  	v23 =	vand.u32 $0x7F, v17;
	v17 =	vshll.u32 v17, $0x3;
	v24 =	vld [tilespmem:s29+$0x7C20]  }
0x4ea: {  	v17 =	vand.u32 $0xFFFFFC00, v17;
	v25 =	vand.u32 $0x7F, v18;
	v18 =	vshll.u32 v18, $0x3;
	v26 =	vld [tilespmem:s30+$0x7C20]  }
0x4eb: {  	[tilespmem:v16+s16+$0x0] =	vst.idx.add.f32.msk $0xffff, v22;
	v16 =	vand.u32 $0xFFFFFC00, v18;
	v18 =	vand.u32 $0x7F, v20;
	v20 =	vshll.u32 v20, $0x3  }
0x4ec: {  	v17 =	vor.u32 v23, v17;
	v22 =	vld [tilespmem:s21+$0xC30];
	v16 =	vor.u32 v25, v16;
	v20 =	vand.u32 $0xFFFFFC00, v20  }
0x4ed: {  	v17 =	vadd.s32 v3, v17;
	[tilespmem:v13+s16+$0x0] =	vst.idx.add.f32.msk $0xffff, v19;
	v13 =	vor.u32 v18, v20  }
0x4ee: {  	v16 =	vadd.s32 v3, v16;
	v18 =	vld [tilespmem:s28+$0xC40];
	v19 =	vadd.s32 v3, v13  }
0x4ef: {  	v20 =	vld [tilespmem:s21+$0x7C30]  }
0x4f0: {  	v23 =	vld [tilespmem:s22+$0x7C70];
	s22 =	smov.u32 s29  }
0x4f1: {  	v25 =	vand.u32 $0x7F, v22;
	v22 =	vshll.u32 v22, $0x3;
	v13 =	vld [tilespmem:s23+$0x7C70];
	s23 =	smov.u32 s30  }
0x4f2: {  	v22 =	vand.u32 $0xFFFFFC00, v22;
	[tilespmem:v17+s16+$0x0] =	vst.idx.add.f32.msk $0xffff, v21  }
0x4f3: {  	v17 =	vor.u32 v25, v22;
	[tilespmem:v16+s16+$0x0] =	vst.idx.add.f32.msk $0xffff, v24;
	v16 =	vshll.u32 v18, $0x3  }
0x4f4: {  	v18 =	vand.u32 $0x7F, v18;
	v17 =	vadd.s32 v4, v17;
	v16 =	vand.u32 $0xFFFFFC00, v16;
	[tilespmem:v19+s16+$0x0] =	vst.idx.add.f32.msk $0xffff, v26  }
0x4f5: {  	v19 =	vld [tilespmem:s20+$0xC30];
	v16 =	vor.u32 v18, v16  }
0x4f6: {  	v18 =	vld [tilespmem:s28+$0x7C40];
	v16 =	vadd.s32 v5, v16  }
0x4f7: {  	v21 =	vld [tilespmem:s22+$0xC30]  }
0x4f8: {  	v22 =	vld [tilespmem:s23+$0xC30]  }
0x4f9: {  	v24 =	vld [tilespmem:s20+$0x7C30]  }
0x4fa: {  	v25 =	vand.u32 $0x7F, v19;
	v19 =	vshll.u32 v19, $0x3;
	v26 =	vld [tilespmem:s22+$0x7C30]  }
0x4fb: {  	v19 =	vand.u32 $0xFFFFFC00, v19;
	[tilespmem:v16+s16+$0x0] =	vst.idx.add.f32.msk $0xffff, v18  }
0x4fc: {  	v16 =	vor.u32 v25, v19;
	v18 =	vand.u32 $0x7F, v21;
	v19 =	vshll.u32 v21, $0x3;
	v21 =	vld [tilespmem:s28+$0xC50]  }
0x4fd: {  	v19 =	vand.u32 $0xFFFFFC00, v19;
	v25 =	vld [tilespmem:s23+$0x7C30];
	v27 =	vand.u32 $0x7F, v22;
	v22 =	vshll.u32 v22, $0x3  }
0x4fe: {  	v16 =	vadd.s32 v4, v16;
	[tilespmem:v17+s16+$0x0] =	vst.idx.add.f32.msk $0xffff, v20;
	v17 =	vor.u32 v18, v19;
	v18 =	vand.u32 $0xFFFFFC00, v22  }
0x4ff: {  	v19 =	vld [tilespmem:s21+$0xC40];
	v17 =	vadd.s32 v4, v17;
	v18 =	vor.u32 v27, v18  }
0x500: {  	v20 =	vld [tilespmem:s21+$0x7C40];
	v18 =	vadd.s32 v4, v18  }
0x501: {  	v22 =	vshll.u32 v21, $0x3;
	[tilespmem:v11+s16+$0x0] =	vst.idx.add.f32.msk $0xffff, v14  }
0x502: {  	v11 =	vand.u32 $0x7F, v21;
	v14 =	vand.u32 $0xFFFFFC00, v22;
	[tilespmem:v12+s16+$0x0] =	vst.idx.add.f32.msk $0xffff, v15  }
0x503: {  	[tilespmem:v16+s16+$0x0] =	vst.idx.add.f32.msk $0xffff, v24;
	v11 =	vor.u32 v11, v14  }
0x504: {  	v12 =	vand.u32 $0x7F, v19;
	v14 =	vshll.u32 v19, $0x3;
	v15 =	vld [tilespmem:s28+$0x7C50];
	v11 =	vadd.s32 v6, v11  }
0x505: {  	v14 =	vand.u32 $0xFFFFFC00, v14;
	[tilespmem:v17+s16+$0x0] =	vst.idx.add.f32.msk $0xffff, v26  }
0x506: {  	v12 =	vor.u32 v12, v14;
	[tilespmem:v18+s16+$0x0] =	vst.idx.add.f32.msk $0xffff, v25  }
0x507: {  	v12 =	vadd.s32 v5, v12;
	v14 =	vld [tilespmem:s20+$0xC40]  }
0x508: {  	v16 =	vld [tilespmem:s22+$0xC40]  }
0x509: {  	[tilespmem:v11+s16+$0x0] =	vst.idx.add.f32.msk $0xffff, v15  }
0x50a: {  	v11 =	vld [tilespmem:s28+$0xC60]  }
0x50b: {  	v15 =	vld [tilespmem:s23+$0xC40]  }
0x50c: {  	v17 =	vld [tilespmem:s20+$0x7C40];
	v18 =	vand.u32 $0x7F, v14;
	v14 =	vshll.u32 v14, $0x3  }
0x50d: {  	v14 =	vand.u32 $0xFFFFFC00, v14;
	v19 =	vld [tilespmem:s22+$0x7C40];
	v21 =	vand.u32 $0x7F, v16;
	v16 =	vshll.u32 v16, $0x3  }
0x50e: {  	v14 =	vor.u32 v18, v14;
	v16 =	vand.u32 $0xFFFFFC00, v16;
	v18 =	vld [tilespmem:s23+$0x7C40]  }
0x50f: {  	[tilespmem:v12+s16+$0x0] =	vst.idx.add.f32.msk $0xffff, v20;
	v12 =	vadd.s32 v5, v14;
	v14 =	vor.u32 v21, v16;
	v16 =	vshll.u32 v11, $0x3  }
0x510: {  	v11 =	vand.u32 $0x7F, v11;
	v20 =	vld [tilespmem:s21+$0xC50];
	v16 =	vand.u32 $0xFFFFFC00, v16;
	v21 =	vshll.u32 v15, $0x3  }
0x511: {  	v15 =	vand.u32 $0x7F, v15;
	v22 =	vld [tilespmem:s21+$0x7C50];
	v11 =	vor.u32 v11, v16;
	v16 =	vand.u32 $0xFFFFFC00, v21  }
0x512: {  	v14 =	vadd.s32 v5, v14;
	v21 =	vld [tilespmem:s28+$0x7C60];
	v11 =	vadd.s32 v7, v11;
	v15 =	vor.u32 v15, v16  }
0x513: {  	v15 =	vadd.s32 v5, v15;
	[tilespmem:v10+s16+$0x0] =	vst.idx.add.f32.msk $0xffff, v23  }
0x514: {  	[tilespmem:v12+s16+$0x0] =	vst.idx.add.f32.msk $0xffff, v17  }
0x515: {  	v10 =	vand.u32 $0x7F, v20;
	v12 =	vshll.u32 v20, $0x3;
	v16 =	vld [tilespmem:s20+$0xC50]  }
0x516: {  	v12 =	vand.u32 $0xFFFFFC00, v12;
	v17 =	vld [tilespmem:s20+$0x7C50]  }
0x517: {  	v10 =	vor.u32 v10, v12;
	[tilespmem:v11+s16+$0x0] =	vst.idx.add.f32.msk $0xffff, v21  }
0x518: {  	v10 =	vadd.s32 v6, v10;
	v11 =	vld [tilespmem:s28+$0xC70]  }
0x519: {  	[tilespmem:v14+s16+$0x0] =	vst.idx.add.f32.msk $0xffff, v19  }
0x51a: {  	v12 =	vand.u32 $0x7F, v16;
	v14 =	vshll.u32 v16, $0x3;
	[tilespmem:v15+s16+$0x0] =	vst.idx.add.f32.msk $0xffff, v18  }
0x51b: {  	v14 =	vand.u32 $0xFFFFFC00, v14;
	v15 =	vld [tilespmem:s22+$0xC50]  }
0x51c: {  	v12 =	vor.u32 v12, v14;
	v14 =	vld [tilespmem:s23+$0xC50]  }
0x51d: {  	v12 =	vadd.s32 v6, v12;
	v16 =	vld [tilespmem:s22+$0x7C50];
	v18 =	vshll.u32 v11, $0x3  }
0x51e: {  	v11 =	vand.u32 $0x7F, v11;
	v18 =	vand.u32 $0xFFFFFC00, v18;
	v19 =	vld [tilespmem:s23+$0x7C50]  }
0x51f: {  	[tilespmem:v10+s16+$0x0] =	vst.idx.add.f32.msk $0xffff, v22;
	v10 =	vor.u32 v11, v18  }
0x520: {  	v11 =	vand.u32 $0x7F, v15;
	v15 =	vshll.u32 v15, $0x3;
	v18 =	vld [tilespmem:s28+$0x7C70];
	v20 =	vadd.s32 v8, v10  }
0x521: {  	v21 =	vld [tilespmem:s21+$0xC60];
	v10 =	vand.u32 $0xFFFFFC00, v15;
	v15 =	vand.u32 $0x7F, v14;
	v14 =	vshll.u32 v14, $0x3  }
0x522: {  	[tilespmem:v12+s16+$0x0] =	vst.idx.add.f32.msk $0xffff, v17;
	v10 =	vor.u32 v11, v10;
	v11 =	vand.u32 $0xFFFFFC00, v14  }
0x523: {  	v12 =	vld [tilespmem:s20+$0xC60];
	v14 =	vadd.s32 v6, v10;
	v11 =	vor.u32 v15, v11  }
0x524: {  	v10 =	vld [tilespmem:s21+$0x7C60];
	v15 =	vadd.s32 v6, v11  }
0x525: {  	[tilespmem:v20+s16+$0x0] =	vst.idx.add.f32.msk $0xffff, v18  }
.Ltmp7:
0x526: {  	v17 =	vand.u32 $0x7F, v21;
	v18 =	vshll.u32 v21, $0x3;
	v11 =	vld [tilespmem:s20+$0x7C60];
	(pc) =	sbr.rel @p0 .LBB2_16-.Ltmp7, $4  }
0x527: {  	v18 =	vand.u32 $0xFFFFFC00, v18;
	[tilespmem:v9+s16+$0x0] =	vst.idx.add.f32.msk $0xffff, v13  }
0x528: {  	v9 =	vor.u32 v17, v18;
	v13 =	vand.u32 $0x7F, v12;
	v12 =	vshll.u32 v12, $0x3;
	[tilespmem:v14+s16+$0x0] =	vst.idx.add.f32.msk $0xffff, v16  }
0x529: {  	v9 =	vadd.s32 v7, v9;
	v12 =	vand.u32 $0xFFFFFC00, v12;
	[tilespmem:v15+s16+$0x0] =	vst.idx.add.f32.msk $0xffff, v19  }
0x52a: {  	s25 =	sadd.s32 $0x280, s25;
	s26 =	sadd.s32 $0xA00, s26;
	v13 =	vor.u32 v13, v12;
	v12 =	vld [tilespmem:s22+$0xC60]  }
0x52b: {  	v14 =	vld [tilespmem:s23+$0xC60];
	_ =	sdelay $0x3  }
0x52c: {  	v13 =	vadd.s32 v7, v13;
	v15 =	vshll.u32 v12, $0x3  }
0x52d: {  	v52 =	vand.u32 $0x7F, v12;
	v15 =	vand.u32 $0xFFFFFC00, v15;
	v16 =	vshll.u32 v14, $0x3  }
0x52e: {  	v53 =	vld [tilespmem:s22+$0x7C60];
	v14 =	vand.u32 $0x7F, v14;
	v12 =	vor.u32 v52, v15;
	v16 =	vand.u32 $0xFFFFFC00, v16  }
0x52f: {  	v54 =	vld [tilespmem:s23+$0x7C60];
	v14 =	vor.u32 v14, v16;
	v12 =	vadd.s32 v7, v12  }
0x530: {  	[tilespmem:v9+s16+$0x0] =	vst.idx.add.f32.msk $0xffff, v10;
	v9 =	vadd.s32 v7, v14  }
0x531: {  	v10 =	vld [tilespmem:s21+$0xC70]  }
0x532: {  	[tilespmem:v13+s16+$0x0] =	vst.idx.add.f32.msk $0xffff, v11  }
0x533: {  	v11 =	vld [tilespmem:s20+$0xC70]  }
0x534: {  	[tilespmem:v12+s16+$0x0] =	vst.idx.add.f32.msk $0xffff, v53  }
0x535: {  	[tilespmem:v9+s16+$0x0] =	vst.idx.add.f32.msk $0xffff, v54  }
0x536: {  	v9 =	vld [tilespmem:s22+$0xC70]  }
0x537: {  	v55 =	vld [tilespmem:s23+$0xC70]  }
0x538: {  	v56 =	vand.u32 $0x7F, v10;
	v10 =	vshll.u32 v10, $0x3;
	v57 =	vshll.u32 v11, $0x3  }
0x539: {  	v10 =	vand.u32 $0xFFFFFC00, v10;
	v11 =	vand.u32 $0x7F, v11;
	v14 =	vand.u32 $0xFFFFFC00, v57  }
0x53a: {  	v10 =	vor.u32 v56, v10;
	v11 =	vor.u32 v11, v14  }
0x53b: {  	v10 =	vadd.s32 v8, v10;
	v11 =	vadd.s32 v8, v11;
	v58 =	vshll.u32 v9, $0x3  }
0x53c: {  	v60 =	vld [tilespmem:s21+$0x7C70];
	v9 =	vand.u32 $0x7F, v9;
	v13 =	vand.u32 $0xFFFFFC00, v58;
	v59 =	vshll.u32 v55, $0x3  }
0x53d: {  	v62 =	vld [tilespmem:s20+$0x7C70];
	v12 =	vand.u32 $0x7F, v55;
	v9 =	vor.u32 v9, v13;
	v61 =	vand.u32 $0xFFFFFC00, v59  }
0x53e: {  	v63 =	vld [tilespmem:s22+$0x7C70];
	v9 =	vadd.s32 v8, v9;
	v12 =	vor.u32 v12, v61  }
0x53f: {  	v16 =	vld [tilespmem:s23+$0x7C70];
	v12 =	vadd.s32 v8, v12;
	_ =	sdelay $0x1  }
0x540: {  	[tilespmem:v10+s16+$0x0] =	vst.idx.add.f32.msk $0xffff, v60  }
0x541: {  	[tilespmem:v11+s16+$0x0] =	vst.idx.add.f32.msk $0xffff, v62  }
0x542: {  	[tilespmem:v9+s16+$0x0] =	vst.idx.add.f32.msk $0xffff, v63  }
0x543: {  	s19 =	sadd.s32 $0x1, s19;
	[tilespmem:v12+s16+$0x0] =	vst.idx.add.f32.msk $0xffff, v16  }
0x544: {  	[hbm4b:s8+s2] =	stream.linear.scatter [tilespmem:s16], [sflag:$0x2], $0x8000, $0x38;
	[tilespmem:$0x1E000] =	vst v63  }
0x545: {  	p0 =	sne.s32 s19, s9;
	_ =	swait.ge [sflag:s17], $0x8000  }
.Ltmp8:
0x546: {  	[sflag:s17] =	ssyncset.done $0x0;
	(pc) =	sbr.rel @p0 .LBB2_1-.Ltmp8, $4  }
0x547: {  	[sflag:s17] =	ssyncadd.s32 $0xFFFF8000  }
0x548: {  	_ =	swait.ge [sflag:s18], $0x8000  }
0x549: {  	[sflag:s18] =	ssyncset.done $0x0  }
0x54a: {  	[sflag:s18] =	ssyncadd.s32 $0xFFFF8000  }
0x54b: {  	_ =	sfence.sel $0x180000  }
0x54c: {  	[bflag:$0x0] =	sbarrier.arrive $0xFFFF  }
0x54d: {  	_ =	strace $0x90000047  }
0x54e: {  	s0 =	stileid.u32;
	[bflag:$0x2] =	sbarrier.arrive $0xFFFF  }
0x54f: {  	p0 =	sne.s32 s0, $0x0;
	s0 =	rddreg [dreg:$0x3]  }
0x550: {  	s0 =	sadd.s32 @!p0 $0x100000, s0  }
0x551: {  	[sflag:s0] =	ssyncadd.tile.s32 @!p0 $0x1;
	_ =	shalt  }
.Lfunc_end2:
_tile_overlayer_lowered:
.L_overlay_start_2:
0x552: {  	(tag) =	ssettag $0x2  }
0x553: {  	s0 =	rddreg [dreg:$0x0];
	s2 =	stileid.u32  }
0x554: {  	s1 =	rddreg [dreg:$0x1];
	p0 =	sne.s32 s2, $0x0  }
0x555: {  	s3 =	rddreg [dreg:$0x2];
	[bflag:$0x3] =	sbarrier.arrive $0xFFFF;
	s2 =	simm.s32 @!p0 $0x1C05  }
0x556: {  	[timem:s3], [sflag:s2] =	dma.local @!p0 [hbm:s0], s1  }
0x557: {  	s0 =	simm.s32 @!p0 $0x5  }
0x558: {  	_ =	swait.ge @!p0 [sflag:s0], s1  }
0x559: {  	s1 =	ssub.s32 @!p0 $0x0, s1;
	[sflag:s0] =	ssyncset.done @!p0 $0x0  }
0x55a: {  	[sflag:s0] =	ssyncadd.s32 @!p0 s1  }
0x55b: {  	[bflag:$0x3] =	sbarrier.arrive $0xFFFF  }
0x55c: {  	_ =	shalt  }

</sc_bundles>
